<compile_context>
chip_gen: v7x
topology: tpu7x:2x2x1
jax: 0.10.2.dev20260603
libtpu: 0.0.44.dev20260713+nightly
codegen_flags: <defaults>
</compile_context>

<pallas_src>
import jax
import jax.numpy as jnp
from jax import lax
from jax.experimental import pallas as pl

NG = 4762
NC = 847
D = 256
E_DEC = 200000


def _tc_pre_body(gene_ref, cell_ref, wg_ref, wc_ref, dog_ref, doc_ref,
                 xg_ref, xc_ref):
    sg = lax.rsqrt(jnp.maximum(dog_ref[...], 1.0))
    xg_ref[...] = jnp.dot(gene_ref[...] * sg[:, None], wg_ref[...],
                          preferred_element_type=jnp.float32)
    sc = lax.rsqrt(jnp.maximum(doc_ref[...], 1.0))
    xc_ref[...] = jnp.dot(cell_ref[...] * sc[:, None], wc_ref[...],
                          preferred_element_type=jnp.float32)


def _tc_post_body(aggc_ref, aggg_ref, dic_ref, dig_ref, bgc_ref, bcg_ref,
                  wp_ref, bp_ref, hc_ref, hg_ref, sc_ref, sg_ref):
    ric = lax.rsqrt(jnp.maximum(dic_ref[...], 1.0))
    h_c = jnp.maximum(aggc_ref[...] * ric[:, None] + bgc_ref[...], 0.0)
    hc_ref[...] = h_c
    sc_ref[...] = jnp.dot(h_c, wp_ref[D:, :],
                          preferred_element_type=jnp.float32) + bp_ref[...]
    rig = lax.rsqrt(jnp.maximum(dig_ref[...], 1.0))
    h_g = jnp.maximum(aggg_ref[...] * rig[:, None] + bcg_ref[...], 0.0)
    hg_ref[...] = h_g
    sg_ref[...] = jnp.dot(h_g, wp_ref[:D, :],
                          preferred_element_type=jnp.float32)


def kernel(enc_g2c_src, enc_g2c_dst, enc_c2g_src, enc_c2g_dst, dec_src,
           dec_dst, gene_emb, cell_emb, W_g2c, b_g2c, W_c2g, b_c2g, Wp, bp):
    dog = jnp.bincount(enc_g2c_src, length=NG).astype(jnp.float32)
    dic = jnp.bincount(enc_g2c_dst, length=NC).astype(jnp.float32)
    doc = jnp.bincount(enc_c2g_src, length=NC).astype(jnp.float32)
    dig = jnp.bincount(enc_c2g_dst, length=NG).astype(jnp.float32)

    xg, xc = pl.pallas_call(
        _tc_pre_body,
        out_shape=(jax.ShapeDtypeStruct((NG, D), jnp.float32),
                   jax.ShapeDtypeStruct((NC, D), jnp.float32)),
    )(gene_emb, cell_emb, W_g2c, W_c2g, dog, doc)

    aggc = jnp.zeros((NC, D), jnp.float32).at[enc_g2c_dst].add(
        jnp.take(xg, enc_g2c_src, axis=0))
    aggg = jnp.zeros((NG, D), jnp.float32).at[enc_c2g_dst].add(
        jnp.take(xc, enc_c2g_src, axis=0))

    h_cell, h_gene, sc_t, sg_t = pl.pallas_call(
        _tc_post_body,
        out_shape=(jax.ShapeDtypeStruct((NC, D), jnp.float32),
                   jax.ShapeDtypeStruct((NG, D), jnp.float32),
                   jax.ShapeDtypeStruct((NC, 1), jnp.float32),
                   jax.ShapeDtypeStruct((NG, 1), jnp.float32)),
    )(aggc, aggg, dic, dig, b_g2c.reshape(1, D), b_c2g.reshape(1, D),
      Wp, bp.reshape(1, 1))

    score = (sg_t[:, 0][dec_src] + sc_t[:, 0][dec_dst])[:, None]
    return (score, h_gene, h_cell)

# --- scband reference (transcript-rebuilt; emitter-appended) ---
"""Pipeline reference for scband-rgcn-7739531067737 (READ-ONLY COPY).

The authoritative reference and input builder live on the scoring server;
editing this copy changes nothing except your own understanding.
"""

import jax, jax.numpy as jnp
import numpy as np

NG = 4762   # genes (hard-coded nn.Embedding(4762, 256))
NC = 847    # cells (hard-coded nn.Embedding(847, 256))
D = 256
E_ENC = 150000
E_DEC = 200000


def setup_inputs(seed: int = 0) -> dict:
    key = jax.random.key(seed)
    ks = jax.random.split(key, 16)
    inp = {
        # encoder graph: relation gene2cell (src=gene, dst=cell)
        "enc_g2c_src": jax.random.randint(ks[0], (E_ENC,), 0, NG),
        "enc_g2c_dst": jax.random.randint(ks[1], (E_ENC,), 0, NC),
        # encoder graph: relation cell2gene (src=cell, dst=gene)
        "enc_c2g_src": jax.random.randint(ks[2], (E_ENC,), 0, NC),
        "enc_c2g_dst": jax.random.randint(ks[3], (E_ENC,), 0, NG),
        # decoder graph edges (src=gene, dst=cell)
        "dec_src": jax.random.randint(ks[4], (E_DEC,), 0, NG),
        "dec_dst": jax.random.randint(ks[5], (E_DEC,), 0, NC),
        # learned parameters
        "gene_emb": jax.random.normal(ks[6], (NG, D), dtype=jnp.float32),
        "cell_emb": jax.random.normal(ks[7], (NC, D), dtype=jnp.float32),
        "W_g2c": jax.random.normal(ks[8], (D, D), dtype=jnp.float32) * 0.05,
        "b_g2c": jnp.zeros((D,), dtype=jnp.float32),
        "W_c2g": jax.random.normal(ks[9], (D, D), dtype=jnp.float32) * 0.05,
        "b_c2g": jnp.zeros((D,), dtype=jnp.float32),
        "Wp": jax.random.normal(ks[10], (2 * D, 1), dtype=jnp.float32) * 0.05,
        "bp": jnp.zeros((1,), dtype=jnp.float32),
    }
    return inp


def _graph_conv(x_src, src, dst, n_src, n_dst, W, b):
    # DGL GraphConv with norm='both': D_dst^{-1/2} A D_src^{-1/2} X W + b
    deg_out = jnp.clip(jnp.bincount(src, length=n_src), 1).astype(x_src.dtype)
    deg_in = jnp.clip(jnp.bincount(dst, length=n_dst), 1).astype(x_src.dtype)
    x = x_src * jax.lax.rsqrt(deg_out)[:, None]
    msg = jnp.take(x, src, axis=0)                      # gather
    agg = jnp.zeros((n_dst, x.shape[1]), x.dtype).at[dst].add(msg)  # scatter-add
    agg = agg * jax.lax.rsqrt(deg_in)[:, None]
    return agg @ W + b


def reference(enc_g2c_src, enc_g2c_dst, enc_c2g_src, enc_c2g_dst,
              dec_src, dec_dst,
              gene_emb, cell_emb, W_g2c, b_g2c, W_c2g, b_c2g, Wp, bp):
    # conv1 = HeteroGraphConv (aggregate='sum'); each ntype receives from one relation
    h_cell = jax.nn.relu(_graph_conv(gene_emb, enc_g2c_src, enc_g2c_dst, NG, NC, W_g2c, b_g2c))
    h_gene = jax.nn.relu(_graph_conv(cell_emb, enc_c2g_src, enc_c2g_dst, NC, NG, W_c2g, b_c2g))
    # HeteroMLPPredictor: score = Linear(cat([h_src, h_dst], 1)) on decoder edges
    e_feat = jnp.concatenate([jnp.take(h_gene, dec_src, axis=0),
                              jnp.take(h_cell, dec_dst, axis=0)], axis=1)
    score = e_feat @ Wp + bp
    return (score, h_gene, h_cell)

if __name__ == "__main__":
    import jax
    _d = setup_inputs()
    print(jax.jit(kernel)(*tuple(_d.values())))

</pallas_src>

<mosaic_0001>
module attributes {stable_mosaic.version = 14 : i64} {
  func.func @_tc_pre_body(%arg0: memref<4762x256xf32, #tpu.memory_space<vmem>>, %arg1: memref<847x256xf32, #tpu.memory_space<vmem>>, %arg2: memref<256x256xf32, #tpu.memory_space<vmem>>, %arg3: memref<256x256xf32, #tpu.memory_space<vmem>>, %arg4: memref<4762xf32, #tpu.memory_space<vmem>>, %arg5: memref<847xf32, #tpu.memory_space<vmem>>, %arg6: memref<4762x256xf32, #tpu.memory_space<vmem>>, %arg7: memref<847x256xf32, #tpu.memory_space<vmem>>) attributes {dimension_semantics = [], scalar_prefetch = 0 : i64, scratch_operands = 0 : i64, tpu.core_type = #tpu.core_type<tc>} {
    %get3A = arith.constant 0 : index
    %get3A_0 = vector.load %arg4[%get3A] : memref<4762xf32, #tpu.memory_space<vmem>>, vector<4762xf32>
    %max3A = arith.constant 1.000000e+00 : f32
    %max3A_1 = vector.broadcast %max3A : f32 to vector<4762xf32>
    %max3A_2 = arith.maximumf %get3A_0, %max3A_1 : vector<4762xf32>
    %rsqrt3A = math.rsqrt %max3A_2 : vector<4762xf32>
    %get3A_3 = arith.constant 0 : index
    %get3A_4 = arith.constant 0 : index
    %get3A_5 = vector.load %arg0[%get3A_3, %get3A_4] : memref<4762x256xf32, #tpu.memory_space<vmem>>, vector<4762x256xf32>
    %broadcast_in_dim3A = vector.shape_cast %rsqrt3A : vector<4762xf32> to vector<4762x1xf32>
    %mul3A = vector.broadcast %broadcast_in_dim3A : vector<4762x1xf32> to vector<4762x256xf32>
    %mul3A_6 = arith.mulf %get3A_5, %mul3A : vector<4762x256xf32>
    %get3A_7 = arith.constant 0 : index
    %get3A_8 = arith.constant 0 : index
    %get3A_9 = vector.load %arg2[%get3A_7, %get3A_8] : memref<256x256xf32, #tpu.memory_space<vmem>>, vector<256x256xf32>
    %dot_general3A = arith.constant dense<0.000000e+00> : vector<4762x256xf32>
    %dot_general3A_10 = tpu.matmul %mul3A_6, %get3A_9, %dot_general3A {dimension_numbers = #tpu.dot_dimension_numbers<[1], [0], [0], [1], [0, 0, 1, 1], [], []>, transpose_lhs_hint = false} : vector<4762x256xf32>, vector<256x256xf32>, vector<4762x256xf32> -> vector<4762x256xf32>
    %swap3A = arith.constant 0 : index
    %swap3A_11 = arith.constant 0 : index
    %swap3A_12 = vector.load %arg6[%swap3A, %swap3A_11] : memref<4762x256xf32, #tpu.memory_space<vmem>>, vector<4762x256xf32>
    tpu.vector_store %arg6[%swap3A, %swap3A_11], %dot_general3A_10 {strides = array<i32>} : memref<4762x256xf32, #tpu.memory_space<vmem>>, vector<4762x256xf32>,
    %get3A_13 = arith.constant 0 : index
    %get3A_14 = vector.load %arg5[%get3A_13] : memref<847xf32, #tpu.memory_space<vmem>>, vector<847xf32>
    %max3A_15 = arith.constant 1.000000e+00 : f32
    %max3A_16 = vector.broadcast %max3A_15 : f32 to vector<847xf32>
    %max3A_17 = arith.maximumf %get3A_14, %max3A_16 : vector<847xf32>
    %rsqrt3A_18 = math.rsqrt %max3A_17 : vector<847xf32>
    %get3A_19 = arith.constant 0 : index
    %get3A_20 = arith.constant 0 : index
    %get3A_21 = vector.load %arg1[%get3A_19, %get3A_20] : memref<847x256xf32, #tpu.memory_space<vmem>>, vector<847x256xf32>
    %broadcast_in_dim3A_22 = vector.shape_cast %rsqrt3A_18 : vector<847xf32> to vector<847x1xf32>
    %mul3A_23 = vector.broadcast %broadcast_in_dim3A_22 : vector<847x1xf32> to vector<847x256xf32>
    %mul3A_24 = arith.mulf %get3A_21, %mul3A_23 : vector<847x256xf32>
    %get3A_25 = arith.constant 0 : index
    %get3A_26 = arith.constant 0 : index
    %get3A_27 = vector.load %arg3[%get3A_25, %get3A_26] : memref<256x256xf32, #tpu.memory_space<vmem>>, vector<256x256xf32>
    %dot_general3A_28 = arith.constant dense<0.000000e+00> : vector<847x256xf32>
    %dot_general3A_29 = tpu.matmul %mul3A_24, %get3A_27, %dot_general3A_28 {dimension_numbers = #tpu.dot_dimension_numbers<[1], [0], [0], [1], [0, 0, 1, 1], [], []>, transpose_lhs_hint = false} : vector<847x256xf32>, vector<256x256xf32>, vector<847x256xf32> -> vector<847x256xf32>
    %swap3A_30 = arith.constant 0 : index
    %swap3A_31 = arith.constant 0 : index
    %swap3A_32 = vector.load %arg7[%swap3A_30, %swap3A_31] : memref<847x256xf32, #tpu.memory_space<vmem>>, vector<847x256xf32>
    tpu.vector_store %arg7[%swap3A_30, %swap3A_31], %dot_general3A_29 {strides = array<i32>} : memref<847x256xf32, #tpu.memory_space<vmem>>, vector<847x256xf32>,
    return
  }
}

module attributes {stable_mosaic.version = 14 : i64} {
  func.func @_tc_post_body(%arg0: memref<847x256xf32, #tpu.memory_space<vmem>>, %arg1: memref<4762x256xf32, #tpu.memory_space<vmem>>, %arg2: memref<847xf32, #tpu.memory_space<vmem>>, %arg3: memref<4762xf32, #tpu.memory_space<vmem>>, %arg4: memref<1x256xf32, #tpu.memory_space<vmem>>, %arg5: memref<1x256xf32, #tpu.memory_space<vmem>>, %arg6: memref<512x1xf32, #tpu.memory_space<vmem>>, %arg7: memref<1x1xf32, #tpu.memory_space<vmem>>, %arg8: memref<847x256xf32, #tpu.memory_space<vmem>>, %arg9: memref<4762x256xf32, #tpu.memory_space<vmem>>, %arg10: memref<847x1xf32, #tpu.memory_space<vmem>>, %arg11: memref<4762x1xf32, #tpu.memory_space<vmem>>) attributes {dimension_semantics = [], scalar_prefetch = 0 : i64, scratch_operands = 0 : i64, tpu.core_type = #tpu.core_type<tc>} {
    %get3A = arith.constant 0 : index
    %get3A_0 = vector.load %arg2[%get3A] : memref<847xf32, #tpu.memory_space<vmem>>, vector<847xf32>
    %max3A = arith.constant 1.000000e+00 : f32
    %max3A_1 = vector.broadcast %max3A : f32 to vector<847xf32>
    %max3A_2 = arith.maximumf %get3A_0, %max3A_1 : vector<847xf32>
    %rsqrt3A = math.rsqrt %max3A_2 : vector<847xf32>
    %get3A_3 = arith.constant 0 : index
    %get3A_4 = arith.constant 0 : index
    %get3A_5 = vector.load %arg0[%get3A_3, %get3A_4] : memref<847x256xf32, #tpu.memory_space<vmem>>, vector<847x256xf32>
    %broadcast_in_dim3A = vector.shape_cast %rsqrt3A : vector<847xf32> to vector<847x1xf32>
    %mul3A = vector.broadcast %broadcast_in_dim3A : vector<847x1xf32> to vector<847x256xf32>
    %mul3A_6 = arith.mulf %get3A_5, %mul3A : vector<847x256xf32>
    %get3A_7 = arith.constant 0 : index
    %get3A_8 = arith.constant 0 : index
    %get3A_9 = vector.load %arg4[%get3A_7, %get3A_8] : memref<1x256xf32, #tpu.memory_space<vmem>>, vector<1x256xf32>
    %add3A = vector.broadcast %get3A_9 : vector<1x256xf32> to vector<847x256xf32>
    %add3A_10 = arith.addf %mul3A_6, %add3A : vector<847x256xf32>
    %max3A_11 = arith.constant 0.000000e+00 : f32
    %max3A_12 = vector.broadcast %max3A_11 : f32 to vector<847x256xf32>
    %max3A_13 = arith.maximumf %add3A_10, %max3A_12 : vector<847x256xf32>
    %swap3A = arith.constant 0 : index
    %swap3A_14 = arith.constant 0 : index
    %swap3A_15 = vector.load %arg8[%swap3A, %swap3A_14] : memref<847x256xf32, #tpu.memory_space<vmem>>, vector<847x256xf32>
    tpu.vector_store %arg8[%swap3A, %swap3A_14], %max3A_13 {strides = array<i32>} : memref<847x256xf32, #tpu.memory_space<vmem>>, vector<847x256xf32>,
    %get3A_16 = arith.constant 256 : index
    %get3A_17 = arith.constant 0 : index
    %get3A_18 = vector.load %arg6[%get3A_16, %get3A_17] : memref<512x1xf32, #tpu.memory_space<vmem>>, vector<256x1xf32>
    %dot_general3A = arith.constant dense<0.000000e+00> : vector<847x1xf32>
    %dot_general3A_19 = tpu.matmul %max3A_13, %get3A_18, %dot_general3A {dimension_numbers = #tpu.dot_dimension_numbers<[1], [0], [0], [1], [0, 0, 1, 1], [], []>, transpose_lhs_hint = false} : vector<847x256xf32>, vector<256x1xf32>, vector<847x1xf32> -> vector<847x1xf32>
    %get3A_20 = arith.constant 0 : index
    %get3A_21 = arith.constant 0 : index
    %get3A_22 = vector.load %arg7[%get3A_20, %get3A_21] : memref<1x1xf32, #tpu.memory_space<vmem>>, vector<1x1xf32>
    %add3A_23 = vector.broadcast %get3A_22 : vector<1x1xf32> to vector<847x1xf32>
    %add3A_24 = arith.addf %dot_general3A_19, %add3A_23 : vector<847x1xf32>
    %swap3A_25 = arith.constant 0 : index
    %swap3A_26 = arith.constant 0 : index
    %swap3A_27 = vector.load %arg10[%swap3A_25, %swap3A_26] : memref<847x1xf32, #tpu.memory_space<vmem>>, vector<847x1xf32>
    tpu.vector_store %arg10[%swap3A_25, %swap3A_26], %add3A_24 {strides = array<i32>} : memref<847x1xf32, #tpu.memory_space<vmem>>, vector<847x1xf32>,
    %get3A_28 = arith.constant 0 : index
    %get3A_29 = vector.load %arg3[%get3A_28] : memref<4762xf32, #tpu.memory_space<vmem>>, vector<4762xf32>
    %max3A_30 = arith.constant 1.000000e+00 : f32
    %max3A_31 = vector.broadcast %max3A_30 : f32 to vector<4762xf32>
    %max3A_32 = arith.maximumf %get3A_29, %max3A_31 : vector<4762xf32>
    %rsqrt3A_33 = math.rsqrt %max3A_32 : vector<4762xf32>
    %get3A_34 = arith.constant 0 : index
    %get3A_35 = arith.constant 0 : index
    %get3A_36 = vector.load %arg1[%get3A_34, %get3A_35] : memref<4762x256xf32, #tpu.memory_space<vmem>>, vector<4762x256xf32>
    %broadcast_in_dim3A_37 = vector.shape_cast %rsqrt3A_33 : vector<4762xf32> to vector<4762x1xf32>
    %mul3A_38 = vector.broadcast %broadcast_in_dim3A_37 : vector<4762x1xf32> to vector<4762x256xf32>
    %mul3A_39 = arith.mulf %get3A_36, %mul3A_38 : vector<4762x256xf32>
    %get3A_40 = arith.constant 0 : index
    %get3A_41 = arith.constant 0 : index
    %get3A_42 = vector.load %arg5[%get3A_40, %get3A_41] : memref<1x256xf32, #tpu.memory_space<vmem>>, vector<1x256xf32>
    %add3A_43 = vector.broadcast %get3A_42 : vector<1x256xf32> to vector<4762x256xf32>
    %add3A_44 = arith.addf %mul3A_39, %add3A_43 : vector<4762x256xf32>
    %max3A_45 = arith.constant 0.000000e+00 : f32
    %max3A_46 = vector.broadcast %max3A_45 : f32 to vector<4762x256xf32>
    %max3A_47 = arith.maximumf %add3A_44, %max3A_46 : vector<4762x256xf32>
    %swap3A_48 = arith.constant 0 : index
    %swap3A_49 = arith.constant 0 : index
    %swap3A_50 = vector.load %arg9[%swap3A_48, %swap3A_49] : memref<4762x256xf32, #tpu.memory_space<vmem>>, vector<4762x256xf32>
    tpu.vector_store %arg9[%swap3A_48, %swap3A_49], %max3A_47 {strides = array<i32>} : memref<4762x256xf32, #tpu.memory_space<vmem>>, vector<4762x256xf32>,
    %get3A_51 = arith.constant 0 : index
    %get3A_52 = arith.constant 0 : index
    %get3A_53 = vector.load %arg6[%get3A_51, %get3A_52] : memref<512x1xf32, #tpu.memory_space<vmem>>, vector<256x1xf32>
    %dot_general3A_54 = arith.constant dense<0.000000e+00> : vector<4762x1xf32>
    %dot_general3A_55 = tpu.matmul %max3A_47, %get3A_53, %dot_general3A_54 {dimension_numbers = #tpu.dot_dimension_numbers<[1], [0], [0], [1], [0, 0, 1, 1], [], []>, transpose_lhs_hint = false} : vector<4762x256xf32>, vector<256x1xf32>, vector<4762x1xf32> -> vector<4762x1xf32>
    %swap3A_56 = arith.constant 0 : index
    %swap3A_57 = arith.constant 0 : index
    %swap3A_58 = vector.load %arg11[%swap3A_56, %swap3A_57] : memref<4762x1xf32, #tpu.memory_space<vmem>>, vector<4762x1xf32>
    tpu.vector_store %arg11[%swap3A_56, %swap3A_57], %dot_general3A_55 {strides = array<i32>} : memref<4762x1xf32, #tpu.memory_space<vmem>>, vector<4762x1xf32>,
    return
  }
}

</mosaic_0001>

<sc_bundles>
// kernel: scatter_offload_async_start.1
scs
__scs_entry_jumppad:
0x0: {  	(pc) =	sbr.rel $0x88, $3  }
0x1: {  	(tag) =	ssettag $0x0;
	lr =	simm.s32 $0x1  }
0x2: {  	[smem:$0x3F93] =	sst lr;
	_ =	strace $0xD0000000  }
0x3: {  	_ = 	snop  }
0x4: {  	_ = 	snop  }
0x5: {  	_ = 	snop  }
0x6: {  	_ = 	snop  }
0x7: {  	_ = 	snop  }
__scs_overlays_trampoline_lowered:
0x8: {  	[smem:$0x3FA2] =	sst s0  }
0x9: {  	[smem:$0x3FA3] =	sst s1  }
0xa: {  	[smem:$0x3FA4] =	sst s2  }
0xb: {  	[smem:$0x3FA5] =	sst s3  }
0xc: {  	[smem:$0x3FA6] =	sst s4  }
0xd: {  	[smem:$0x3FA7] =	sst s5  }
0xe: {  	[smem:$0x3FA8] =	sst s6  }
0xf: {  	[smem:$0x3FA9] =	sst s7  }
0x10: {  	[smem:$0x3FAA] =	sst s8  }
0x11: {  	[smem:$0x3FAB] =	sst s9;
	s0 =	simm.s32 @!p0 $0x0  }
0x12: {  	s1 =	sld [smem:$0x3F91];
	s0 =	simm.s32 @p0 $0x1  }
0x13: {  	[smem:$0x3FAC] =	sst s0;
	s0 =	simm.s32 @!p1 $0x0  }
0x14: {  	s2 =	sld [smem:$0x3F90];
	s0 =	simm.s32 @p1 $0x1  }
0x15: {  	[smem:$0x3FAD] =	sst s0;
	s0 =	simm.s32 @!p2 $0x0  }
0x16: {  	s3 =	sld [smem:$0x3FDB];
	s0 =	simm.s32 @p2 $0x1  }
0x17: {  	s4 =	simm.s32 $0x1BF5;
	[smem:$0x3FAF] =	sst s0  }
0x18: {  	s0 =	sld [smem:$0x3F92];
	_ =	swait.ge [sflag:s4], $0x0  }
0x19: {  	s7 =	sld [smem:$0x3F93]  }
0x1a: {  	s8 =	sadd.s32 $0xFFFFE003, lr  }
0x1b: {  	s9 =	sadd.s32 $0xFFFFFEF7, lr;
	s5 =	simm.s32 $0xFFFFFFFF;
	p2 =	slt.u32 s8, $0xFFFFF086  }
0x1c: {  	p1 =	slt.u32 s9, $0xF7A;
	s5 =	simm.s32 @!p2 $0x0  }
0x1d: {  	s5 =	simm.s32 @p1 $0x1;
	p0 =	seq.s32 s7, s2  }
0x1e: {  	s7 =	smul.u32 @!p0 $0xF7A, s2;
	p2 =	seq.s32 @!p0 s5, $0x0  }
0x1f: {  	s9 =	smul.u32 $0xF7A, s1;
	s8 =	simm.s32 @!p0 $0x1BF5;
	p2 =	por !p2, p0  }
0x20: {  	[sflag:s8] =	ssyncset.s32 @!p0 $0xFFFFF086;
	s6 =	sadd.s32 @!p0 s3, s7;
	s7 =	simm.s32 @!p0 $0x108  }
0x21: {  	s3 =	sadd.s32 s3, s9;
	s6 =	sadd.s32 @!p0 $0x88, s6;
	s7 =	simm.s32 @p2 $0x1082  }
0x22: {  	[simem:s7], [sflag:s8] =	dma.local @!p0 [hbm:s6], $0xF7A  }
0x23: {  	s9 =	sor.u32 $0xD0000000, s2;
	s6 =	simm.s32 $0x108;
	_ =	swait.ge @!p0 [sflag:s8], $0x0  }
0x24: {  	s3 =	sadd.s32 $0x88, s3;
	s6 =	simm.s32 @!p1 $0x1082;
	[sflag:s4] =	ssyncset.s32 $0xFFFFF086  }
0x25: {  	[simem:s6], [sflag:s4] =	dma.local [hbm:s3], $0xF7A  }
0x26: {  	[smem:$0x3F93] =	sst s1;
	(tag) =	ssettag s2;
	_ =	strace s9  }
0x27: {  	s1 =	sld [smem:$0x3FA3]  }
0x28: {  	s2 =	sld [smem:$0x3FA4]  }
0x29: {  	s4 =	sld [smem:$0x3FA6]  }
0x2a: {  	p0 =	seq.s32 s5, $0x0;
	s5 =	sld [smem:$0x3FA7]  }
0x2b: {  	s6 =	sld [smem:$0x3FA8]  }
0x2c: {  	s7 =	sld [smem:$0x3FA9]  }
0x2d: {  	s3 =	simm.s32 $0x108;
	s8 =	sld [smem:$0x3FAA]  }
0x2e: {  	s3 =	simm.s32 @!p0 $0x1082;
	s9 =	sld [smem:$0x3FAB]  }
0x2f: {  	lr =	sadd.s32 s0, s3;
	s0 =	sld [smem:$0x3FA2]  }
0x30: {  	s3 =	sld [smem:$0x3FA5]  }
0x31: {  	[smem:$0x3FAE] =	sst s10  }
0x32: {  	s10 =	sld [smem:$0x3FAC];
	_ =	sdelay $0x3  }
0x33: {  	p0 =	seq.s32 s10, $0x1;
	s10 =	sld [smem:$0x3FAE];
	_ =	sdelay $0x3  }
0x34: {  	[smem:$0x3FAE] =	sst s10  }
0x35: {  	s10 =	sld [smem:$0x3FAD];
	_ =	sdelay $0x3  }
0x36: {  	p1 =	seq.s32 s10, $0x1;
	s10 =	sld [smem:$0x3FAE];
	_ =	sdelay $0x3  }
0x37: {  	[smem:$0x3FAE] =	sst s10  }
0x38: {  	s10 =	sld [smem:$0x3FAF]  }
0x39: {  	_ = 	snop;
	(pc) =	sbr.ind lr, $3  }
0x3a: {  	_ = 	snop  }
0x3b: {  	_ = 	snop  }
0x3c: {  	p2 =	seq.s32 s10, $0x1;
	s10 =	sld [smem:$0x3FAE]  }
0x3d: {  	_ =	shalt  }
0x3e: {  	_ =	shalt  }
0x3f: {  	_ =	shalt  }
0x40: {  	_ =	shalt  }
0x41: {  	_ =	shalt  }
0x42: {  	_ =	shalt  }
0x43: {  	_ =	shalt  }
0x44: {  	_ =	shalt  }
0x45: {  	_ =	shalt  }
0x46: {  	_ =	shalt  }
0x47: {  	_ =	shalt  }
0x48: {  	_ =	shalt  }
0x49: {  	_ =	shalt  }
0x4a: {  	_ =	shalt  }
0x4b: {  	_ =	shalt  }
0x4c: {  	_ =	shalt  }
0x4d: {  	_ =	shalt  }
0x4e: {  	_ =	shalt  }
0x4f: {  	_ =	shalt  }
0x50: {  	_ =	shalt  }
0x51: {  	_ =	shalt  }
0x52: {  	_ =	shalt  }
0x53: {  	_ =	shalt  }
0x54: {  	_ =	shalt  }
0x55: {  	_ =	shalt  }
0x56: {  	_ =	shalt  }
0x57: {  	_ =	shalt  }
0x58: {  	_ =	shalt  }
0x59: {  	_ =	shalt  }
0x5a: {  	_ =	shalt  }
0x5b: {  	_ =	shalt  }
0x5c: {  	_ =	shalt  }
0x5d: {  	_ =	shalt  }
0x5e: {  	_ =	shalt  }
0x5f: {  	_ =	shalt  }
0x60: {  	_ =	shalt  }
0x61: {  	_ =	shalt  }
0x62: {  	_ =	shalt  }
0x63: {  	_ =	shalt  }
0x64: {  	_ =	shalt  }
0x65: {  	_ =	shalt  }
0x66: {  	_ =	shalt  }
0x67: {  	_ =	shalt  }
0x68: {  	_ =	shalt  }
0x69: {  	_ =	shalt  }
0x6a: {  	_ =	shalt  }
0x6b: {  	_ =	shalt  }
0x6c: {  	_ =	shalt  }
0x6d: {  	_ =	shalt  }
0x6e: {  	_ =	shalt  }
0x6f: {  	_ =	shalt  }
0x70: {  	_ =	shalt  }
0x71: {  	_ =	shalt  }
0x72: {  	_ =	shalt  }
0x73: {  	_ =	shalt  }
0x74: {  	_ =	shalt  }
0x75: {  	_ =	shalt  }
0x76: {  	_ =	shalt  }
0x77: {  	_ =	shalt  }
0x78: {  	_ =	shalt  }
0x79: {  	_ =	shalt  }
0x7a: {  	_ =	shalt  }
0x7b: {  	_ =	shalt  }
0x7c: {  	_ =	shalt  }
0x7d: {  	_ =	shalt  }
0x7e: {  	_ =	shalt  }
0x7f: {  	_ =	shalt  }
0x80: {  	_ =	shalt  }
0x81: {  	_ =	shalt  }
0x82: {  	_ =	shalt  }
0x83: {  	_ =	shalt  }
0x84: {  	_ =	shalt  }
0x85: {  	_ =	shalt  }
0x86: {  	_ =	shalt  }
0x87: {  	_ =	shalt  }
.Lfunc_end0:
.L_simem_size_0:
called_computation.1_lowered:
.L_overlay_start_0:
0x88: {  	s0 =	sld [smem:$0x3FD9]  }
0x89: {  	s1 =	sld [smem:$0x3FFE];
	_ =	sdelay $0x3  }
0x8a: {  	s0 =	sadd.s32 s1, s0  }
0x8b: {  	[smem:$0x3FBA] =	sst s0  }
0x8c: {  	_ = 	snop  }
0x8d: {  	s0 =	sld [smem:$0x3FD0];
	_ =	sdelay $0x2  }
0x8e: {  	s13 =	simm.s32 $0xD;
	s2 =	simm.s32 $0x10  }
0x8f: {  	[smem:s2], [sflag:s13] =	dma.local [hbm:s0], $0x1  }
0x90: {  	_ =	swait.eq [sflag:s13], $0x1  }
0x91: {  	[sflag:s13] =	ssyncset.done $0x0  }
0x92: {  	[sflag:s13] =	ssyncadd.s32 $0xFFFFFFFF  }
0x93: {  	s14 =	sld [smem:$0x10];
	(tm) =	ssettm $0x1  }
0x94: {  	s15 =	sld [smem:$0x3FFB];
	_ =	sdelay $0x3  }
0x95: {  	_ =	strace s15  }
0x96: {  	s1 =	sld [smem:$0x3FFC];
	_ =	sdelay $0x3  }
0x97: {  	_ =	strace s1  }
0x98: {  	s1 =	sld [smem:$0x3FFD];
	_ =	sdelay $0x3  }
0x99: {  	_ =	strace s1  }
0x9a: {  	_ =	strace $0x8FFFFFFF  }
0x9b: {  	s16 =	sld [smem:$0x3FDB];
	_ =	sdelay $0x1  }
0x9c: {  	s17 =	simm.s32 $_scs_section_size  }
0x9d: {  	s3 =	simm.s32 $_size__tile_overlayer_lowered;
	s4 =	simm.s32 $_tile_overlayer_lowered  }
0x9e: {  	s20 =	simm.s32 $0x1BFF;
	s19 =	sshll.u32 s4, $0x1;
	s1 =	sadd.s32 s17, s16  }
0x9f: {  	s5 =	simm.s32 $0x0;
	s18 =	sshll.u32 s3, $0x1;
	s3 =	sadd.s32 s19, s1  }
0xa0: {  	[timem:s5], [sflag:s20] =	dma.local [hbm:s3], s18  }
0xa1: {  	_ =	swait.ge [sflag:s20], s18  }
0xa2: {  	s2 =	ssub.s32 $0x0, s18;
	[sflag:s20] =	ssyncset.done $0x0  }
0xa3: {  	[sflag:s20] =	ssyncadd.s32 s2;
	_ =	sdelay $0x1  }
0xa4: {  	s21 =	simm.s32 $0x1B8B  }
0xa5: {  	_ =	swait.ge [sflag:s21], $0x1  }
0xa6: {  	[sflag:s21] =	ssyncset.done $0x0  }
0xa7: {  	s23 =	simm.s32 $0x1B8E;
	s22 =	sld [smem:$0x3FFE];
	[sflag:s21] =	ssyncadd.s32 $0xFFFFFFFF  }
0xa8: {  	s24 =	simm.s32 $execute0_lowered;
	[smem:$0x3FD2] =	sst s23  }
0xa9: {  	s3 =	sshll.u32 s24, $0x1;
	_ =	strace $0x80000052;
	[dreg:$0x1] =	wrdreg $0xFFFFFFFF  }
0xaa: {  	s25 =	simm.s32 $_size_execute0_lowered;
	s1 =	sadd.s32 s1, s3;
	[dreg:$0x0] =	wrdreg $0x0  }
0xab: {  	s3 =	sshll.u32 s25, $0x1;
	[dreg:$0x2] =	wrdreg s1  }
0xac: {  	[dreg:$0x3] =	wrdreg s3  }
0xad: {  	[dreg:$0x4] =	wrdreg $0xC0  }
0xae: {  	_ =	task [dreg:s5], $0x5FFFF  }
0xaf: {  	[dreg:$0x1] =	wrdreg $0xFFFFFFFF  }
0xb0: {  	[dreg:$0x0] =	wrdreg $0x60  }
0xb1: {  	[dreg:$0x2] =	wrdreg s22  }
0xb2: {  	[dreg:$0x3] =	wrdreg s14  }
0xb3: {  	[dreg:$0x4] =	wrdreg $0x9  }
0xb4: {  	_ =	task.clear_ibuf [dreg:s5], $0x5FFFF;
	_ =	strace $0x90000052  }
0xb5: {  	s26 =	simm.s32 $0x9;
	_ =	strace $0x80000054  }
0xb6: {  	_ =	swait.ge [sflag:s26], $0x1  }
0xb7: {  	[sflag:s26] =	ssyncadd.s32 $0xFFFFFFFF  }
0xb8: {  	_ =	strace $0x90000054  }
0xb9: {  	_ =	sfence  }
0xba: {  	s28 =	sld [smem:$0x0];
	_ =	sdelay $0x1  }
0xbb: {  	s29 =	srdreg.scid  }
0xbc: {  	s30 =	sshll.u32 s29, $0xD;
	s31 =	sshrl.u32 s29, $0x2  }
0xbd: {  	s2 =	sand.u32 $0x4000, s30;
	s1 =	sand.u32 $0x1, s29;
	s0 =	sadd.s32 s31, s28  }
0xbe: {  	s1 =	sor.u32 s2, s1;
	s0 =	sshll.u32 s0, $0x11  }
0xbf: {  	s0 =	sor.u32 s0, s1  }
0xc0: {  	s0 =	sadd.s32 $0x8F2B, s0  }
0xc1: {  	[sflag:s0] =	ssyncadd.remote.s32 $0x1  }
0xc2: {  	_ =	sfence.sel $0xFFFF  }
0xc3: {  	[dreg:$0x0] =	wrdreg $0xFFFFFFFF;
	(pc) =	sbr.abs _section_cstart, $3  }
0xc4: {  	[dreg:$0x1] =	wrdreg $0xFFFFFFFF  }
0xc5: {  	_ =	task.clear_ibuf [dreg:s5], $0x2FFFF;
	_ =	strace $0x9FFFFFFF  }
0xc6: {  	(tm) =	ssettm $0x7FFFFFFF  }
0xc7: {  	_ =	shalt  }
tec
execute0_lowered:
.L_overlay_start_1:
0x0: {  	(tag) =	ssettag $0x1  }
0x1: {  	s7 =	rddreg [dreg:$0x0]  }
0x2: {  	s2 =	rddreg [dreg:$0x1]  }
0x3: {  	s0 =	rddreg [dreg:$0x2]  }
0x4: {  	_ =	strace $0x80000053;
	s4 =	stileid.u32;
	s5 =	simm.s32 $0x3E  }
0x5: {  	s1 =	sadd.s32 $0x1CA00, s7;
	p0 =	sne.s32 s4, $0x0;
	[sflag:s5] =	ssyncpa.u1 $0x0  }
0x6: {  	s30 =	smin.u32 s4, $0x9;
	s3 =	simm.s32 @!p0 $0x1C3E;
	s6 =	simm.s32 @!p0 $0x0  }
0x7: {  	[spmem:s6], [sflag:s3] =	dma.local @!p0 [hbm:s1], $0x80  }
0x8: {  	s3 =	sadd.s32 s4, s30  }
0x9: {  	p1 =	slt.u32 s4, $0x9;
	s4 =	simm.s32 $0x2EE0;
	s3 =	smul.u32 $0x1770, s3  }
0xa: {  	s4 =	simm.s32 @!p1 $0x1770  }
0xb: {  	s4 =	sadd.s32 s4, s3  }
0xc: {  	s4 =	smin.u32 s4, $0x249F0  }
0xd: {  	s8 =	ssub.s32 s4, s3  }
0xe: {  	p1 =	sgt.s32 s8, $0x0  }
0xf: {  	s8 =	simm.s32 @!p1 $0x0  }
0x10: {  	s6 =	simm.s32 @!p0 $0x3E;
	s31 =	smulhi.u32 $0x57619F1, s8  }
0x11: {  	_ =	swait.ge @!p0 [sflag:s6], $0x80  }
0x12: {  	[sflag:s6] =	ssyncset.done @!p0 $0x0;
	s9 =	sshrl.u32 s31, $0x7  }
0x13: {  	s11 =	simm.s32 $0x0;
	[sflag:s6] =	ssyncadd.s32 @!p0 $0xFFFFFF80;
	s10 =	smul.u32 $0x1770, s9  }
.Ltmp0:
0x14: {  	s7 =	sadd.s32 $0x18000, s7;
	[bflag:$0x0] =	sbarrier.arrive $0xFFFF;
	(pc) =	sbr.rel .LBB2_1-.Ltmp0, $4  }
0x15: {  	s6 =	simm.s32 $0x2;
	[sflag:s5] =	ssyncpa.u1 $0x1;
	s5 =	simm.s32 $0x1  }
0x16: {  	[sflag:s5] =	ssyncpa.u1 $0x0;
	p1 =	sne.s32 s8, s10;
	s8 =	simm.s32 $0x1  }
0x17: {  	(ifvalue) =	ssetifvalue $0x400;
	[sflag:s6] =	ssyncpa.u1 $0x0;
	s8 =	simm.s32 @!p1 $0x0  }
0x18: {  	vm0 =	vmmov $0xffff;
	s10 =	smov.u32 s3;
	s8 =	sadd.s32 s8, s9;
	s9 =	simm.s32 $0x0  }
.LBB2_5:
0x19: {  	p2 =	sne.s32 s11, s8  }
.Ltmp1:
0x1a: {  	_ = 	snop;
	(pc) =	sbr.rel @!p2 .LBB2_6-.Ltmp1, $4  }
0x1b: {  	_ = 	snop  }
0x1c: {  	s12 =	sadd.s32 $0x1770, s10  }
0x1d: {  	s10 =	smov.u32 s3;
	s13 =	sadd.s32 $0x1, s11;
	p1 =	slt.s32 s12, s4  }
0x1e: {  	s11 =	smov.u32 s13;
	s10 =	smov.u32 @p1 s12  }
.LBB2_1:
0x1f: {  	p1 =	sge.u32 s11, s8  }
0x20: {  	s12 =	sxor.u32 @!p1 $0xFFFFFFFF, s11  }
0x21: {  	s12 =	sand.u32 @!p1 $0x1, s12  }
0x22: {  	s12 =	smul.u32 @!p1 $0x1770, s12  }
0x23: {  	s13 =	sshrl.u32 @!p1 s10, $0x3  }
0x24: {  	s16 =	sand.u32 @!p1 $0x7, s10;
	s14 =	sadd.s32 @!p1 s2, s13;
	s15 =	sadd.s32 @!p1 $0x40, s12  }
0x25: {  	[tilespmem:s15], [sflag:$0x2] =	stream.linear.gather @!p1 [hbm4b:s14+s16], $0x1770, $0x38;
	[tilespmem:$0x5E00] =	vst v63  }
0x26: {  	s13 =	sadd.s32 @!p1 s7, s13;
	s12 =	sadd.s32 @!p1 $0x2F20, s12  }
0x27: {  	[tilespmem:s12], [sflag:$0x2] =	stream.linear.gather @!p1 [hbm4b:s13+s16], $0x1770, $0x38;
	[tilespmem:$0x5E00] =	vst v63  }
0x28: {  	p1 =	seq.s32 s11, $0x0  }
.Ltmp2:
0x29: {  	_ = 	snop;
	(pc) =	sbr.rel @p1 .LBB2_5-.Ltmp2, $1  }
0x2a: {  	_ =	sdelay $0x3  }
0x2b: {  	s12 =	sand.u32 $0x1, s11  }
0x2c: {  	_ =	swait.ge [sflag:s6], $0x2EE0;
	p1 =	seq.s32 s12, $0x1;
	s12 =	simm.s32 $0x1770  }
0x2d: {  	[sflag:s6] =	ssyncset.done $0x0;
	s12 =	simm.s32 @!p1 $0x0  }
0x2e: {  	[sflag:s6] =	ssyncadd.s32 $0xFFFFD120;
	s14 =	sadd.s32 $0x40, s12  }
0x2f: {  	v0 =	vld.msk [tilespmem:s14+$0x0 ss:$0x1], $0xffff;
	_ =	sdelay $0x4  }
0x30: {  	v0 =	vmin.u32 v0, $0x400;
	_ =	sdelay $0x3  }
0x31: {  	s13 =	simm.s32 $0x0;
	s12 =	sadd.s32 $0x2F20, s12;
	s14 =	sadd.s32 $0x10, s14  }
0x32: {  	[spmem:s9] =	stream.indirect_vreg.scatter.add.s32 [tilespmem:s12], [sflag:$0x1], $0x1, v0, vm0, $0x4038;
	[tilespmem:$0x5E00] =	vst v63  }
.LBB2_3:
0x33: {  	v0 =	vld.msk [tilespmem:s14+$0x0 ss:$0x1], $0xffff;
	s13 =	sadd.s32 $0x10, s13  }
0x34: {  	p1 =	slt.u32 s13, $0x1760;
	_ =	sdelay $0x4  }
0x35: {  	v0 =	vmin.u32 v0, $0x400  }
.Ltmp3:
0x36: {  	(pc) =	sbr.rel @p1 .LBB2_3-.Ltmp3, $3  }
0x37: {  	_ =	sdelay $0x1  }
0x38: {  	s14 =	sadd.s32 $0x10, s14;
	s12 =	sadd.s32 $0x10, s12  }
0x39: {  	[spmem:s9] =	stream.indirect_vreg.scatter.add.s32 [tilespmem:s12], [sflag:$0x1], $0x1, v0, vm0, $0x4038;
	[tilespmem:$0x5E00] =	vst v63  }
.Ltmp4:
0x3a: {  	(pc) =	sbr.rel .LBB2_5-.Ltmp4, $4  }
0x3b: {  	_ = 	snop  }
0x3c: {  	_ =	swait.ge [sflag:s5], $0x1770  }
0x3d: {  	[sflag:s5] =	ssyncset.done $0x0  }
0x3e: {  	[sflag:s5] =	ssyncadd.s32 $0xFFFFE890  }
.LBB2_6:
0x3f: {  	_ =	sfence.sel $0x180000  }
0x40: {  	s2 =	simm.s32 $0x2;
	[bflag:$0x0] =	sbarrier.arrive $0xFFFF  }
0x41: {  	s30 =	simm.s32 $0x1;
	[sflag:s2] =	ssyncpa.u1 $0x1  }
0x42: {  	[sflag:s30] =	ssyncpa.u1 $0x1  }
0x43: {  	_ =	sfence.stream.spmem  }
0x44: {  	s31 =	simm.s32 $0x3D;
	[bflag:$0x0] =	sbarrier.arrive $0xFFFF  }
0x45: {  	s2 =	simm.s32 @p0 $0x3D;
	[sflag:s31] =	ssyncpa.u1 $0x0  }
0x46: {  	[sflag:s2] =	ssyncpa.u1 @p0 $0x1  }
0x47: {  	[bflag:$0x0] =	sbarrier.arrive @p0 $0xFFFF  }
0x48: {  	_ =	strace @p0 $0x90000053  }
0x49: {  	s3 =	simm.s32 @!p0 $0x1C3D;
	s2 =	simm.s32 @!p0 $0x0;
	[bflag:$0x2] =	sbarrier.arrive @p0 $0xFFFF  }
0x4a: {  	[hbm:s1], [sflag:s3] =	dma.local @!p0 [spmem:s2], $0x80  }
0x4b: {  	s1 =	simm.s32 @!p0 $0x3D  }
0x4c: {  	_ =	swait.ge @!p0 [sflag:s1], $0x80  }
0x4d: {  	[sflag:s1] =	ssyncset.done @!p0 $0x0  }
0x4e: {  	[sflag:s1] =	ssyncadd.s32 @!p0 $0xFFFFFF80  }
0x4f: {  	[sflag:s1] =	ssyncpa.u1 @!p0 $0x1  }
0x50: {  	[bflag:$0x0] =	sbarrier.arrive @!p0 $0xFFFF  }
0x51: {  	_ =	strace @!p0 $0x90000053  }
0x52: {  	s0 =	sadd.s32 @!p0 $0x100000, s0;
	[bflag:$0x2] =	sbarrier.arrive @!p0 $0xFFFF  }
0x53: {  	[sflag:s0] =	ssyncadd.tile.s32 @!p0 $0x1;
	_ =	shalt  }
.Lfunc_end2:
_tile_overlayer_lowered:
.L_overlay_start_2:
0x54: {  	(tag) =	ssettag $0x2  }
0x55: {  	s0 =	rddreg [dreg:$0x0];
	s2 =	stileid.u32  }
0x56: {  	s1 =	rddreg [dreg:$0x1];
	p0 =	sne.s32 s2, $0x0  }
0x57: {  	s3 =	rddreg [dreg:$0x2];
	[bflag:$0x3] =	sbarrier.arrive $0xFFFF;
	s2 =	simm.s32 @!p0 $0x1C01  }
0x58: {  	[timem:s3], [sflag:s2] =	dma.local @!p0 [hbm:s0], s1  }
0x59: {  	s0 =	simm.s32 @!p0 $0x1  }
0x5a: {  	_ =	swait.ge @!p0 [sflag:s0], s1  }
0x5b: {  	s1 =	ssub.s32 @!p0 $0x0, s1;
	[sflag:s0] =	ssyncset.done @!p0 $0x0  }
0x5c: {  	[sflag:s0] =	ssyncadd.s32 @!p0 s1  }
0x5d: {  	[bflag:$0x3] =	sbarrier.arrive $0xFFFF  }
0x5e: {  	_ =	shalt  }

// kernel: scatter_offload_async_start.2
scs
__scs_entry_jumppad:
0x0: {  	(pc) =	sbr.rel $0x88, $3  }
0x1: {  	(tag) =	ssettag $0x0;
	lr =	simm.s32 $0x1  }
0x2: {  	[smem:$0x3F93] =	sst lr;
	_ =	strace $0xD0000000  }
0x3: {  	_ = 	snop  }
0x4: {  	_ = 	snop  }
0x5: {  	_ = 	snop  }
0x6: {  	_ = 	snop  }
0x7: {  	_ = 	snop  }
__scs_overlays_trampoline_lowered:
0x8: {  	[smem:$0x3FA2] =	sst s0  }
0x9: {  	[smem:$0x3FA3] =	sst s1  }
0xa: {  	[smem:$0x3FA4] =	sst s2  }
0xb: {  	[smem:$0x3FA5] =	sst s3  }
0xc: {  	[smem:$0x3FA6] =	sst s4  }
0xd: {  	[smem:$0x3FA7] =	sst s5  }
0xe: {  	[smem:$0x3FA8] =	sst s6  }
0xf: {  	[smem:$0x3FA9] =	sst s7  }
0x10: {  	[smem:$0x3FAA] =	sst s8  }
0x11: {  	[smem:$0x3FAB] =	sst s9;
	s0 =	simm.s32 @!p0 $0x0  }
0x12: {  	s1 =	sld [smem:$0x3F91];
	s0 =	simm.s32 @p0 $0x1  }
0x13: {  	[smem:$0x3FAC] =	sst s0;
	s0 =	simm.s32 @!p1 $0x0  }
0x14: {  	s2 =	sld [smem:$0x3F90];
	s0 =	simm.s32 @p1 $0x1  }
0x15: {  	[smem:$0x3FAD] =	sst s0;
	s0 =	simm.s32 @!p2 $0x0  }
0x16: {  	s3 =	sld [smem:$0x3FDB];
	s0 =	simm.s32 @p2 $0x1  }
0x17: {  	s4 =	simm.s32 $0x1BF5;
	[smem:$0x3FAF] =	sst s0  }
0x18: {  	s0 =	sld [smem:$0x3F92];
	_ =	swait.ge [sflag:s4], $0x0  }
0x19: {  	s7 =	sld [smem:$0x3F93]  }
0x1a: {  	s8 =	sadd.s32 $0xFFFFE003, lr  }
0x1b: {  	s9 =	sadd.s32 $0xFFFFFEF7, lr;
	s5 =	simm.s32 $0xFFFFFFFF;
	p2 =	slt.u32 s8, $0xFFFFF086  }
0x1c: {  	p1 =	slt.u32 s9, $0xF7A;
	s5 =	simm.s32 @!p2 $0x0  }
0x1d: {  	s5 =	simm.s32 @p1 $0x1;
	p0 =	seq.s32 s7, s2  }
0x1e: {  	s7 =	smul.u32 @!p0 $0xF7A, s2;
	p2 =	seq.s32 @!p0 s5, $0x0  }
0x1f: {  	s9 =	smul.u32 $0xF7A, s1;
	s8 =	simm.s32 @!p0 $0x1BF5;
	p2 =	por !p2, p0  }
0x20: {  	[sflag:s8] =	ssyncset.s32 @!p0 $0xFFFFF086;
	s6 =	sadd.s32 @!p0 s3, s7;
	s7 =	simm.s32 @!p0 $0x108  }
0x21: {  	s3 =	sadd.s32 s3, s9;
	s6 =	sadd.s32 @!p0 $0x88, s6;
	s7 =	simm.s32 @p2 $0x1082  }
0x22: {  	[simem:s7], [sflag:s8] =	dma.local @!p0 [hbm:s6], $0xF7A  }
0x23: {  	s9 =	sor.u32 $0xD0000000, s2;
	s6 =	simm.s32 $0x108;
	_ =	swait.ge @!p0 [sflag:s8], $0x0  }
0x24: {  	s3 =	sadd.s32 $0x88, s3;
	s6 =	simm.s32 @!p1 $0x1082;
	[sflag:s4] =	ssyncset.s32 $0xFFFFF086  }
0x25: {  	[simem:s6], [sflag:s4] =	dma.local [hbm:s3], $0xF7A  }
0x26: {  	[smem:$0x3F93] =	sst s1;
	(tag) =	ssettag s2;
	_ =	strace s9  }
0x27: {  	s1 =	sld [smem:$0x3FA3]  }
0x28: {  	s2 =	sld [smem:$0x3FA4]  }
0x29: {  	s4 =	sld [smem:$0x3FA6]  }
0x2a: {  	p0 =	seq.s32 s5, $0x0;
	s5 =	sld [smem:$0x3FA7]  }
0x2b: {  	s6 =	sld [smem:$0x3FA8]  }
0x2c: {  	s7 =	sld [smem:$0x3FA9]  }
0x2d: {  	s3 =	simm.s32 $0x108;
	s8 =	sld [smem:$0x3FAA]  }
0x2e: {  	s3 =	simm.s32 @!p0 $0x1082;
	s9 =	sld [smem:$0x3FAB]  }
0x2f: {  	lr =	sadd.s32 s0, s3;
	s0 =	sld [smem:$0x3FA2]  }
0x30: {  	s3 =	sld [smem:$0x3FA5]  }
0x31: {  	[smem:$0x3FAE] =	sst s10  }
0x32: {  	s10 =	sld [smem:$0x3FAC];
	_ =	sdelay $0x3  }
0x33: {  	p0 =	seq.s32 s10, $0x1;
	s10 =	sld [smem:$0x3FAE];
	_ =	sdelay $0x3  }
0x34: {  	[smem:$0x3FAE] =	sst s10  }
0x35: {  	s10 =	sld [smem:$0x3FAD];
	_ =	sdelay $0x3  }
0x36: {  	p1 =	seq.s32 s10, $0x1;
	s10 =	sld [smem:$0x3FAE];
	_ =	sdelay $0x3  }
0x37: {  	[smem:$0x3FAE] =	sst s10  }
0x38: {  	s10 =	sld [smem:$0x3FAF]  }
0x39: {  	_ = 	snop;
	(pc) =	sbr.ind lr, $3  }
0x3a: {  	_ = 	snop  }
0x3b: {  	_ = 	snop  }
0x3c: {  	p2 =	seq.s32 s10, $0x1;
	s10 =	sld [smem:$0x3FAE]  }
0x3d: {  	_ =	shalt  }
0x3e: {  	_ =	shalt  }
0x3f: {  	_ =	shalt  }
0x40: {  	_ =	shalt  }
0x41: {  	_ =	shalt  }
0x42: {  	_ =	shalt  }
0x43: {  	_ =	shalt  }
0x44: {  	_ =	shalt  }
0x45: {  	_ =	shalt  }
0x46: {  	_ =	shalt  }
0x47: {  	_ =	shalt  }
0x48: {  	_ =	shalt  }
0x49: {  	_ =	shalt  }
0x4a: {  	_ =	shalt  }
0x4b: {  	_ =	shalt  }
0x4c: {  	_ =	shalt  }
0x4d: {  	_ =	shalt  }
0x4e: {  	_ =	shalt  }
0x4f: {  	_ =	shalt  }
0x50: {  	_ =	shalt  }
0x51: {  	_ =	shalt  }
0x52: {  	_ =	shalt  }
0x53: {  	_ =	shalt  }
0x54: {  	_ =	shalt  }
0x55: {  	_ =	shalt  }
0x56: {  	_ =	shalt  }
0x57: {  	_ =	shalt  }
0x58: {  	_ =	shalt  }
0x59: {  	_ =	shalt  }
0x5a: {  	_ =	shalt  }
0x5b: {  	_ =	shalt  }
0x5c: {  	_ =	shalt  }
0x5d: {  	_ =	shalt  }
0x5e: {  	_ =	shalt  }
0x5f: {  	_ =	shalt  }
0x60: {  	_ =	shalt  }
0x61: {  	_ =	shalt  }
0x62: {  	_ =	shalt  }
0x63: {  	_ =	shalt  }
0x64: {  	_ =	shalt  }
0x65: {  	_ =	shalt  }
0x66: {  	_ =	shalt  }
0x67: {  	_ =	shalt  }
0x68: {  	_ =	shalt  }
0x69: {  	_ =	shalt  }
0x6a: {  	_ =	shalt  }
0x6b: {  	_ =	shalt  }
0x6c: {  	_ =	shalt  }
0x6d: {  	_ =	shalt  }
0x6e: {  	_ =	shalt  }
0x6f: {  	_ =	shalt  }
0x70: {  	_ =	shalt  }
0x71: {  	_ =	shalt  }
0x72: {  	_ =	shalt  }
0x73: {  	_ =	shalt  }
0x74: {  	_ =	shalt  }
0x75: {  	_ =	shalt  }
0x76: {  	_ =	shalt  }
0x77: {  	_ =	shalt  }
0x78: {  	_ =	shalt  }
0x79: {  	_ =	shalt  }
0x7a: {  	_ =	shalt  }
0x7b: {  	_ =	shalt  }
0x7c: {  	_ =	shalt  }
0x7d: {  	_ =	shalt  }
0x7e: {  	_ =	shalt  }
0x7f: {  	_ =	shalt  }
0x80: {  	_ =	shalt  }
0x81: {  	_ =	shalt  }
0x82: {  	_ =	shalt  }
0x83: {  	_ =	shalt  }
0x84: {  	_ =	shalt  }
0x85: {  	_ =	shalt  }
0x86: {  	_ =	shalt  }
0x87: {  	_ =	shalt  }
.Lfunc_end0:
.L_simem_size_0:
called_computation.2_lowered:
.L_overlay_start_0:
0x88: {  	s0 =	sld [smem:$0x3FD9]  }
0x89: {  	s1 =	sld [smem:$0x3FFE];
	_ =	sdelay $0x3  }
0x8a: {  	s0 =	sadd.s32 s1, s0  }
0x8b: {  	[smem:$0x3FBA] =	sst s0  }
0x8c: {  	_ = 	snop  }
0x8d: {  	(tm) =	ssettm $0x1  }
0x8e: {  	s14 =	sld [smem:$0x3FFB];
	_ =	sdelay $0x3  }
0x8f: {  	_ =	strace s14  }
0x90: {  	s0 =	sld [smem:$0x3FFC];
	_ =	sdelay $0x3  }
0x91: {  	_ =	strace s0  }
0x92: {  	s0 =	sld [smem:$0x3FFD];
	_ =	sdelay $0x3  }
0x93: {  	_ =	strace s0  }
0x94: {  	_ =	strace $0x8FFFFFFF  }
0x95: {  	s15 =	sld [smem:$0x3FDB];
	_ =	sdelay $0x1  }
0x96: {  	s16 =	simm.s32 $_scs_section_size  }
0x97: {  	s2 =	simm.s32 $_size__tile_overlayer_lowered;
	s3 =	simm.s32 $_tile_overlayer_lowered  }
0x98: {  	s4 =	simm.s32 $0x1BFF;
	s17 =	sshll.u32 s3, $0x1;
	s1 =	sadd.s32 s16, s15  }
0x99: {  	s18 =	simm.s32 $0x0;
	s2 =	sshll.u32 s2, $0x1;
	s3 =	sadd.s32 s17, s1  }
0x9a: {  	[timem:s18], [sflag:s4] =	dma.local [hbm:s3], s2  }
0x9b: {  	_ =	swait.ge [sflag:s4], s2  }
0x9c: {  	s2 =	ssub.s32 $0x0, s2;
	[sflag:s4] =	ssyncset.done $0x0  }
0x9d: {  	[sflag:s4] =	ssyncadd.s32 s2;
	_ =	sdelay $0x1  }
0x9e: {  	s19 =	simm.s32 $0x1B8B  }
0x9f: {  	_ =	swait.ge [sflag:s19], $0x1  }
0xa0: {  	[sflag:s19] =	ssyncset.done $0x0  }
0xa1: {  	s21 =	simm.s32 $0x1B8E;
	s20 =	sld [smem:$0x3FFE];
	[sflag:s19] =	ssyncadd.s32 $0xFFFFFFFF  }
0xa2: {  	s22 =	simm.s32 $execute0_lowered;
	[smem:$0x3FD2] =	sst s21  }
0xa3: {  	s3 =	sshll.u32 s22, $0x1;
	_ =	strace $0x80000046;
	[dreg:$0x1] =	wrdreg $0xFFFFFFFF  }
0xa4: {  	s23 =	simm.s32 $_size_execute0_lowered;
	s3 =	sadd.s32 s1, s3;
	[dreg:$0x0] =	wrdreg $0x0  }
0xa5: {  	s4 =	sshll.u32 s23, $0x1;
	[dreg:$0x2] =	wrdreg s3  }
0xa6: {  	[dreg:$0x3] =	wrdreg s4  }
0xa7: {  	[dreg:$0x4] =	wrdreg $0xC0  }
0xa8: {  	s24 =	simm.s32 $execute1_lowered;
	_ =	task [dreg:s18], $0x5FFFF  }
0xa9: {  	s3 =	sshll.u32 s24, $0x1;
	[dreg:$0x1] =	wrdreg $0xFFFFFFFF  }
0xaa: {  	s1 =	sadd.s32 s1, s3;
	[dreg:$0x0] =	wrdreg $0x60  }
0xab: {  	[dreg:$0x2] =	wrdreg s1  }
0xac: {  	[dreg:$0x3] =	wrdreg s20  }
0xad: {  	[dreg:$0x4] =	wrdreg $0xB  }
0xae: {  	_ =	task.clear_ibuf [dreg:s18], $0x5FFFF;
	_ =	strace $0x90000046  }
0xaf: {  	s25 =	simm.s32 $0xB;
	_ =	strace $0x80000048  }
0xb0: {  	_ =	swait.ge [sflag:s25], $0x1  }
0xb1: {  	[sflag:s25] =	ssyncadd.s32 $0xFFFFFFFF  }
0xb2: {  	_ =	strace $0x90000048  }
0xb3: {  	_ =	strace $0x80000049;
	[dreg:$0x1] =	wrdreg $0xFFFFFFFF  }
0xb4: {  	[dreg:$0x0] =	wrdreg $0x2030  }
0xb5: {  	[dreg:$0x2] =	wrdreg s20  }
0xb6: {  	[dreg:$0x3] =	wrdreg $0xC  }
0xb7: {  	_ =	task.clear_ibuf [dreg:s18], $0x4FFFF;
	_ =	strace $0x90000049  }
0xb8: {  	s26 =	simm.s32 $0xC;
	_ =	strace $0x8000004B  }
0xb9: {  	_ =	swait.ge [sflag:s26], $0x1  }
0xba: {  	[sflag:s26] =	ssyncadd.s32 $0xFFFFFFFF  }
0xbb: {  	_ =	strace $0x9000004B  }
0xbc: {  	_ =	sfence  }
0xbd: {  	s28 =	sld [smem:$0x0];
	_ =	sdelay $0x1  }
0xbe: {  	s29 =	srdreg.scid  }
0xbf: {  	s30 =	sshll.u32 s29, $0xD;
	s31 =	sshrl.u32 s29, $0x2  }
0xc0: {  	s2 =	sand.u32 $0x1, s29;
	s3 =	sand.u32 $0x4000, s30;
	s1 =	sadd.s32 s31, s28  }
0xc1: {  	s2 =	sor.u32 s3, s2;
	s1 =	sshll.u32 s1, $0x11  }
0xc2: {  	s1 =	sor.u32 s1, s2  }
0xc3: {  	s1 =	sadd.s32 $0x8F2B, s1  }
0xc4: {  	[sflag:s1] =	ssyncadd.remote.s32 $0x1  }
0xc5: {  	_ =	sfence.sel $0xFFFF  }
0xc6: {  	[dreg:$0x0] =	wrdreg $0xFFFFFFFF;
	(pc) =	sbr.abs _section_cstart, $3  }
0xc7: {  	[dreg:$0x1] =	wrdreg $0xFFFFFFFF  }
0xc8: {  	_ =	task.clear_ibuf [dreg:s18], $0x2FFFF;
	_ =	strace $0x9FFFFFFF  }
0xc9: {  	(tm) =	ssettm $0x7FFFFFFF  }
tec
execute0_lowered:
.L_overlay_start_1:
0x0: {  	(tag) =	ssettag $0x1  }
0x1: {  	s2 =	rddreg [dreg:$0x0]  }
0x2: {  	s8 =	rddreg [dreg:$0x1]  }
0x3: {  	s0 =	rddreg [dreg:$0x2];
	s3 =	stileid.u32  }
0x4: {  	[bflag:$0x3] =	sbarrier.arrive $0xFFFF;
	s1 =	simm.s32 $_size_execute1_lowered;
	p0 =	sne.s32 s3, $0x0  }
0x5: {  	s1 =	sshll.u32 s1, $0x1;
	s4 =	simm.s32 @!p0 $0x1C3F;
	s5 =	simm.s32 @!p0 $0x4060  }
0x6: {  	[timem:s5], [sflag:s4] =	dma.local @!p0 [hbm:s2], s1  }
0x7: {  	s4 =	sshll.u32 s3, $0x6  }
0x8: {  	s5 =	ssub.s32 $0x34F, s4  }
0x9: {  	s6 =	sshll.u32 s3, $0x3;
	p1 =	sgt.s32 s5, $0x0  }
0xa: {  	s6 =	sadd.s32 s6, s8;
	s5 =	simm.s32 @!p1 $0x0  }
0xb: {  	s2 =	simm.s32 $0x1;
	s3 =	simm.s32 $0x2;
	s5 =	sand.u32 $0x3CF, s5  }
0xc: {  	_ =	strace $0x80000047;
	p2 =	sne.s32 s5, $0x0;
	s5 =	simm.s32 $0x1  }
0xd: {  	s6 =	sadd.s32 $0x1CA00, s6;
	[sflag:s2] =	ssyncpa.u1 $0x0;
	s5 =	simm.s32 @!p2 $0x0  }
0xe: {  	[sflag:s3] =	ssyncpa.u1 $0x0;
	p3 =	sle.u32 s5, $0x0;
	p1 =	sle.u32 s5, $0xFFFFFFFF  }
0xf: {  	s7 =	simm.s32 @!p3 $0x0;
	s9 =	simm.s32 @!p3 $0x40;
	s10 =	simm.s32 @!p1 $0x1  }
0x10: {  	[tilespmem:s9], [sflag:$0x1] =	stream.linear.gather @!p3 [hbm4b:s6+s7], $0x40, $0x38;
	[tilespmem:$0x100] =	vst v63  }
0x11: {  	_ =	swait.ge @!p1 [sflag:s10], $0x40  }
0x12: {  	s7 =	simm.s32 $0x0;
	[sflag:s10] =	ssyncset.done @!p1 $0x0  }
0x13: {  	s12 =	sand.u32 @!p1 $0x40, s7;
	[sflag:s10] =	ssyncadd.s32 @!p1 $0xFFFFFFC0  }
0x14: {  	s9 =	simm.s32 $0x3;
	v0 =	vld @!p1 [tilespmem:s12+$0x30]  }
0x15: {  	s9 =	simm.s32 @!p2 $0x2  }
0x16: {  	p3 =	sne.s32 s9, $0x1;
	v2 =	vld @!p1 [tilespmem:s12+$0x0]  }
.Ltmp0:
0x17: {  	_ = 	snop;
	(pc) =	sbr.rel @!p3 .LBB2_2-.Ltmp0, $4  }
0x18: {  	v1 =	vld @!p1 [tilespmem:s12+$0x20]  }
0x19: {  	p6 =	por $0x1, $0x1;
	s8 =	sadd.s32 $0x1CC00, s8;
	[tilespmem:s12+$0xB0] =	vst @!p1 v0;
	v0 =	vld @!p1 [tilespmem:s12+$0x10]  }
0x1a: {  	s11 =	sadd.s32 @!p1 $0x0, s8;
	s13 =	simm.s32 @!p1 $0x0;
	p2 =	por p6, p6  }
0x1b: {  	s14 =	sor.u32 @!p1 $0x80, s12;
	s15 =	simm.s32 @!p2 $0x2;
	s10 =	simm.s32 $0x1;
	[tilespmem:s12+$0x80] =	vst @!p1 v2  }
.LBB2_1:
0x1c: {  	p4 =	slt.u32 s10, $0x2  }
0x1d: {  	[tilespmem:s12+$0xA0] =	vst @!p1 v1;
	s7 =	sadd.s32 $0x40, s7;
	s16 =	smov.u32 s10;
	s10 =	sadd.s32 $0x1, s10  }
0x1e: {  	p5 =	sge.u32 s16, s5;
	s16 =	sadd.s32 $0xFFFFFFFF, s16;
	p3 =	sne.s32 s10, s9;
	[tilespmem:s12+$0x90] =	vst @!p1 v0  }
0x1f: {  	[hbm4b:s11+s13] =	stream.linear.scatter @!p1 [tilespmem:s14], [sflag:$0x2], $0x40, $0x38;
	[tilespmem:$0x100] =	vst v63  }
0x20: {  	s11 =	simm.s32 @!p5 $0x0;
	s12 =	simm.s32 @!p5 $0x40;
	_ =	swait.ge @!p2 [sflag:s15], $0x40  }
0x21: {  	p1 =	sge.u32 s16, s5;
	[sflag:s15] =	ssyncset.done @!p2 $0x0  }
0x22: {  	s14 =	simm.s32 @!p1 $0x1;
	s13 =	sshrl.u32 @!p1 s4, $0x3;
	[sflag:s15] =	ssyncadd.s32 @!p2 $0xFFFFFFC0  }
0x23: {  	[tilespmem:s12], [sflag:$0x1] =	stream.linear.gather @!p5 [hbm4b:s6+s11], $0x40, $0x38;
	[tilespmem:$0x100] =	vst v63  }
0x24: {  	s11 =	sadd.s32 @!p1 s8, s13;
	s13 =	simm.s32 @!p1 $0x0;
	_ =	swait.ge @!p1 [sflag:s14], $0x40  }
0x25: {  	p2 =	por p4, p4;
	[sflag:s14] =	ssyncset.done @!p1 $0x0  }
0x26: {  	s12 =	sand.u32 @!p1 $0x40, s7;
	[sflag:s14] =	ssyncadd.s32 @!p1 $0xFFFFFFC0  }
0x27: {  	s14 =	sor.u32 @!p1 $0x80, s12;
	v2 =	vld @!p1 [tilespmem:s12+$0x30]  }
0x28: {  	v3 =	vld @!p1 [tilespmem:s12+$0x0]  }
.Ltmp1:
0x29: {  	v1 =	vld @!p1 [tilespmem:s12+$0x20];
	(pc) =	sbr.rel @p3 .LBB2_1-.Ltmp1, $3  }
0x2a: {  	v0 =	vld @!p1 [tilespmem:s12+$0x10];
	_ =	sdelay $0x1  }
0x2b: {  	[tilespmem:s12+$0xB0] =	vst @!p1 v2  }
0x2c: {  	s15 =	simm.s32 @!p2 $0x2;
	[tilespmem:s12+$0x80] =	vst @!p1 v3  }
.LBB2_2:
0x2d: {  	_ = 	snop  }
0x2e: {  	[tilespmem:s12+$0xA0] =	vst @!p1 v1  }
0x2f: {  	[tilespmem:s12+$0x90] =	vst @!p1 v0  }
0x30: {  	[hbm4b:s11+s13] =	stream.linear.scatter @!p1 [tilespmem:s14], [sflag:$0x2], $0x40, $0x38;
	[tilespmem:$0x100] =	vst v63  }
0x31: {  	_ =	swait.ge @!p2 [sflag:s15], $0x40  }
0x32: {  	[sflag:s15] =	ssyncset.done @!p2 $0x0  }
0x33: {  	[sflag:s15] =	ssyncadd.s32 @!p2 $0xFFFFFFC0  }
0x34: {  	_ =	sfence.sel $0x180000  }
0x35: {  	[bflag:$0x0] =	sbarrier.arrive $0xFFFF  }
0x36: {  	[sflag:s2] =	ssyncpa.u1 $0x1  }
0x37: {  	[sflag:s3] =	ssyncpa.u1 $0x1  }
0x38: {  	_ =	strace $0x90000047  }
0x39: {  	s0 =	sadd.s32 @!p0 $0x100000, s0;
	[bflag:$0x2] =	sbarrier.arrive $0xFFFF  }
0x3a: {  	[sflag:s0] =	ssyncadd.tile.s32 @!p0 $0x1;
	s0 =	simm.s32 @!p0 $0x3F  }
0x3b: {  	_ =	swait.ge @!p0 [sflag:s0], s1  }
0x3c: {  	s1 =	ssub.s32 @!p0 $0x0, s1;
	[sflag:s0] =	ssyncset.done @!p0 $0x0  }
0x3d: {  	[sflag:s0] =	ssyncadd.s32 @!p0 s1  }
0x3e: {  	[bflag:$0x3] =	sbarrier.arrive $0xFFFF  }
0x3f: {  	_ =	shalt  }
.Lfunc_end2:
execute1_lowered:
.L_overlay_start_2:
0x40: {  	(tag) =	ssettag $0x2  }
0x41: {  	s7 =	rddreg [dreg:$0x0]  }
0x42: {  	s0 =	rddreg [dreg:$0x1]  }
0x43: {  	_ =	strace $0x8000004A;
	s3 =	stileid.u32;
	s4 =	simm.s32 $0x3E  }
0x44: {  	s1 =	sadd.s32 $0x1CC00, s7;
	p0 =	sne.s32 s3, $0x0;
	[sflag:s4] =	ssyncpa.u1 $0x0  }
0x45: {  	s30 =	smin.u32 s3, $0x9;
	s2 =	simm.s32 @!p0 $0x1C3E;
	s5 =	simm.s32 @!p0 $0x0  }
0x46: {  	[spmem:s5], [sflag:s2] =	dma.local @!p0 [hbm:s1], $0x80  }
0x47: {  	s2 =	sadd.s32 s3, s30  }
0x48: {  	p1 =	slt.u32 s3, $0x9;
	s3 =	simm.s32 $0x2EE0;
	s2 =	smul.u32 $0x1770, s2  }
0x49: {  	s3 =	simm.s32 @!p1 $0x1770  }
0x4a: {  	s3 =	sadd.s32 s3, s2  }
0x4b: {  	s3 =	smin.u32 s3, $0x249F0  }
0x4c: {  	s8 =	ssub.s32 s3, s2  }
0x4d: {  	p1 =	sgt.s32 s8, $0x0  }
0x4e: {  	s8 =	simm.s32 @!p1 $0x0  }
0x4f: {  	s5 =	simm.s32 @!p0 $0x3E;
	s31 =	smulhi.u32 $0x57619F1, s8  }
0x50: {  	_ =	swait.ge @!p0 [sflag:s5], $0x80  }
0x51: {  	s6 =	simm.s32 $0x2;
	[sflag:s5] =	ssyncset.done @!p0 $0x0;
	s9 =	sshrl.u32 s31, $0x7  }
0x52: {  	s11 =	simm.s32 $0x0;
	[sflag:s5] =	ssyncadd.s32 @!p0 $0xFFFFFF80;
	s10 =	smul.u32 $0x1770, s9  }
.Ltmp2:
0x53: {  	s5 =	sadd.s32 $0x5800, s7;
	[bflag:$0x0] =	sbarrier.arrive $0xFFFF;
	(pc) =	sbr.rel .LBB3_1-.Ltmp2, $4  }
0x54: {  	s7 =	sadd.s32 $0x18000, s7;
	[sflag:s4] =	ssyncpa.u1 $0x1;
	s4 =	simm.s32 $0x1  }
0x55: {  	[sflag:s4] =	ssyncpa.u1 $0x0;
	p1 =	sne.s32 s8, s10;
	s8 =	simm.s32 $0x1  }
0x56: {  	(ifvalue) =	ssetifvalue $0x400;
	[sflag:s6] =	ssyncpa.u1 $0x0;
	s8 =	simm.s32 @!p1 $0x0  }
0x57: {  	vm0 =	vmmov $0xffff;
	s10 =	smov.u32 s2;
	s8 =	sadd.s32 s8, s9;
	s9 =	simm.s32 $0x0  }
.LBB3_5:
0x58: {  	p2 =	sne.s32 s11, s8  }
.Ltmp3:
0x59: {  	_ = 	snop;
	(pc) =	sbr.rel @!p2 .LBB3_6-.Ltmp3, $4  }
0x5a: {  	_ = 	snop  }
0x5b: {  	s12 =	sadd.s32 $0x1770, s10  }
0x5c: {  	s10 =	smov.u32 s2;
	s13 =	sadd.s32 $0x1, s11;
	p1 =	slt.s32 s12, s3  }
0x5d: {  	s11 =	smov.u32 s13;
	s10 =	smov.u32 @p1 s12  }
.LBB3_1:
0x5e: {  	p1 =	sge.u32 s11, s8  }
0x5f: {  	s12 =	sxor.u32 @!p1 $0xFFFFFFFF, s11  }
0x60: {  	s12 =	sand.u32 @!p1 $0x1, s12  }
0x61: {  	s12 =	smul.u32 @!p1 $0x1770, s12  }
0x62: {  	s13 =	sshrl.u32 @!p1 s10, $0x3  }
0x63: {  	s16 =	sand.u32 @!p1 $0x7, s10;
	s14 =	sadd.s32 @!p1 s5, s13;
	s15 =	sadd.s32 @!p1 $0x40, s12  }
0x64: {  	[tilespmem:s15], [sflag:$0x2] =	stream.linear.gather @!p1 [hbm4b:s14+s16], $0x1770, $0x38;
	[tilespmem:$0x5E00] =	vst v63  }
0x65: {  	s13 =	sadd.s32 @!p1 s7, s13;
	s12 =	sadd.s32 @!p1 $0x2F20, s12  }
0x66: {  	[tilespmem:s12], [sflag:$0x2] =	stream.linear.gather @!p1 [hbm4b:s13+s16], $0x1770, $0x38;
	[tilespmem:$0x5E00] =	vst v63  }
0x67: {  	p1 =	seq.s32 s11, $0x0  }
.Ltmp4:
0x68: {  	_ = 	snop;
	(pc) =	sbr.rel @p1 .LBB3_5-.Ltmp4, $1  }
0x69: {  	_ =	sdelay $0x3  }
0x6a: {  	s12 =	sand.u32 $0x1, s11  }
0x6b: {  	_ =	swait.ge [sflag:s6], $0x2EE0;
	p1 =	seq.s32 s12, $0x1;
	s12 =	simm.s32 $0x1770  }
0x6c: {  	[sflag:s6] =	ssyncset.done $0x0;
	s12 =	simm.s32 @!p1 $0x0  }
0x6d: {  	[sflag:s6] =	ssyncadd.s32 $0xFFFFD120;
	s14 =	sadd.s32 $0x40, s12  }
0x6e: {  	v0 =	vld.msk [tilespmem:s14+$0x0 ss:$0x1], $0xffff;
	_ =	sdelay $0x4  }
0x6f: {  	v0 =	vmin.u32 v0, $0x400;
	_ =	sdelay $0x3  }
0x70: {  	s13 =	simm.s32 $0x0;
	s12 =	sadd.s32 $0x2F20, s12;
	s14 =	sadd.s32 $0x10, s14  }
0x71: {  	[spmem:s9] =	stream.indirect_vreg.scatter.add.s32 [tilespmem:s12], [sflag:$0x1], $0x1, v0, vm0, $0x4038;
	[tilespmem:$0x5E00] =	vst v63  }
.LBB3_3:
0x72: {  	v0 =	vld.msk [tilespmem:s14+$0x0 ss:$0x1], $0xffff;
	s13 =	sadd.s32 $0x10, s13  }
0x73: {  	p1 =	slt.u32 s13, $0x1760;
	_ =	sdelay $0x4  }
0x74: {  	v0 =	vmin.u32 v0, $0x400  }
.Ltmp5:
0x75: {  	(pc) =	sbr.rel @p1 .LBB3_3-.Ltmp5, $3  }
0x76: {  	_ =	sdelay $0x1  }
0x77: {  	s14 =	sadd.s32 $0x10, s14;
	s12 =	sadd.s32 $0x10, s12  }
0x78: {  	[spmem:s9] =	stream.indirect_vreg.scatter.add.s32 [tilespmem:s12], [sflag:$0x1], $0x1, v0, vm0, $0x4038;
	[tilespmem:$0x5E00] =	vst v63  }
.Ltmp6:
0x79: {  	(pc) =	sbr.rel .LBB3_5-.Ltmp6, $4  }
0x7a: {  	_ = 	snop  }
0x7b: {  	_ =	swait.ge [sflag:s4], $0x1770  }
0x7c: {  	[sflag:s4] =	ssyncset.done $0x0  }
0x7d: {  	[sflag:s4] =	ssyncadd.s32 $0xFFFFE890  }
.LBB3_6:
0x7e: {  	_ =	sfence.sel $0x180000  }
0x7f: {  	s2 =	simm.s32 $0x2;
	[bflag:$0x0] =	sbarrier.arrive $0xFFFF  }
0x80: {  	s30 =	simm.s32 $0x1;
	[sflag:s2] =	ssyncpa.u1 $0x1  }
0x81: {  	[sflag:s30] =	ssyncpa.u1 $0x1  }
0x82: {  	_ =	sfence.stream.spmem  }
0x83: {  	s31 =	simm.s32 $0x3D;
	[bflag:$0x0] =	sbarrier.arrive $0xFFFF  }
0x84: {  	s2 =	simm.s32 @p0 $0x3D;
	[sflag:s31] =	ssyncpa.u1 $0x0  }
0x85: {  	[sflag:s2] =	ssyncpa.u1 @p0 $0x1  }
0x86: {  	[bflag:$0x0] =	sbarrier.arrive @p0 $0xFFFF  }
0x87: {  	_ =	strace @p0 $0x9000004A  }
0x88: {  	s3 =	simm.s32 @!p0 $0x1C3D;
	s2 =	simm.s32 @!p0 $0x0;
	[bflag:$0x2] =	sbarrier.arrive @p0 $0xFFFF  }
0x89: {  	[hbm:s1], [sflag:s3] =	dma.local @!p0 [spmem:s2], $0x80  }
0x8a: {  	s1 =	simm.s32 @!p0 $0x3D  }
0x8b: {  	_ =	swait.ge @!p0 [sflag:s1], $0x80  }
0x8c: {  	[sflag:s1] =	ssyncset.done @!p0 $0x0  }
0x8d: {  	[sflag:s1] =	ssyncadd.s32 @!p0 $0xFFFFFF80  }
0x8e: {  	[sflag:s1] =	ssyncpa.u1 @!p0 $0x1  }
0x8f: {  	[bflag:$0x0] =	sbarrier.arrive @!p0 $0xFFFF  }
0x90: {  	_ =	strace @!p0 $0x9000004A  }
0x91: {  	s0 =	sadd.s32 @!p0 $0x100000, s0;
	[bflag:$0x2] =	sbarrier.arrive @!p0 $0xFFFF  }
0x92: {  	[sflag:s0] =	ssyncadd.tile.s32 @!p0 $0x1;
	_ =	shalt  }
.Lfunc_end3:
_tile_overlayer_lowered:
.L_overlay_start_3:
0x93: {  	(tag) =	ssettag $0x3  }
0x94: {  	s0 =	rddreg [dreg:$0x0];
	s2 =	stileid.u32  }
0x95: {  	s1 =	rddreg [dreg:$0x1];
	p0 =	sne.s32 s2, $0x0  }
0x96: {  	s3 =	rddreg [dreg:$0x2];
	[bflag:$0x3] =	sbarrier.arrive $0xFFFF;
	s2 =	simm.s32 @!p0 $0x1C01  }
0x97: {  	[timem:s3], [sflag:s2] =	dma.local @!p0 [hbm:s0], s1  }
0x98: {  	s0 =	simm.s32 @!p0 $0x1  }
0x99: {  	_ =	swait.ge @!p0 [sflag:s0], s1  }
0x9a: {  	s1 =	ssub.s32 @!p0 $0x0, s1;
	[sflag:s0] =	ssyncset.done @!p0 $0x0  }
0x9b: {  	[sflag:s0] =	ssyncadd.s32 @!p0 s1  }
0x9c: {  	[bflag:$0x3] =	sbarrier.arrive $0xFFFF  }
0x9d: {  	_ =	shalt  }

// kernel: scatter_offload_async_start.3
scs
__scs_entry_jumppad:
0x0: {  	(pc) =	sbr.rel $0x88, $3  }
0x1: {  	(tag) =	ssettag $0x0;
	lr =	simm.s32 $0x1  }
0x2: {  	[smem:$0x3F93] =	sst lr;
	_ =	strace $0xD0000000  }
0x3: {  	_ = 	snop  }
0x4: {  	_ = 	snop  }
0x5: {  	_ = 	snop  }
0x6: {  	_ = 	snop  }
0x7: {  	_ = 	snop  }
__scs_overlays_trampoline_lowered:
0x8: {  	[smem:$0x3FA2] =	sst s0  }
0x9: {  	[smem:$0x3FA3] =	sst s1  }
0xa: {  	[smem:$0x3FA4] =	sst s2  }
0xb: {  	[smem:$0x3FA5] =	sst s3  }
0xc: {  	[smem:$0x3FA6] =	sst s4  }
0xd: {  	[smem:$0x3FA7] =	sst s5  }
0xe: {  	[smem:$0x3FA8] =	sst s6  }
0xf: {  	[smem:$0x3FA9] =	sst s7  }
0x10: {  	[smem:$0x3FAA] =	sst s8  }
0x11: {  	[smem:$0x3FAB] =	sst s9;
	s0 =	simm.s32 @!p0 $0x0  }
0x12: {  	s1 =	sld [smem:$0x3F91];
	s0 =	simm.s32 @p0 $0x1  }
0x13: {  	[smem:$0x3FAC] =	sst s0;
	s0 =	simm.s32 @!p1 $0x0  }
0x14: {  	s2 =	sld [smem:$0x3F90];
	s0 =	simm.s32 @p1 $0x1  }
0x15: {  	[smem:$0x3FAD] =	sst s0;
	s0 =	simm.s32 @!p2 $0x0  }
0x16: {  	s3 =	sld [smem:$0x3FDB];
	s0 =	simm.s32 @p2 $0x1  }
0x17: {  	s4 =	simm.s32 $0x1BF5;
	[smem:$0x3FAF] =	sst s0  }
0x18: {  	s0 =	sld [smem:$0x3F92];
	_ =	swait.ge [sflag:s4], $0x0  }
0x19: {  	s7 =	sld [smem:$0x3F93]  }
0x1a: {  	s8 =	sadd.s32 $0xFFFFE003, lr  }
0x1b: {  	s9 =	sadd.s32 $0xFFFFFEF7, lr;
	s5 =	simm.s32 $0xFFFFFFFF;
	p2 =	slt.u32 s8, $0xFFFFF086  }
0x1c: {  	p1 =	slt.u32 s9, $0xF7A;
	s5 =	simm.s32 @!p2 $0x0  }
0x1d: {  	s5 =	simm.s32 @p1 $0x1;
	p0 =	seq.s32 s7, s2  }
0x1e: {  	s7 =	smul.u32 @!p0 $0xF7A, s2;
	p2 =	seq.s32 @!p0 s5, $0x0  }
0x1f: {  	s9 =	smul.u32 $0xF7A, s1;
	s8 =	simm.s32 @!p0 $0x1BF5;
	p2 =	por !p2, p0  }
0x20: {  	[sflag:s8] =	ssyncset.s32 @!p0 $0xFFFFF086;
	s6 =	sadd.s32 @!p0 s3, s7;
	s7 =	simm.s32 @!p0 $0x108  }
0x21: {  	s3 =	sadd.s32 s3, s9;
	s6 =	sadd.s32 @!p0 $0x88, s6;
	s7 =	simm.s32 @p2 $0x1082  }
0x22: {  	[simem:s7], [sflag:s8] =	dma.local @!p0 [hbm:s6], $0xF7A  }
0x23: {  	s9 =	sor.u32 $0xD0000000, s2;
	s6 =	simm.s32 $0x108;
	_ =	swait.ge @!p0 [sflag:s8], $0x0  }
0x24: {  	s3 =	sadd.s32 $0x88, s3;
	s6 =	simm.s32 @!p1 $0x1082;
	[sflag:s4] =	ssyncset.s32 $0xFFFFF086  }
0x25: {  	[simem:s6], [sflag:s4] =	dma.local [hbm:s3], $0xF7A  }
0x26: {  	[smem:$0x3F93] =	sst s1;
	(tag) =	ssettag s2;
	_ =	strace s9  }
0x27: {  	s1 =	sld [smem:$0x3FA3]  }
0x28: {  	s2 =	sld [smem:$0x3FA4]  }
0x29: {  	s4 =	sld [smem:$0x3FA6]  }
0x2a: {  	p0 =	seq.s32 s5, $0x0;
	s5 =	sld [smem:$0x3FA7]  }
0x2b: {  	s6 =	sld [smem:$0x3FA8]  }
0x2c: {  	s7 =	sld [smem:$0x3FA9]  }
0x2d: {  	s3 =	simm.s32 $0x108;
	s8 =	sld [smem:$0x3FAA]  }
0x2e: {  	s3 =	simm.s32 @!p0 $0x1082;
	s9 =	sld [smem:$0x3FAB]  }
0x2f: {  	lr =	sadd.s32 s0, s3;
	s0 =	sld [smem:$0x3FA2]  }
0x30: {  	s3 =	sld [smem:$0x3FA5]  }
0x31: {  	[smem:$0x3FAE] =	sst s10  }
0x32: {  	s10 =	sld [smem:$0x3FAC];
	_ =	sdelay $0x3  }
0x33: {  	p0 =	seq.s32 s10, $0x1;
	s10 =	sld [smem:$0x3FAE];
	_ =	sdelay $0x3  }
0x34: {  	[smem:$0x3FAE] =	sst s10  }
0x35: {  	s10 =	sld [smem:$0x3FAD];
	_ =	sdelay $0x3  }
0x36: {  	p1 =	seq.s32 s10, $0x1;
	s10 =	sld [smem:$0x3FAE];
	_ =	sdelay $0x3  }
0x37: {  	[smem:$0x3FAE] =	sst s10  }
0x38: {  	s10 =	sld [smem:$0x3FAF]  }
0x39: {  	_ = 	snop;
	(pc) =	sbr.ind lr, $3  }
0x3a: {  	_ = 	snop  }
0x3b: {  	_ = 	snop  }
0x3c: {  	p2 =	seq.s32 s10, $0x1;
	s10 =	sld [smem:$0x3FAE]  }
0x3d: {  	_ =	shalt  }
0x3e: {  	_ =	shalt  }
0x3f: {  	_ =	shalt  }
0x40: {  	_ =	shalt  }
0x41: {  	_ =	shalt  }
0x42: {  	_ =	shalt  }
0x43: {  	_ =	shalt  }
0x44: {  	_ =	shalt  }
0x45: {  	_ =	shalt  }
0x46: {  	_ =	shalt  }
0x47: {  	_ =	shalt  }
0x48: {  	_ =	shalt  }
0x49: {  	_ =	shalt  }
0x4a: {  	_ =	shalt  }
0x4b: {  	_ =	shalt  }
0x4c: {  	_ =	shalt  }
0x4d: {  	_ =	shalt  }
0x4e: {  	_ =	shalt  }
0x4f: {  	_ =	shalt  }
0x50: {  	_ =	shalt  }
0x51: {  	_ =	shalt  }
0x52: {  	_ =	shalt  }
0x53: {  	_ =	shalt  }
0x54: {  	_ =	shalt  }
0x55: {  	_ =	shalt  }
0x56: {  	_ =	shalt  }
0x57: {  	_ =	shalt  }
0x58: {  	_ =	shalt  }
0x59: {  	_ =	shalt  }
0x5a: {  	_ =	shalt  }
0x5b: {  	_ =	shalt  }
0x5c: {  	_ =	shalt  }
0x5d: {  	_ =	shalt  }
0x5e: {  	_ =	shalt  }
0x5f: {  	_ =	shalt  }
0x60: {  	_ =	shalt  }
0x61: {  	_ =	shalt  }
0x62: {  	_ =	shalt  }
0x63: {  	_ =	shalt  }
0x64: {  	_ =	shalt  }
0x65: {  	_ =	shalt  }
0x66: {  	_ =	shalt  }
0x67: {  	_ =	shalt  }
0x68: {  	_ =	shalt  }
0x69: {  	_ =	shalt  }
0x6a: {  	_ =	shalt  }
0x6b: {  	_ =	shalt  }
0x6c: {  	_ =	shalt  }
0x6d: {  	_ =	shalt  }
0x6e: {  	_ =	shalt  }
0x6f: {  	_ =	shalt  }
0x70: {  	_ =	shalt  }
0x71: {  	_ =	shalt  }
0x72: {  	_ =	shalt  }
0x73: {  	_ =	shalt  }
0x74: {  	_ =	shalt  }
0x75: {  	_ =	shalt  }
0x76: {  	_ =	shalt  }
0x77: {  	_ =	shalt  }
0x78: {  	_ =	shalt  }
0x79: {  	_ =	shalt  }
0x7a: {  	_ =	shalt  }
0x7b: {  	_ =	shalt  }
0x7c: {  	_ =	shalt  }
0x7d: {  	_ =	shalt  }
0x7e: {  	_ =	shalt  }
0x7f: {  	_ =	shalt  }
0x80: {  	_ =	shalt  }
0x81: {  	_ =	shalt  }
0x82: {  	_ =	shalt  }
0x83: {  	_ =	shalt  }
0x84: {  	_ =	shalt  }
0x85: {  	_ =	shalt  }
0x86: {  	_ =	shalt  }
0x87: {  	_ =	shalt  }
.Lfunc_end0:
.L_simem_size_0:
called_computation.3_lowered:
.L_overlay_start_0:
0x88: {  	s0 =	sld [smem:$0x3FD9]  }
0x89: {  	s1 =	sld [smem:$0x3FFE];
	_ =	sdelay $0x3  }
0x8a: {  	s0 =	sadd.s32 s1, s0  }
0x8b: {  	[smem:$0x3FBA] =	sst s0  }
0x8c: {  	_ = 	snop  }
0x8d: {  	(tm) =	ssettm $0x1  }
0x8e: {  	s15 =	sld [smem:$0x3FFB];
	_ =	sdelay $0x3  }
0x8f: {  	_ =	strace s15  }
0x90: {  	s0 =	sld [smem:$0x3FFC];
	_ =	sdelay $0x3  }
0x91: {  	_ =	strace s0  }
0x92: {  	s0 =	sld [smem:$0x3FFD];
	_ =	sdelay $0x3  }
0x93: {  	_ =	strace s0  }
0x94: {  	_ =	strace $0x8FFFFFFF  }
0x95: {  	s16 =	sld [smem:$0x3FDB];
	_ =	sdelay $0x1  }
0x96: {  	s17 =	simm.s32 $_scs_section_size  }
0x97: {  	s2 =	simm.s32 $_size__tile_overlayer_lowered;
	s3 =	simm.s32 $_tile_overlayer_lowered  }
0x98: {  	s20 =	simm.s32 $0x1BFF;
	s19 =	sshll.u32 s3, $0x1;
	s0 =	sadd.s32 s17, s16  }
0x99: {  	s4 =	simm.s32 $0x0;
	s18 =	sshll.u32 s2, $0x1;
	s2 =	sadd.s32 s19, s0  }
0x9a: {  	[timem:s4], [sflag:s20] =	dma.local [hbm:s2], s18  }
0x9b: {  	_ =	swait.ge [sflag:s20], s18  }
0x9c: {  	s1 =	ssub.s32 $0x0, s18;
	[sflag:s20] =	ssyncset.done $0x0  }
0x9d: {  	[sflag:s20] =	ssyncadd.s32 s1;
	_ =	sdelay $0x1  }
0x9e: {  	s21 =	simm.s32 $0x1B8B  }
0x9f: {  	_ =	swait.ge [sflag:s21], $0x1  }
0xa0: {  	[sflag:s21] =	ssyncset.done $0x0  }
0xa1: {  	s23 =	simm.s32 $0x1B8E;
	s22 =	sld [smem:$0x3FFE];
	[sflag:s21] =	ssyncadd.s32 $0xFFFFFFFF  }
0xa2: {  	s24 =	simm.s32 $execute0_lowered;
	[smem:$0x3FD2] =	sst s23  }
0xa3: {  	s2 =	sshll.u32 s24, $0x1;
	_ =	strace $0x80000055;
	[dreg:$0x1] =	wrdreg $0xFFFFFFFF  }
0xa4: {  	s25 =	simm.s32 $_size_execute0_lowered;
	s0 =	sadd.s32 s0, s2;
	[dreg:$0x0] =	wrdreg $0x0  }
0xa5: {  	s2 =	sshll.u32 s25, $0x1;
	[dreg:$0x2] =	wrdreg s0  }
0xa6: {  	[dreg:$0x3] =	wrdreg s2  }
0xa7: {  	[dreg:$0x4] =	wrdreg $0xC0  }
0xa8: {  	_ =	task [dreg:s4], $0x5FFFF  }
0xa9: {  	[dreg:$0x1] =	wrdreg $0xFFFFFFFF  }
0xaa: {  	[dreg:$0x0] =	wrdreg $0x60  }
0xab: {  	[dreg:$0x2] =	wrdreg s22  }
0xac: {  	[dreg:$0x3] =	wrdreg $0xA  }
0xad: {  	_ =	task.clear_ibuf [dreg:s4], $0x4FFFF;
	_ =	strace $0x90000055  }
0xae: {  	s26 =	simm.s32 $0xA;
	_ =	strace $0x80000057  }
0xaf: {  	_ =	swait.ge [sflag:s26], $0x1  }
0xb0: {  	[sflag:s26] =	ssyncadd.s32 $0xFFFFFFFF  }
0xb1: {  	_ =	strace $0x90000057  }
0xb2: {  	_ =	sfence  }
0xb3: {  	s28 =	sld [smem:$0x0];
	_ =	sdelay $0x1  }
0xb4: {  	s29 =	srdreg.scid  }
0xb5: {  	s30 =	sshll.u32 s29, $0xD;
	s31 =	sshrl.u32 s29, $0x2  }
0xb6: {  	s1 =	sand.u32 $0x1, s29;
	s2 =	sand.u32 $0x4000, s30;
	s0 =	sadd.s32 s31, s28  }
0xb7: {  	s1 =	sor.u32 s2, s1;
	s0 =	sshll.u32 s0, $0x11  }
0xb8: {  	s0 =	sor.u32 s0, s1  }
0xb9: {  	s0 =	sadd.s32 $0x8F2B, s0  }
0xba: {  	[sflag:s0] =	ssyncadd.remote.s32 $0x1  }
0xbb: {  	_ =	sfence.sel $0xFFFF  }
0xbc: {  	[dreg:$0x0] =	wrdreg $0xFFFFFFFF;
	(pc) =	sbr.abs _section_cstart, $3  }
0xbd: {  	[dreg:$0x1] =	wrdreg $0xFFFFFFFF  }
0xbe: {  	_ =	task.clear_ibuf [dreg:s4], $0x2FFFF;
	_ =	strace $0x9FFFFFFF  }
0xbf: {  	(tm) =	ssettm $0x7FFFFFFF  }
tec
execute0_lowered:
.L_overlay_start_1:
0x0: {  	(tag) =	ssettag $0x1  }
0x1: {  	s7 =	rddreg [dreg:$0x0]  }
0x2: {  	s0 =	rddreg [dreg:$0x1]  }
0x3: {  	_ =	strace $0x80000056;
	s3 =	stileid.u32;
	s4 =	simm.s32 $0x3E  }
0x4: {  	s1 =	sadd.s32 $0x1E200, s7;
	p0 =	sne.s32 s3, $0x0;
	[sflag:s4] =	ssyncpa.u1 $0x0  }
0x5: {  	s30 =	smin.u32 s3, $0x9;
	s2 =	simm.s32 @!p0 $0x1C3E;
	s5 =	simm.s32 @!p0 $0x0  }
0x6: {  	[spmem:s5], [sflag:s2] =	dma.local @!p0 [hbm:s1], $0x280  }
0x7: {  	s2 =	sadd.s32 s3, s30  }
0x8: {  	p1 =	slt.u32 s3, $0x9;
	s3 =	simm.s32 $0x2EE0;
	s2 =	smul.u32 $0x1770, s2  }
0x9: {  	s3 =	simm.s32 @!p1 $0x1770  }
0xa: {  	s3 =	sadd.s32 s3, s2  }
0xb: {  	s3 =	smin.u32 s3, $0x249F0  }
0xc: {  	s8 =	ssub.s32 s3, s2  }
0xd: {  	p1 =	sgt.s32 s8, $0x0  }
0xe: {  	s8 =	simm.s32 @!p1 $0x0  }
0xf: {  	s5 =	simm.s32 @!p0 $0x3E;
	s31 =	smulhi.u32 $0x57619F1, s8  }
0x10: {  	_ =	swait.ge @!p0 [sflag:s5], $0x280  }
0x11: {  	s6 =	simm.s32 $0x2;
	[sflag:s5] =	ssyncset.done @!p0 $0x0;
	s9 =	sshrl.u32 s31, $0x7  }
0x12: {  	s11 =	simm.s32 $0x0;
	[sflag:s5] =	ssyncadd.s32 @!p0 $0xFFFFFD80;
	s10 =	smul.u32 $0x1770, s9  }
.Ltmp0:
0x13: {  	s5 =	sadd.s32 $0x13600, s7;
	[bflag:$0x0] =	sbarrier.arrive $0xFFFF;
	(pc) =	sbr.rel .LBB2_1-.Ltmp0, $4  }
0x14: {  	s7 =	sadd.s32 $0x18000, s7;
	[sflag:s4] =	ssyncpa.u1 $0x1;
	s4 =	simm.s32 $0x1  }
0x15: {  	[sflag:s4] =	ssyncpa.u1 $0x0;
	p1 =	sne.s32 s8, s10;
	s8 =	simm.s32 $0x1  }
0x16: {  	(ifvalue) =	ssetifvalue $0x1400;
	[sflag:s6] =	ssyncpa.u1 $0x0;
	s8 =	simm.s32 @!p1 $0x0  }
0x17: {  	vm0 =	vmmov $0xffff;
	s10 =	smov.u32 s2;
	s8 =	sadd.s32 s8, s9;
	s9 =	simm.s32 $0x0  }
.LBB2_5:
0x18: {  	p2 =	sne.s32 s11, s8  }
.Ltmp1:
0x19: {  	_ = 	snop;
	(pc) =	sbr.rel @!p2 .LBB2_6-.Ltmp1, $4  }
0x1a: {  	_ = 	snop  }
0x1b: {  	s12 =	sadd.s32 $0x1770, s10  }
0x1c: {  	s10 =	smov.u32 s2;
	s13 =	sadd.s32 $0x1, s11;
	p1 =	slt.s32 s12, s3  }
0x1d: {  	s11 =	smov.u32 s13;
	s10 =	smov.u32 @p1 s12  }
.LBB2_1:
0x1e: {  	p1 =	sge.u32 s11, s8  }
0x1f: {  	s12 =	sxor.u32 @!p1 $0xFFFFFFFF, s11  }
0x20: {  	s12 =	sand.u32 @!p1 $0x1, s12  }
0x21: {  	s12 =	smul.u32 @!p1 $0x1770, s12  }
0x22: {  	s13 =	sshrl.u32 @!p1 s10, $0x3  }
0x23: {  	s16 =	sand.u32 @!p1 $0x7, s10;
	s14 =	sadd.s32 @!p1 s5, s13;
	s15 =	sadd.s32 @!p1 $0x140, s12  }
0x24: {  	[tilespmem:s15], [sflag:$0x2] =	stream.linear.gather @!p1 [hbm4b:s14+s16], $0x1770, $0x38;
	[tilespmem:$0x5F00] =	vst v63  }
0x25: {  	s13 =	sadd.s32 @!p1 s7, s13;
	s12 =	sadd.s32 @!p1 $0x3020, s12  }
0x26: {  	[tilespmem:s12], [sflag:$0x2] =	stream.linear.gather @!p1 [hbm4b:s13+s16], $0x1770, $0x38;
	[tilespmem:$0x5F00] =	vst v63  }
0x27: {  	p1 =	seq.s32 s11, $0x0  }
.Ltmp2:
0x28: {  	_ = 	snop;
	(pc) =	sbr.rel @p1 .LBB2_5-.Ltmp2, $1  }
0x29: {  	_ =	sdelay $0x3  }
0x2a: {  	s12 =	sand.u32 $0x1, s11  }
0x2b: {  	_ =	swait.ge [sflag:s6], $0x2EE0;
	p1 =	seq.s32 s12, $0x1;
	s12 =	simm.s32 $0x1770  }
0x2c: {  	[sflag:s6] =	ssyncset.done $0x0;
	s12 =	simm.s32 @!p1 $0x0  }
0x2d: {  	[sflag:s6] =	ssyncadd.s32 $0xFFFFD120;
	s14 =	sadd.s32 $0x140, s12  }
0x2e: {  	v0 =	vld.msk [tilespmem:s14+$0x0 ss:$0x1], $0xffff;
	_ =	sdelay $0x4  }
0x2f: {  	v0 =	vmin.u32 v0, $0x1400;
	_ =	sdelay $0x3  }
0x30: {  	s13 =	simm.s32 $0x0;
	s12 =	sadd.s32 $0x3020, s12;
	s14 =	sadd.s32 $0x10, s14  }
0x31: {  	[spmem:s9] =	stream.indirect_vreg.scatter.add.s32 [tilespmem:s12], [sflag:$0x1], $0x1, v0, vm0, $0x4038;
	[tilespmem:$0x5F00] =	vst v63  }
.LBB2_3:
0x32: {  	v0 =	vld.msk [tilespmem:s14+$0x0 ss:$0x1], $0xffff;
	s13 =	sadd.s32 $0x10, s13  }
0x33: {  	p1 =	slt.u32 s13, $0x1760;
	_ =	sdelay $0x4  }
0x34: {  	v0 =	vmin.u32 v0, $0x1400  }
.Ltmp3:
0x35: {  	(pc) =	sbr.rel @p1 .LBB2_3-.Ltmp3, $3  }
0x36: {  	_ =	sdelay $0x1  }
0x37: {  	s14 =	sadd.s32 $0x10, s14;
	s12 =	sadd.s32 $0x10, s12  }
0x38: {  	[spmem:s9] =	stream.indirect_vreg.scatter.add.s32 [tilespmem:s12], [sflag:$0x1], $0x1, v0, vm0, $0x4038;
	[tilespmem:$0x5F00] =	vst v63  }
.Ltmp4:
0x39: {  	(pc) =	sbr.rel .LBB2_5-.Ltmp4, $4  }
0x3a: {  	_ = 	snop  }
0x3b: {  	_ =	swait.ge [sflag:s4], $0x1770  }
0x3c: {  	[sflag:s4] =	ssyncset.done $0x0  }
0x3d: {  	[sflag:s4] =	ssyncadd.s32 $0xFFFFE890  }
.LBB2_6:
0x3e: {  	_ =	sfence.sel $0x180000  }
0x3f: {  	s2 =	simm.s32 $0x2;
	[bflag:$0x0] =	sbarrier.arrive $0xFFFF  }
0x40: {  	s30 =	simm.s32 $0x1;
	[sflag:s2] =	ssyncpa.u1 $0x1  }
0x41: {  	[sflag:s30] =	ssyncpa.u1 $0x1  }
0x42: {  	_ =	sfence.stream.spmem  }
0x43: {  	s31 =	simm.s32 $0x3D;
	[bflag:$0x0] =	sbarrier.arrive $0xFFFF  }
0x44: {  	s2 =	simm.s32 @p0 $0x3D;
	[sflag:s31] =	ssyncpa.u1 $0x0  }
0x45: {  	[sflag:s2] =	ssyncpa.u1 @p0 $0x1  }
0x46: {  	[bflag:$0x0] =	sbarrier.arrive @p0 $0xFFFF  }
0x47: {  	_ =	strace @p0 $0x90000056  }
0x48: {  	s3 =	simm.s32 @!p0 $0x1C3D;
	s2 =	simm.s32 @!p0 $0x0;
	[bflag:$0x2] =	sbarrier.arrive @p0 $0xFFFF  }
0x49: {  	[hbm:s1], [sflag:s3] =	dma.local @!p0 [spmem:s2], $0x280  }
0x4a: {  	s1 =	simm.s32 @!p0 $0x3D  }
0x4b: {  	_ =	swait.ge @!p0 [sflag:s1], $0x280  }
0x4c: {  	[sflag:s1] =	ssyncset.done @!p0 $0x0  }
0x4d: {  	[sflag:s1] =	ssyncadd.s32 @!p0 $0xFFFFFD80  }
0x4e: {  	[sflag:s1] =	ssyncpa.u1 @!p0 $0x1  }
0x4f: {  	[bflag:$0x0] =	sbarrier.arrive @!p0 $0xFFFF  }
0x50: {  	_ =	strace @!p0 $0x90000056  }
0x51: {  	s0 =	sadd.s32 @!p0 $0x100000, s0;
	[bflag:$0x2] =	sbarrier.arrive @!p0 $0xFFFF  }
0x52: {  	[sflag:s0] =	ssyncadd.tile.s32 @!p0 $0x1;
	_ =	shalt  }
.Lfunc_end2:
_tile_overlayer_lowered:
.L_overlay_start_2:
0x53: {  	(tag) =	ssettag $0x2  }
0x54: {  	s0 =	rddreg [dreg:$0x0];
	s2 =	stileid.u32  }
0x55: {  	s1 =	rddreg [dreg:$0x1];
	p0 =	sne.s32 s2, $0x0  }
0x56: {  	s3 =	rddreg [dreg:$0x2];
	[bflag:$0x3] =	sbarrier.arrive $0xFFFF;
	s2 =	simm.s32 @!p0 $0x1C01  }
0x57: {  	[timem:s3], [sflag:s2] =	dma.local @!p0 [hbm:s0], s1  }
0x58: {  	s0 =	simm.s32 @!p0 $0x1  }
0x59: {  	_ =	swait.ge @!p0 [sflag:s0], s1  }
0x5a: {  	s1 =	ssub.s32 @!p0 $0x0, s1;
	[sflag:s0] =	ssyncset.done @!p0 $0x0  }
0x5b: {  	[sflag:s0] =	ssyncadd.s32 @!p0 s1  }
0x5c: {  	[bflag:$0x3] =	sbarrier.arrive $0xFFFF  }
0x5d: {  	_ =	shalt  }

// kernel: scatter_offload_async_start.4
scs
__scs_entry_jumppad:
0x0: {  	(pc) =	sbr.rel $0x88, $3  }
0x1: {  	(tag) =	ssettag $0x0;
	lr =	simm.s32 $0x1  }
0x2: {  	[smem:$0x3F93] =	sst lr;
	_ =	strace $0xD0000000  }
0x3: {  	_ = 	snop  }
0x4: {  	_ = 	snop  }
0x5: {  	_ = 	snop  }
0x6: {  	_ = 	snop  }
0x7: {  	_ = 	snop  }
__scs_overlays_trampoline_lowered:
0x8: {  	[smem:$0x3FA2] =	sst s0  }
0x9: {  	[smem:$0x3FA3] =	sst s1  }
0xa: {  	[smem:$0x3FA4] =	sst s2  }
0xb: {  	[smem:$0x3FA5] =	sst s3  }
0xc: {  	[smem:$0x3FA6] =	sst s4  }
0xd: {  	[smem:$0x3FA7] =	sst s5  }
0xe: {  	[smem:$0x3FA8] =	sst s6  }
0xf: {  	[smem:$0x3FA9] =	sst s7  }
0x10: {  	[smem:$0x3FAA] =	sst s8  }
0x11: {  	[smem:$0x3FAB] =	sst s9;
	s0 =	simm.s32 @!p0 $0x0  }
0x12: {  	s1 =	sld [smem:$0x3F91];
	s0 =	simm.s32 @p0 $0x1  }
0x13: {  	[smem:$0x3FAC] =	sst s0;
	s0 =	simm.s32 @!p1 $0x0  }
0x14: {  	s2 =	sld [smem:$0x3F90];
	s0 =	simm.s32 @p1 $0x1  }
0x15: {  	[smem:$0x3FAD] =	sst s0;
	s0 =	simm.s32 @!p2 $0x0  }
0x16: {  	s3 =	sld [smem:$0x3FDB];
	s0 =	simm.s32 @p2 $0x1  }
0x17: {  	s4 =	simm.s32 $0x1BF5;
	[smem:$0x3FAF] =	sst s0  }
0x18: {  	s0 =	sld [smem:$0x3F92];
	_ =	swait.ge [sflag:s4], $0x0  }
0x19: {  	s7 =	sld [smem:$0x3F93]  }
0x1a: {  	s8 =	sadd.s32 $0xFFFFE003, lr  }
0x1b: {  	s9 =	sadd.s32 $0xFFFFFEF7, lr;
	s5 =	simm.s32 $0xFFFFFFFF;
	p2 =	slt.u32 s8, $0xFFFFF086  }
0x1c: {  	p1 =	slt.u32 s9, $0xF7A;
	s5 =	simm.s32 @!p2 $0x0  }
0x1d: {  	s5 =	simm.s32 @p1 $0x1;
	p0 =	seq.s32 s7, s2  }
0x1e: {  	s7 =	smul.u32 @!p0 $0xF7A, s2;
	p2 =	seq.s32 @!p0 s5, $0x0  }
0x1f: {  	s9 =	smul.u32 $0xF7A, s1;
	s8 =	simm.s32 @!p0 $0x1BF5;
	p2 =	por !p2, p0  }
0x20: {  	[sflag:s8] =	ssyncset.s32 @!p0 $0xFFFFF086;
	s6 =	sadd.s32 @!p0 s3, s7;
	s7 =	simm.s32 @!p0 $0x108  }
0x21: {  	s3 =	sadd.s32 s3, s9;
	s6 =	sadd.s32 @!p0 $0x88, s6;
	s7 =	simm.s32 @p2 $0x1082  }
0x22: {  	[simem:s7], [sflag:s8] =	dma.local @!p0 [hbm:s6], $0xF7A  }
0x23: {  	s9 =	sor.u32 $0xD0000000, s2;
	s6 =	simm.s32 $0x108;
	_ =	swait.ge @!p0 [sflag:s8], $0x0  }
0x24: {  	s3 =	sadd.s32 $0x88, s3;
	s6 =	simm.s32 @!p1 $0x1082;
	[sflag:s4] =	ssyncset.s32 $0xFFFFF086  }
0x25: {  	[simem:s6], [sflag:s4] =	dma.local [hbm:s3], $0xF7A  }
0x26: {  	[smem:$0x3F93] =	sst s1;
	(tag) =	ssettag s2;
	_ =	strace s9  }
0x27: {  	s1 =	sld [smem:$0x3FA3]  }
0x28: {  	s2 =	sld [smem:$0x3FA4]  }
0x29: {  	s4 =	sld [smem:$0x3FA6]  }
0x2a: {  	p0 =	seq.s32 s5, $0x0;
	s5 =	sld [smem:$0x3FA7]  }
0x2b: {  	s6 =	sld [smem:$0x3FA8]  }
0x2c: {  	s7 =	sld [smem:$0x3FA9]  }
0x2d: {  	s3 =	simm.s32 $0x108;
	s8 =	sld [smem:$0x3FAA]  }
0x2e: {  	s3 =	simm.s32 @!p0 $0x1082;
	s9 =	sld [smem:$0x3FAB]  }
0x2f: {  	lr =	sadd.s32 s0, s3;
	s0 =	sld [smem:$0x3FA2]  }
0x30: {  	s3 =	sld [smem:$0x3FA5]  }
0x31: {  	[smem:$0x3FAE] =	sst s10  }
0x32: {  	s10 =	sld [smem:$0x3FAC];
	_ =	sdelay $0x3  }
0x33: {  	p0 =	seq.s32 s10, $0x1;
	s10 =	sld [smem:$0x3FAE];
	_ =	sdelay $0x3  }
0x34: {  	[smem:$0x3FAE] =	sst s10  }
0x35: {  	s10 =	sld [smem:$0x3FAD];
	_ =	sdelay $0x3  }
0x36: {  	p1 =	seq.s32 s10, $0x1;
	s10 =	sld [smem:$0x3FAE];
	_ =	sdelay $0x3  }
0x37: {  	[smem:$0x3FAE] =	sst s10  }
0x38: {  	s10 =	sld [smem:$0x3FAF]  }
0x39: {  	_ = 	snop;
	(pc) =	sbr.ind lr, $3  }
0x3a: {  	_ = 	snop  }
0x3b: {  	_ = 	snop  }
0x3c: {  	p2 =	seq.s32 s10, $0x1;
	s10 =	sld [smem:$0x3FAE]  }
0x3d: {  	_ =	shalt  }
0x3e: {  	_ =	shalt  }
0x3f: {  	_ =	shalt  }
0x40: {  	_ =	shalt  }
0x41: {  	_ =	shalt  }
0x42: {  	_ =	shalt  }
0x43: {  	_ =	shalt  }
0x44: {  	_ =	shalt  }
0x45: {  	_ =	shalt  }
0x46: {  	_ =	shalt  }
0x47: {  	_ =	shalt  }
0x48: {  	_ =	shalt  }
0x49: {  	_ =	shalt  }
0x4a: {  	_ =	shalt  }
0x4b: {  	_ =	shalt  }
0x4c: {  	_ =	shalt  }
0x4d: {  	_ =	shalt  }
0x4e: {  	_ =	shalt  }
0x4f: {  	_ =	shalt  }
0x50: {  	_ =	shalt  }
0x51: {  	_ =	shalt  }
0x52: {  	_ =	shalt  }
0x53: {  	_ =	shalt  }
0x54: {  	_ =	shalt  }
0x55: {  	_ =	shalt  }
0x56: {  	_ =	shalt  }
0x57: {  	_ =	shalt  }
0x58: {  	_ =	shalt  }
0x59: {  	_ =	shalt  }
0x5a: {  	_ =	shalt  }
0x5b: {  	_ =	shalt  }
0x5c: {  	_ =	shalt  }
0x5d: {  	_ =	shalt  }
0x5e: {  	_ =	shalt  }
0x5f: {  	_ =	shalt  }
0x60: {  	_ =	shalt  }
0x61: {  	_ =	shalt  }
0x62: {  	_ =	shalt  }
0x63: {  	_ =	shalt  }
0x64: {  	_ =	shalt  }
0x65: {  	_ =	shalt  }
0x66: {  	_ =	shalt  }
0x67: {  	_ =	shalt  }
0x68: {  	_ =	shalt  }
0x69: {  	_ =	shalt  }
0x6a: {  	_ =	shalt  }
0x6b: {  	_ =	shalt  }
0x6c: {  	_ =	shalt  }
0x6d: {  	_ =	shalt  }
0x6e: {  	_ =	shalt  }
0x6f: {  	_ =	shalt  }
0x70: {  	_ =	shalt  }
0x71: {  	_ =	shalt  }
0x72: {  	_ =	shalt  }
0x73: {  	_ =	shalt  }
0x74: {  	_ =	shalt  }
0x75: {  	_ =	shalt  }
0x76: {  	_ =	shalt  }
0x77: {  	_ =	shalt  }
0x78: {  	_ =	shalt  }
0x79: {  	_ =	shalt  }
0x7a: {  	_ =	shalt  }
0x7b: {  	_ =	shalt  }
0x7c: {  	_ =	shalt  }
0x7d: {  	_ =	shalt  }
0x7e: {  	_ =	shalt  }
0x7f: {  	_ =	shalt  }
0x80: {  	_ =	shalt  }
0x81: {  	_ =	shalt  }
0x82: {  	_ =	shalt  }
0x83: {  	_ =	shalt  }
0x84: {  	_ =	shalt  }
0x85: {  	_ =	shalt  }
0x86: {  	_ =	shalt  }
0x87: {  	_ =	shalt  }
.Lfunc_end0:
.L_simem_size_0:
called_computation.4_lowered:
.L_overlay_start_0:
0x88: {  	s0 =	sld [smem:$0x3FD9]  }
0x89: {  	s1 =	sld [smem:$0x3FFE];
	_ =	sdelay $0x3  }
0x8a: {  	s0 =	sadd.s32 s1, s0  }
0x8b: {  	[smem:$0x3FBA] =	sst s0  }
0x8c: {  	_ = 	snop  }
0x8d: {  	s0 =	sld [smem:$0x3FD0];
	_ =	sdelay $0x2  }
0x8e: {  	s13 =	simm.s32 $0xD;
	s2 =	simm.s32 $0x10  }
0x8f: {  	[smem:s2], [sflag:s13] =	dma.local [hbm:s0], $0x1  }
0x90: {  	_ =	swait.eq [sflag:s13], $0x1  }
0x91: {  	[sflag:s13] =	ssyncset.done $0x0  }
0x92: {  	[sflag:s13] =	ssyncadd.s32 $0xFFFFFFFF  }
0x93: {  	s14 =	sld [smem:$0x12];
	(tm) =	ssettm $0x1  }
0x94: {  	s15 =	sld [smem:$0x3FFB];
	_ =	sdelay $0x3  }
0x95: {  	_ =	strace s15  }
0x96: {  	s1 =	sld [smem:$0x3FFC];
	_ =	sdelay $0x3  }
0x97: {  	_ =	strace s1  }
0x98: {  	s1 =	sld [smem:$0x3FFD];
	_ =	sdelay $0x3  }
0x99: {  	_ =	strace s1  }
0x9a: {  	_ =	strace $0x8FFFFFFF  }
0x9b: {  	s16 =	sld [smem:$0x3FDB];
	_ =	sdelay $0x1  }
0x9c: {  	s17 =	simm.s32 $_scs_section_size  }
0x9d: {  	s3 =	simm.s32 $_size__tile_overlayer_lowered;
	s4 =	simm.s32 $_tile_overlayer_lowered  }
0x9e: {  	s20 =	simm.s32 $0x1BFF;
	s19 =	sshll.u32 s4, $0x1;
	s1 =	sadd.s32 s17, s16  }
0x9f: {  	s5 =	simm.s32 $0x0;
	s18 =	sshll.u32 s3, $0x1;
	s3 =	sadd.s32 s19, s1  }
0xa0: {  	[timem:s5], [sflag:s20] =	dma.local [hbm:s3], s18  }
0xa1: {  	_ =	swait.ge [sflag:s20], s18  }
0xa2: {  	s2 =	ssub.s32 $0x0, s18;
	[sflag:s20] =	ssyncset.done $0x0  }
0xa3: {  	[sflag:s20] =	ssyncadd.s32 s2;
	_ =	sdelay $0x1  }
0xa4: {  	s21 =	simm.s32 $0x1B8B  }
0xa5: {  	_ =	swait.ge [sflag:s21], $0x1  }
0xa6: {  	[sflag:s21] =	ssyncset.done $0x0  }
0xa7: {  	s23 =	simm.s32 $0x1B8E;
	s22 =	sld [smem:$0x3FFE];
	[sflag:s21] =	ssyncadd.s32 $0xFFFFFFFF  }
0xa8: {  	s24 =	simm.s32 $execute0_lowered;
	[smem:$0x3FD2] =	sst s23  }
0xa9: {  	s3 =	sshll.u32 s24, $0x1;
	_ =	strace $0x80000058;
	[dreg:$0x1] =	wrdreg $0xFFFFFFFF  }
0xaa: {  	s25 =	simm.s32 $_size_execute0_lowered;
	s1 =	sadd.s32 s1, s3;
	[dreg:$0x0] =	wrdreg $0x0  }
0xab: {  	s3 =	sshll.u32 s25, $0x1;
	[dreg:$0x2] =	wrdreg s1  }
0xac: {  	[dreg:$0x3] =	wrdreg s3  }
0xad: {  	[dreg:$0x4] =	wrdreg $0xC0  }
0xae: {  	_ =	task [dreg:s5], $0x5FFFF  }
0xaf: {  	[dreg:$0x1] =	wrdreg $0xFFFFFFFF  }
0xb0: {  	[dreg:$0x0] =	wrdreg $0x60  }
0xb1: {  	[dreg:$0x2] =	wrdreg s14  }
0xb2: {  	[dreg:$0x3] =	wrdreg s22  }
0xb3: {  	[dreg:$0x4] =	wrdreg $0xB  }
0xb4: {  	_ =	task.clear_ibuf [dreg:s5], $0x5FFFF;
	_ =	strace $0x90000058  }
0xb5: {  	s26 =	simm.s32 $0xB;
	_ =	strace $0x8000005A  }
0xb6: {  	_ =	swait.ge [sflag:s26], $0x1  }
0xb7: {  	[sflag:s26] =	ssyncadd.s32 $0xFFFFFFFF  }
0xb8: {  	_ =	strace $0x9000005A  }
0xb9: {  	_ =	sfence  }
0xba: {  	s28 =	sld [smem:$0x0];
	_ =	sdelay $0x1  }
0xbb: {  	s29 =	srdreg.scid  }
0xbc: {  	s30 =	sshll.u32 s29, $0xD;
	s31 =	sshrl.u32 s29, $0x2  }
0xbd: {  	s2 =	sand.u32 $0x4000, s30;
	s1 =	sand.u32 $0x1, s29;
	s0 =	sadd.s32 s31, s28  }
0xbe: {  	s1 =	sor.u32 s2, s1;
	s0 =	sshll.u32 s0, $0x11  }
0xbf: {  	s0 =	sor.u32 s0, s1  }
0xc0: {  	s0 =	sadd.s32 $0x8F2B, s0  }
0xc1: {  	[sflag:s0] =	ssyncadd.remote.s32 $0x1  }
0xc2: {  	_ =	sfence.sel $0xFFFF  }
0xc3: {  	[dreg:$0x0] =	wrdreg $0xFFFFFFFF;
	(pc) =	sbr.abs _section_cstart, $3  }
0xc4: {  	[dreg:$0x1] =	wrdreg $0xFFFFFFFF  }
0xc5: {  	_ =	task.clear_ibuf [dreg:s5], $0x2FFFF;
	_ =	strace $0x9FFFFFFF  }
0xc6: {  	(tm) =	ssettm $0x7FFFFFFF  }
0xc7: {  	_ =	shalt  }
tec
execute0_lowered:
.L_overlay_start_1:
0x0: {  	(tag) =	ssettag $0x1  }
0x1: {  	s1 =	rddreg [dreg:$0x0]  }
0x2: {  	s0 =	rddreg [dreg:$0x1];
	_ =	strace $0x80000059;
	s2 =	simm.s32 $0x1  }
0x3: {  	s8 =	simm.s32 $0x208;
	v0 =	vimm.s32 $0x0;
	[sflag:s2] =	ssyncpa.u1 $0x0  }
0x4: {  	[tilespmem:s8+$0x70] =	vst v0  }
0x5: {  	[tilespmem:s8+$0x60] =	vst v0  }
0x6: {  	[tilespmem:s8+$0x50] =	vst v0  }
0x7: {  	[tilespmem:s8+$0x40] =	vst v0  }
0x8: {  	[tilespmem:s8+$0x30] =	vst v0  }
0x9: {  	s10 =	sadd.s32 $0x23400, s0;
	[tilespmem:s8+$0x20] =	vst v0  }
0xa: {  	s4 =	sadd.s32 $0x2C800, s0;
	s5 =	sadd.s32 $0x27E00, s0;
	s0 =	simm.s32 $0x40;
	[tilespmem:s8+$0x10] =	vst v0  }
.LBB2_1:
0xb: {  	s0 =	sadd.s32 $0x40, s0;
	[tilespmem:s8+$0x0] =	vst v0;
	s8 =	sadd.s32 $0x80, s8  }
0xc: {  	p0 =	slt.u32 s0, $0x3880;
	[tilespmem:s8+$0x70] =	vst v0  }
0xd: {  	[tilespmem:s8+$0x60] =	vst v0  }
.Ltmp0:
0xe: {  	[tilespmem:s8+$0x50] =	vst v0;
	(pc) =	sbr.rel @p0 .LBB2_1-.Ltmp0, $4  }
0xf: {  	[tilespmem:s8+$0x40] =	vst v0  }
0x10: {  	[tilespmem:s8+$0x30] =	vst v0  }
0x11: {  	[tilespmem:s8+$0x20] =	vst v0  }
0x12: {  	[tilespmem:s8+$0x10] =	vst v0  }
0x13: {  	s3 =	stileid.u32  }
0x14: {  	s0 =	smul.u32 $0x53, s3  }
0x15: {  	s2 =	smin.u32 s3, $0xC  }
0x16: {  	s0 =	sadd.s32 s2, s0  }
0x17: {  	p0 =	slt.u32 s3, $0xC;
	s6 =	smul.u32 $0x70, s0;
	s0 =	simm.s32 $0x24C0  }
0x18: {  	s0 =	simm.s32 @!p0 $0x2450  }
0x19: {  	s0 =	sadd.s32 s0, s6  }
0x1a: {  	s7 =	smin.u32 s0, $0x249F0  }
0x1b: {  	s0 =	ssub.s32 s7, s6  }
0x1c: {  	p0 =	sgt.s32 s0, $0x0  }
0x1d: {  	s26 =	simm.s32 $0x2;
	s0 =	simm.s32 @!p0 $0x0  }
0x1e: {  	s29 =	simm.s32 $0x7;
	s30 =	simm.s32 $0x8;
	s28 =	smulhi.u32 $0x92492493, s0  }
0x1f: {  	s31 =	simm.s32 $0x9;
	s11 =	simm.s32 $0x1;
	s21 =	simm.s32 $0x0  }
0x20: {  	p1 =	por $0x0, $0x0;
	s15 =	simm.s32 $0x80;
	s2 =	sshrl.u32 s28, $0x6  }
0x21: {  	s16 =	simm.s32 $0x400;
	s17 =	simm.s32 $0xA;
	s9 =	smul.u32 $0x70, s2  }
.Ltmp1:
0x22: {  	[tilespmem:s8+$0x0] =	vst v0;
	v0 =	vimm.s32 $0xFFFFFFFF;
	s18 =	simm.s32 $0x0;
	[sflag:s26] =	ssyncpa.u1 $0x0;
	(pc) =	sbr.rel .LBB2_3-.Ltmp1, $4  }
0x23: {  	[tilespmem:$0xE408] =	vst v0;
	[sflag:s29] =	ssyncpa.u1 $0x0;
	p0 =	sne.s32 s0, s9;
	s0 =	simm.s32 $0x1  }
0x24: {  	s20 =	simm.s32 $0x0;
	[sflag:s30] =	ssyncpa.u1 $0x0;
	s0 =	simm.s32 @!p0 $0x0  }
0x25: {  	s13 =	sshll.u32 s3, $0x9;
	[sflag:s31] =	ssyncpa.u1 $0x0;
	s12 =	sadd.s32 s0, s2  }
0x26: {  	v0 =	vlaneseq.u32;
	s19 =	smov.u32 s6;
	p0 =	por $0x1, $0x1;
	s14 =	sadd.s32 $0x1, s12  }
.LBB2_24:
0x27: {  	s0 =	sshrl.u32 s30, $0x2  }
.LBB2_26:
0x28: {  	_ =	swait.ge [sflag:s17], s0  }
0x29: {  	s31 =	ssub.s32 $0x0, s0;
	v1 =	vmov s23;
	vm0 =	veq.s32 v0, $0x0;
	[sflag:s17] =	ssyncset.done $0x0  }
0x2a: {  	vm15 =	veq.s32 v0, $0x2;
	v1 =	vsel vm0, s29, v1;
	[sflag:s17] =	ssyncadd.s32 s31  }
0x2b: {  	v1 =	vsel vm15, s21, v1;
	[sflag:s17] =	ssyncpa.u1 $0x1  }
0x2c: {  	[tilespmem:$0xE408] =	vst v1  }
.LBB2_27:
0x2d: {  	s0 =	sadd.s32 $0x70, s19  }
0x2e: {  	s2 =	smov.u32 s6;
	p2 =	slt.s32 s0, s7  }
0x2f: {  	s2 =	smov.u32 @p2 s0;
	p2 =	sne.s32 s20, s14  }
.Ltmp2:
0x30: {  	_ = 	snop;
	(pc) =	sbr.rel @!p2 .LBB2_28-.Ltmp2, $4  }
0x31: {  	_ = 	snop  }
0x32: {  	s21 =	smov.u32 s18  }
0x33: {  	s31 =	sadd.s32 $0x1, s20;
	s18 =	smov.u32 s19;
	p0 =	por !p0, !p0  }
0x34: {  	p1 =	por !p1, !p1;
	s20 =	smov.u32 s31;
	s19 =	smov.u32 s2  }
.LBB2_3:
0x35: {  	p2 =	sge.u32 s20, s12  }
0x36: {  	s0 =	smulhi.u32 @!p2 $0xAAAAAAAB, s20  }
0x37: {  	s2 =	smov.u32 s19;
	p3 =	sgt.s32 @!p2 s19, $0x24980  }
0x38: {  	s8 =	sshra.s32 @!p2 s19, $0x1F;
	p3 =	por !p3, p2;
	s0 =	sshrl.u32 @!p2 s0, $0x1  }
0x39: {  	s8 =	sand.u32 @!p2 s8, s19;
	s2 =	simm.s32 @p3 $0x24980;
	s0 =	smul.u32 @!p2 $0x3, s0  }
0x3a: {  	s2 =	ssub.s32 @!p2 s2, s8  }
0x3b: {  	s2 =	sadd.s32 @!p2 $0xFFFDB680, s2;
	s0 =	ssub.s32 @!p2 s20, s0  }
0x3c: {  	s8 =	sshll.u32 @!p2 s2, $0x2;
	p3 =	sgt.s32 @!p2 s2, $0x6F;
	s0 =	smul.u32 @!p2 $0x1C0, s0  }
0x3d: {  	s9 =	sand.u32 @!p2 $0x7, s19;
	s2 =	ssub.s32 @!p2 $0x1C0, s8;
	p3 =	por !p3, p2  }
0x3e: {  	s8 =	sshrl.u32 @!p2 s19, $0x3;
	s2 =	sshrl.u32 @!p2 s2, $0x2;
	s0 =	sshrl.u32 @!p2 s0, $0x2  }
0x3f: {  	s8 =	sadd.s32 @!p2 s5, s8;
	s2 =	simm.s32 @!p3 $0x0;
	s0 =	sadd.s32 @!p2 $0x10438, s0  }
0x40: {  	[tilespmem:s0], [sflag:$0x8] =	stream.linear.gather @!p2 [hbm4b:s8+s9], s2, $0x38;
	[tilespmem:$0x1E668] =	vst v63  }
0x41: {  	s0 =	sadd.s32 $0xFFFFFFFF, s20  }
0x42: {  	p2 =	sge.u32 s0, s12  }
0x43: {  	p3 =	sgt.s32 @!p2 s18, $0x24980  }
0x44: {  	s2 =	smov.u32 s18;
	s8 =	sshra.s32 @!p2 s18, $0x1F;
	p3 =	por !p3, p2  }
0x45: {  	s8 =	sand.u32 @!p2 s8, s18;
	s2 =	simm.s32 @p3 $0x24980  }
0x46: {  	s2 =	ssub.s32 @!p2 s2, s8  }
0x47: {  	s2 =	sadd.s32 @!p2 $0xFFFDB680, s2  }
0x48: {  	s8 =	sshll.u32 @!p2 s2, $0x2  }
0x49: {  	p3 =	sgt.s32 @!p2 s2, $0x6F;
	s2 =	ssub.s32 @!p2 $0x1C0, s8  }
0x4a: {  	p3 =	por !p3, p2;
	s2 =	sshrl.u32 @!p2 s2, $0x2  }
0x4b: {  	s9 =	simm.s32 @!p2 $0x8;
	s8 =	sand.u32 @!p2 $0x1, s0;
	s2 =	simm.s32 @!p3 $0x0  }
0x4c: {  	s8 =	smul.u32 @!p2 $0x1C0, s8;
	_ =	swait.ge @!p2 [sflag:s9], s2  }
0x4d: {  	s22 =	ssub.s32 @!p2 $0x0, s2;
	[sflag:s9] =	ssyncset.done @!p2 $0x0  }
0x4e: {  	s8 =	sshrl.u32 @!p2 s8, $0x2;
	[sflag:s9] =	ssyncadd.s32 @!p2 s22;
	s9 =	sshrl.u32 @!p2 s18, $0x3  }
0x4f: {  	s8 =	sor.u32 @!p2 $0x10588, s8;
	s22 =	sand.u32 @!p2 $0x7, s18;
	s9 =	sadd.s32 @!p2 s10, s9  }
0x50: {  	[tilespmem:s8], [sflag:$0x9] =	stream.linear.gather @!p2 [hbm4b:s9+s22], s2, $0x38;
	[tilespmem:$0x1E668] =	vst v63  }
0x51: {  	s22 =	ssub.s32 @!p2 $0x249F0, s18  }
0x52: {  	p3 =	slt.s32 @!p2 s22, $0x1  }
0x53: {  	p3 =	por p2, p3  }
.Ltmp3:
0x54: {  	_ = 	snop;
	(pc) =	sbr.rel @p3 .LBB2_9-.Ltmp3, $1  }
0x55: {  	_ =	sdelay $0x3  }
0x56: {  	s2 =	smulhi.u32 $0xAAAAAAAB, s0;
	_ =	sdelay $0x1  }
0x57: {  	s2 =	sshrl.u32 s2, $0x1  }
0x58: {  	s2 =	smul.u32 $0x3, s2;
	_ =	sdelay $0x1  }
0x59: {  	s29 =	ssub.s32 s0, s2  }
0x5a: {  	s8 =	simm.s32 $0x1;
	s0 =	smul.u32 $0x1C0, s29  }
.Ltmp4:
0x5b: {  	s8 =	simm.s32 @!p0 $0x0;
	(pc) =	sbr.rel .LBB2_6-.Ltmp4, $4  }
0x5c: {  	s30 =	smul.u32 $0x1C000, s8  }
0x5d: {  	p3 =	slt.s32 @!p2 s22, $0x70;
	s0 =	sshrl.u32 s0, $0x2  }
0x5e: {  	p2 =	por !p3, p2;
	s2 =	sshrl.u32 s30, $0x2;
	s31 =	sadd.s32 $0x10438, s0  }
0x5f: {  	s22 =	simm.s32 @p2 $0x70;
	s23 =	sor.u32 $0x10668, s2;
	s0 =	simm.s32 $0x0;
	v1 =	vmov s31  }
.LBB2_5:
0x60: {  	p2 =	sge.s32 s0, s22  }
.Ltmp5:
0x61: {  	_ = 	snop;
	(pc) =	sbr.rel @p2 .LBB2_9-.Ltmp5, $2  }
0x62: {  	_ =	sdelay $0x2  }
0x63: {  	s23 =	sadd.s32 $0x1000, s23  }
.LBB2_6:
0x64: {  	p2 =	sle.s32 s22, s0  }
.Ltmp6:
0x65: {  	_ = 	snop;
	(pc) =	sbr.rel @p2 .LBB2_5-.Ltmp6, $2  }
0x66: {  	_ =	sdelay $0x2  }
0x67: {  	s24 =	smov.u32 s0;
	s0 =	sadd.s32 $0x10, s0  }
0x68: {  	s2 =	ssub.s32 s22, s24  }
0x69: {  	p2 =	slt.s32 s2, $0x10  }
0x6a: {  	s2 =	simm.s32 @!p2 $0x10  }
0x6b: {  	v2 =	vmov s2  }
0x6c: {  	vm0 =	vgt.s32 v2, v0;
	_ =	sdelay $0x5  }
0x6d: {  	v2 =	vld.idx.msk [tilespmem:v1+s24+$0x0 ss:$0x1], vm0;
	_ =	sdelay $0x2  }
0x6e: {  	p2 =	slt.s32 s0, s22;
	s2 =	smov.u32 s22  }
0x6f: {  	s8 =	smov.u32 s23;
	s25 =	simm.s32 $0x0;
	s2 =	smov.u32 @p2 s0  }
.LBB2_8:
0x70: {  	(v2sf) =	vpush v2, s25;
	_ =	sdelay $0xe  }
0x71: {  	s25 =	sadd.s32 $0x1, s25;
	s9 =	spop (v2sf)  }
0x72: {  	s31 =	sadd.s32 s25, s24;
	s26 =	sshll.u32 s9, $0x8;
	s9 =	sshll.u32 s9, $0x7  }
0x73: {  	p2 =	slt.s32 s31, s2;
	s26 =	sand.u32 $0xFFFFF800, s26;
	s9 =	sand.u32 $0x380, s9  }
.Ltmp7:
0x74: {  	s9 =	sor.u32 s9, s26;
	(pc) =	sbr.rel @p2 .LBB2_8-.Ltmp7, $4  }
0x75: {  	s9 =	sshrl.u32 s9, $0x3  }
0x76: {  	s9 =	sadd.s32 s4, s9  }
0x77: {  	[tilespmem:s8], [sflag:$0x7] =	stream.strided.gather [hbm4b:s9+s15], $0x100, s16, s15, $0x38;
	[tilespmem:$0x1E668] =	vst v63  }
0x78: {  	s8 =	sadd.s32 $0x100, s8  }
.Ltmp8:
0x79: {  	_ = 	snop;
	(pc) =	sbr.rel .LBB2_5-.Ltmp8, $1  }
0x7a: {  	_ =	sdelay $0x3  }
.LBB2_9:
0x7b: {  	p2 =	slt.u32 s20, $0x2  }
.Ltmp9:
0x7c: {  	_ = 	snop;
	(pc) =	sbr.rel @p2 .LBB2_27-.Ltmp9, $1  }
0x7d: {  	_ =	sdelay $0x3  }
0x7e: {  	p2 =	sgt.s32 s21, $0x24980;
	s0 =	smov.u32 s21  }
0x7f: {  	s2 =	sshra.s32 s21, $0x1F;
	s8 =	ssub.s32 $0x249F0, s21;
	s0 =	simm.s32 @!p2 $0x24980  }
0x80: {  	s2 =	sand.u32 s2, s21;
	p2 =	slt.s32 s8, $0x70;
	s9 =	smov.u32 s8  }
0x81: {  	s0 =	ssub.s32 s0, s2;
	s9 =	simm.s32 @!p2 $0x70  }
0x82: {  	s0 =	sadd.s32 $0xFFFDB680, s0;
	s25 =	sshll.u32 s9, $0x8  }
0x83: {  	s3 =	simm.s32 $0x7;
	s26 =	sshll.u32 s0, $0x2;
	s2 =	sand.u32 $0x3FFFFF00, s25  }
0x84: {  	p2 =	sgt.s32 s0, $0x6F;
	s28 =	ssub.s32 $0x1C0, s26;
	_ =	swait.ge [sflag:s3], s2  }
0x85: {  	s2 =	ssub.s32 $0x0, s2;
	[sflag:s3] =	ssyncset.done $0x0;
	s0 =	sshrl.u32 s28, $0x2  }
0x86: {  	s30 =	simm.s32 $0x9;
	[sflag:s3] =	ssyncadd.s32 s2;
	s0 =	simm.s32 @p2 $0x0  }
0x87: {  	_ =	swait.ge [sflag:s30], s0  }
0x88: {  	s0 =	ssub.s32 $0x0, s0;
	[sflag:s30] =	ssyncset.done $0x0  }
0x89: {  	[sflag:s30] =	ssyncadd.s32 s0  }
0x8a: {  	v1 =	vld [tilespmem:$0xE408];
	_ =	sdelay $0x4  }
0x8b: {  	(v2sf) =	vpush v1, $0x0  }
0x8c: {  	(v2sf) =	vpush v1, $0x1  }
0x8d: {  	(v2sf) =	vpush v1, $0x2;
	_ =	sdelay $0x3  }
0x8e: {  	s0 =	sadd.s32 $0x70, s21  }
0x8f: {  	p2 =	slt.s32 s7, s0  }
0x90: {  	s0 =	smov.u32 @p2 s7;
	p2 =	sgt.s32 s8, $0x0  }
0x91: {  	s25 =	ssub.s32 s0, s21;
	s8 =	simm.s32 @!p2 $0x0  }
0x92: {  	p2 =	slt.s32 s8, s25  }
0x93: {  	s25 =	smov.u32 @p2 s8  }
0x94: {  	s24 =	simm.s32 $0x1;
	p2 =	slt.s32 s25, $0x1  }
.Ltmp10:
0x95: {  	s24 =	simm.s32 @!p1 $0x0;
	(pc) =	sbr.rel @p2 .LBB2_14-.Ltmp10, $4  }
0x96: {  	s31 =	smul.u32 $0x1C0, s24  }
0x97: {  	s26 =	spop (v2sf)  }
0x98: {  	s0 =	sshrl.u32 s31, $0x2;
	s29 =	spop (v2sf)  }
0x99: {  	s22 =	sor.u32 $0x10588, s0;
	s21 =	spop (v2sf)  }
0x9a: {  	s0 =	smin.u32 s25, $0x10  }
0x9b: {  	v1 =	vmov s0  }
0x9c: {  	vm1 =	vgt.u32 v1, v0  }
0x9d: {  	p3 =	sgt.s32 s25, $0x10  }
.Ltmp11:
0x9e: {  	_ = 	snop;
	(pc) =	sbr.rel @!p3 .LBB2_13-.Ltmp11, $2  }
0x9f: {  	_ =	sdelay $0x2  }
0xa0: {  	s23 =	simm.s32 $0x10;
	s28 =	sadd.s32 $0xFFFFFFF0, s25;
	s0 =	smov.u32 s22;
	vm0 =	vmmov vm1;
	v1 =	vld.msk [tilespmem:s22+$0x0 ss:$0x1], vm1  }
.LBB2_12:
0xa1: {  	s2 =	smin.u32 s28, $0x10;
	s23 =	sadd.s32 $0x10, s23  }
0xa2: {  	v2 =	vmov s2;
	p3 =	slt.s32 s23, s25  }
0xa3: {  	vm1 =	vgt.u32 v2, v0;
	_ =	sdelay $0x1  }
0xa4: {  	v2 =	vshll.u32 v1, $0x5;
	v1 =	vshll.u32 v1, $0x4  }
.Ltmp12:
0xa5: {  	v2 =	vand.u32 $0xFFFFFF00, v2;
	v1 =	vand.u32 $0x70, v1;
	(pc) =	sbr.rel @p3 .LBB2_12-.Ltmp12, $4  }
0xa6: {  	v1 =	vor.u32 v1, v2  }
0xa7: {  	[tilespmem:s0+$0x0] =	vst.msk vm0, v1;
	s0 =	sadd.s32 $0x10, s0;
	vm0 =	vmmov vm1  }
0xa8: {  	v1 =	vld.msk [tilespmem:s0+$0x0 ss:$0x1], vm1  }
0xa9: {  	s28 =	sadd.s32 $0xFFFFFFF0, s28  }
.LBB2_13:
0xaa: {  	_ =	sdelay $0x3  }
0xab: {  	v2 =	vshll.u32 v1, $0x5;
	v1 =	vshll.u32 v1, $0x4  }
0xac: {  	v2 =	vand.u32 $0xFFFFFF00, v2;
	v1 =	vand.u32 $0x70, v1  }
0xad: {  	v1 =	vor.u32 v1, v2  }
0xae: {  	[tilespmem:s0+$0x0] =	vst.msk vm0, v1  }
.LBB2_14:
0xaf: {  	s0 =	sand.u32 $0x1, s20  }
0xb0: {  	s0 =	smul.u32 $0x70, s0  }
0xb1: {  	p3 =	sne.s32 s29, $0xFFFFFFFF  }
0xb2: {  	v1 =	vld.msk @!p3 [tilespmem:s0+$0x10588], $0x1;
	_ =	sdelay $0x4  }
0xb3: {  	(v2sf) =	vpush @!p3 v1, $0x0;
	_ =	sdelay $0xc  }
.Ltmp13:
0xb4: {  	_ = 	snop;
	(pc) =	sbr.rel @p2 .LBB2_25-.Ltmp13, $4  }
0xb5: {  	_ = 	snop  }
0xb6: {  	s28 =	spop @!p3 (v2sf)  }
0xb7: {  	s21 =	simm.s32 @!p3 $0x0;
	s23 =	smov.u32 s28  }
0xb8: {  	[sflag:s17] =	ssyncpa.u1 $0x0;
	s28 =	smov.u32 @p3 s26;
	s23 =	smov.u32 @p3 s29  }
0xb9: {  	v1 =	vld.msk [tilespmem:s22+$0x0], $0x1;
	_ =	sdelay $0x4  }
0xba: {  	(v2sf) =	vpush v1, $0x0;
	_ =	sdelay $0xd  }
0xbb: {  	s17 =	smov.u32 s6  }
0xbc: {  	s6 =	smov.u32 s14;
	s14 =	smov.u32 s5;
	s30 =	spop (v2sf)  }
0xbd: {  	s5 =	smov.u32 s10;
	s0 =	smul.u32 $0x1C000, s24;
	p2 =	seq.s32 s28, s30  }
0xbe: {  	s2 =	smov.u32 s28;
	s25 =	ssub.s32 $0x0, s25;
	p3 =	sgt.s32 @!p2 s28, $0x0  }
0xbf: {  	s26 =	simm.s32 $0x0;
	s0 =	sshrl.u32 s0, $0x2;
	p3 =	por !p3, p2  }
0xc0: {  	s29 =	sadd.s32 $0x1, s25;
	s24 =	sor.u32 $0x106E8, s0;
	s2 =	simm.s32 @p3 $0x0  }
0xc1: {  	s0 =	simm.s32 @!p2 $0x1;
	p3 =	seq.s32 s29, $0x0;
	s2 =	smin.u32 @!p2 s2, $0x6970  }
.Ltmp14:
0xc2: {  	s9 =	simm.s32 @!p2 $0x7308;
	s8 =	sand.u32 @!p2 $0x7FF8, s2;
	(pc) =	sbr.rel @p3 .LBB2_17-.Ltmp14, $4  }
0xc3: {  	s31 =	sadd.s32 @!p2 $0x80, s2;
	s10 =	sadd.s32 @!p2 s1, s8;
	s8 =	sand.u32 @!p2 $0x7, s2  }
0xc4: {  	[tilespmem:s9], [sflag:$0x2] =	stream.linear.gather @!p2 [hbm4b:s10+s8], $0x80, $0x38;
	[tilespmem:$0x1E668] =	vst v63  }
0xc5: {  	s0 =	smov.u32 @p2 s26;
	s9 =	sand.u32 @!p2 $0xFFF8, s31  }
0xc6: {  	s2 =	simm.s32 @!p2 $0x7388;
	s31 =	sadd.s32 $0x1, s22;
	s9 =	sadd.s32 @!p2 s1, s9  }
.LBB2_16:
0xc7: {  	s10 =	smov.u32 s0  }
0xc8: {  	[tilespmem:s2], [sflag:$0x2] =	stream.linear.gather @!p2 [hbm4b:s9+s8], $0x80, $0x38;
	[tilespmem:$0x1E668] =	vst v63  }
0xc9: {  	s29 =	sadd.s32 $0x1, s29;
	s8 =	smov.u32 s30;
	v1 =	vld.msk [tilespmem:s31+$0x0], $0x1  }
0xca: {  	p3 =	seq.s32 s29, $0x0;
	_ =	sdelay $0x3  }
0xcb: {  	(v2sf) =	vpush v1, $0x0;
	_ =	sdelay $0xe  }
0xcc: {  	s30 =	spop (v2sf)  }
0xcd: {  	p2 =	seq.s32 s8, s30  }
0xce: {  	p4 =	sgt.s32 @!p2 s8, $0x0;
	s2 =	sshll.u32 @!p2 s0, $0xA;
	s0 =	sadd.s32 @!p2 $0x1, s0  }
0xcf: {  	p4 =	por !p4, p2;
	s2 =	sshra.s32 @!p2 s2, $0x2;
	s0 =	smov.u32 @p2 s10  }
0xd0: {  	s8 =	simm.s32 @p4 $0x0;
	s9 =	sadd.s32 @!p2 $0x7308, s2;
	s2 =	sadd.s32 @!p2 $0x7388, s2  }
.Ltmp15:
0xd1: {  	s8 =	smin.u32 @!p2 s8, $0x6970;
	(pc) =	sbr.rel @!p3 .LBB2_16-.Ltmp15, $4  }
0xd2: {  	s10 =	sand.u32 @!p2 $0x7FF8, s8;
	s3 =	sadd.s32 @!p2 $0x80, s8  }
0xd3: {  	s8 =	sand.u32 @!p2 $0x7, s8;
	s10 =	sadd.s32 @!p2 s1, s10;
	s3 =	sand.u32 @!p2 $0xFFF8, s3  }
0xd4: {  	[tilespmem:s9], [sflag:$0x2] =	stream.linear.gather @!p2 [hbm4b:s10+s8], $0x80, $0x38;
	[tilespmem:$0x1E668] =	vst v63  }
0xd5: {  	s31 =	sadd.s32 $0x1, s31;
	s9 =	sadd.s32 @!p2 s1, s3  }
.LBB2_17:
0xd6: {  	[tilespmem:s2], [sflag:$0x2] =	stream.linear.gather @!p2 [hbm4b:s9+s8], $0x80, $0x38;
	[tilespmem:$0x1E668] =	vst v63  }
.Ltmp16:
0xd7: {  	s0 =	sshll.u32 s0, $0x8;
	(pc) =	sbr.rel .LBB2_18-.Ltmp16, $4  }
0xd8: {  	s31 =	simm.s32 $0x2;
	s30 =	simm.s32 $0x0;
	s0 =	sand.u32 $0x3FFFFF00, s0  }
0xd9: {  	s10 =	smov.u32 s5;
	s5 =	smov.u32 s14;
	_ =	swait.ge [sflag:s31], s0  }
0xda: {  	s14 =	smov.u32 s6;
	s0 =	ssub.s32 $0x0, s0;
	[sflag:s31] =	ssyncset.done $0x0  }
0xdb: {  	s6 =	smov.u32 s17;
	s17 =	simm.s32 $0xA;
	[sflag:s31] =	ssyncadd.s32 s0  }
.LBB2_19:
0xdc: {  	v1 =	vld [tilespmem:s24+$0xFFFFFF80];
	_ =	sdelay $0x4  }
0xdd: {  	[tilespmem:s31+$0x208] =	vst.add.f32.msk $0xffff, v1  }
0xde: {  	v1 =	vld [tilespmem:s24+$0xFFFFFF90];
	_ =	sdelay $0x4  }
0xdf: {  	[tilespmem:s31+$0x218] =	vst.add.f32.msk $0xffff, v1  }
0xe0: {  	v1 =	vld [tilespmem:s24+$0xFFFFFFA0];
	_ =	sdelay $0x4  }
0xe1: {  	[tilespmem:s31+$0x228] =	vst.add.f32.msk $0xffff, v1  }
0xe2: {  	v1 =	vld [tilespmem:s24+$0xFFFFFFB0];
	_ =	sdelay $0x4  }
0xe3: {  	[tilespmem:s31+$0x238] =	vst.add.f32.msk $0xffff, v1  }
0xe4: {  	v1 =	vld [tilespmem:s24+$0xFFFFFFC0];
	_ =	sdelay $0x4  }
0xe5: {  	[tilespmem:s31+$0x248] =	vst.add.f32.msk $0xffff, v1  }
0xe6: {  	v1 =	vld [tilespmem:s24+$0xFFFFFFD0];
	_ =	sdelay $0x4  }
0xe7: {  	[tilespmem:s31+$0x258] =	vst.add.f32.msk $0xffff, v1  }
0xe8: {  	v1 =	vld [tilespmem:s24+$0xFFFFFFE0];
	_ =	sdelay $0x4  }
0xe9: {  	[tilespmem:s31+$0x268] =	vst.add.f32.msk $0xffff, v1  }
0xea: {  	v1 =	vld [tilespmem:s24+$0xFFFFFFF0];
	_ =	sdelay $0x4  }
0xeb: {  	[tilespmem:s31+$0x278] =	vst.add.f32.msk $0xffff, v1  }
0xec: {  	v1 =	vld [tilespmem:s24+$0x0];
	_ =	sdelay $0x4  }
0xed: {  	[tilespmem:s31+$0x288] =	vst.add.f32.msk $0xffff, v1  }
0xee: {  	v1 =	vld [tilespmem:s24+$0x10];
	_ =	sdelay $0x4  }
0xef: {  	[tilespmem:s31+$0x298] =	vst.add.f32.msk $0xffff, v1  }
0xf0: {  	v1 =	vld [tilespmem:s24+$0x20];
	_ =	sdelay $0x4  }
0xf1: {  	[tilespmem:s31+$0x2A8] =	vst.add.f32.msk $0xffff, v1  }
0xf2: {  	v1 =	vld [tilespmem:s24+$0x30];
	_ =	sdelay $0x4  }
0xf3: {  	[tilespmem:s31+$0x2B8] =	vst.add.f32.msk $0xffff, v1  }
0xf4: {  	v1 =	vld [tilespmem:s24+$0x40];
	_ =	sdelay $0x4  }
0xf5: {  	[tilespmem:s31+$0x2C8] =	vst.add.f32.msk $0xffff, v1  }
0xf6: {  	v1 =	vld [tilespmem:s24+$0x50];
	_ =	sdelay $0x4  }
0xf7: {  	[tilespmem:s31+$0x2D8] =	vst.add.f32.msk $0xffff, v1  }
0xf8: {  	v1 =	vld [tilespmem:s24+$0x60];
	_ =	sdelay $0x4  }
0xf9: {  	[tilespmem:s31+$0x2E8] =	vst.add.f32.msk $0xffff, v1  }
0xfa: {  	v1 =	vld [tilespmem:s24+$0x70];
	_ =	sdelay $0x4  }
0xfb: {  	[tilespmem:s31+$0x2F8] =	vst.add.f32.msk $0xffff, v1  }
.LBB2_23:
0xfc: {  	s25 =	sadd.s32 $0x1, s25  }
0xfd: {  	p2 =	seq.s32 s25, $0x0  }
.Ltmp17:
0xfe: {  	_ = 	snop;
	(pc) =	sbr.rel @p2 .LBB2_24-.Ltmp17, $2  }
0xff: {  	_ =	sdelay $0x2  }
0x100: {  	s22 =	sadd.s32 $0x1, s22;
	s24 =	sadd.s32 $0x100, s24;
	s28 =	smov.u32 s29  }
.LBB2_18:
0x101: {  	v1 =	vld.msk [tilespmem:s22+$0x0], $0x1;
	_ =	sdelay $0x4  }
0x102: {  	(v2sf) =	vpush v1, $0x0;
	_ =	sdelay $0xe  }
0x103: {  	s29 =	spop (v2sf)  }
0x104: {  	p2 =	sne.s32 s28, s29  }
.Ltmp18:
0x105: {  	_ = 	snop;
	(pc) =	sbr.rel @!p2 .LBB2_19-.Ltmp18, $3  }
0x106: {  	_ =	sdelay $0x1  }
0x107: {  	s0 =	sshll.u32 s21, $0xA  }
0x108: {  	s31 =	sshra.s32 s0, $0x2  }
0x109: {  	p2 =	seq.s32 s28, s23  }
.Ltmp19:
0x10a: {  	_ = 	snop;
	(pc) =	sbr.rel @!p2 .LBB2_21-.Ltmp19, $1  }
0x10b: {  	_ =	sdelay $0x3  }
.Ltmp20:
0x10c: {  	s0 =	sadd.s32 $0x208, s31;
	(pc) =	sbr.rel .LBB2_22-.Ltmp20, $4  }
0x10d: {  	[spmem:s13] =	stream.linear.scatter [tilespmem:s0], [sflag:$0x1], $0x100, $0x38;
	[tilespmem:$0x1E668] =	vst v63  }
0x10e: {  	_ =	swait.ge [sflag:s11], $0x100  }
0x10f: {  	[sflag:s11] =	ssyncset.done $0x0  }
0x110: {  	[sflag:s11] =	ssyncadd.s32 $0xFFFFFF00  }
.LBB2_21:
0x111: {  	s0 =	sshll.u32 s26, $0xA  }
0x112: {  	s0 =	sshra.s32 s0, $0x2  }
0x113: {  	v1 =	vld [tilespmem:s0+$0x7308];
	_ =	sdelay $0x4  }
0x114: {  	[tilespmem:s31+$0x208] =	vst.add.f32.msk $0xffff, v1  }
0x115: {  	v1 =	vld [tilespmem:s0+$0x7318];
	_ =	sdelay $0x4  }
0x116: {  	[tilespmem:s31+$0x218] =	vst.add.f32.msk $0xffff, v1  }
0x117: {  	v1 =	vld [tilespmem:s0+$0x7328];
	_ =	sdelay $0x4  }
0x118: {  	[tilespmem:s31+$0x228] =	vst.add.f32.msk $0xffff, v1  }
0x119: {  	v1 =	vld [tilespmem:s0+$0x7338];
	_ =	sdelay $0x4  }
0x11a: {  	[tilespmem:s31+$0x238] =	vst.add.f32.msk $0xffff, v1  }
0x11b: {  	v1 =	vld [tilespmem:s0+$0x7348];
	_ =	sdelay $0x4  }
0x11c: {  	[tilespmem:s31+$0x248] =	vst.add.f32.msk $0xffff, v1  }
0x11d: {  	v1 =	vld [tilespmem:s0+$0x7358];
	_ =	sdelay $0x4  }
0x11e: {  	[tilespmem:s31+$0x258] =	vst.add.f32.msk $0xffff, v1  }
0x11f: {  	v1 =	vld [tilespmem:s0+$0x7368];
	_ =	sdelay $0x4  }
0x120: {  	[tilespmem:s31+$0x268] =	vst.add.f32.msk $0xffff, v1  }
0x121: {  	v1 =	vld [tilespmem:s0+$0x7378];
	_ =	sdelay $0x4  }
0x122: {  	[tilespmem:s31+$0x278] =	vst.add.f32.msk $0xffff, v1  }
0x123: {  	v1 =	vld [tilespmem:s0+$0x7388];
	_ =	sdelay $0x4  }
0x124: {  	[tilespmem:s31+$0x288] =	vst.add.f32.msk $0xffff, v1  }
0x125: {  	v1 =	vld [tilespmem:s0+$0x7398];
	_ =	sdelay $0x4  }
0x126: {  	[tilespmem:s31+$0x298] =	vst.add.f32.msk $0xffff, v1  }
0x127: {  	v1 =	vld [tilespmem:s0+$0x73A8];
	_ =	sdelay $0x4  }
0x128: {  	[tilespmem:s31+$0x2A8] =	vst.add.f32.msk $0xffff, v1  }
0x129: {  	v1 =	vld [tilespmem:s0+$0x73B8];
	_ =	sdelay $0x4  }
0x12a: {  	[tilespmem:s31+$0x2B8] =	vst.add.f32.msk $0xffff, v1  }
0x12b: {  	v1 =	vld [tilespmem:s0+$0x73C8];
	_ =	sdelay $0x4  }
0x12c: {  	[tilespmem:s31+$0x2C8] =	vst.add.f32.msk $0xffff, v1  }
0x12d: {  	v1 =	vld [tilespmem:s0+$0x73D8];
	_ =	sdelay $0x4  }
0x12e: {  	[tilespmem:s31+$0x2D8] =	vst.add.f32.msk $0xffff, v1  }
0x12f: {  	v1 =	vld [tilespmem:s0+$0x73E8];
	_ =	sdelay $0x4  }
0x130: {  	[tilespmem:s31+$0x2E8] =	vst.add.f32.msk $0xffff, v1  }
0x131: {  	v1 =	vld [tilespmem:s0+$0x73F8];
	_ =	sdelay $0x2  }
0x132: {  	p2 =	sgt.u32 s28, $0x6970  }
0x133: {  	s0 =	sand.u32 @!p2 $0x7FF8, s28  }
0x134: {  	s2 =	sadd.s32 $0x208, s31;
	s3 =	sand.u32 @!p2 $0x7, s28;
	s0 =	sadd.s32 @!p2 s1, s0;
	[tilespmem:s31+$0x2F8] =	vst.add.f32.msk $0xffff, v1  }
0x135: {  	[hbm4b:s0+s3] =	stream.linear.scatter @!p2 [tilespmem:s2], [sflag:$0xA], $0x80, $0x38;
	[tilespmem:$0x1E668] =	vst v63  }
0x136: {  	s0 =	sadd.s32 @!p2 $0x80, s28  }
0x137: {  	s0 =	sand.u32 @!p2 $0xFFF8, s0  }
0x138: {  	s2 =	sadd.s32 $0x288, s31;
	s0 =	sadd.s32 @!p2 s1, s0  }
0x139: {  	[hbm4b:s0+s3] =	stream.linear.scatter @!p2 [tilespmem:s2], [sflag:$0xA], $0x80, $0x38;
	[tilespmem:$0x1E668] =	vst v63  }
0x13a: {  	s0 =	simm.s32 $0x0  }
0x13b: {  	s0 =	simm.s32 @!p2 $0x400  }
0x13c: {  	s30 =	sadd.s32 s0, s30  }
.LBB2_22:
0x13d: {  	s0 =	sadd.s32 $0x1, s21  }
0x13e: {  	s2 =	sshrl.u32 s0, $0x4  }
0x13f: {  	s2 =	smulhi.u32 $0x24924925, s2  }
0x140: {  	v1 =	vld [tilespmem:s24+$0xFFFFFF80]  }
0x141: {  	s2 =	smul.u32 $0x70, s2;
	_ =	sdelay $0x1  }
0x142: {  	s21 =	ssub.s32 s0, s2  }
0x143: {  	s0 =	sshll.u32 s21, $0x8  }
0x144: {  	[tilespmem:s0+$0x208] =	vst v1  }
0x145: {  	v1 =	vld [tilespmem:s24+$0xFFFFFF90];
	_ =	sdelay $0x4  }
0x146: {  	[tilespmem:s0+$0x218] =	vst v1  }
0x147: {  	v1 =	vld [tilespmem:s24+$0xFFFFFFA0];
	_ =	sdelay $0x4  }
0x148: {  	[tilespmem:s0+$0x228] =	vst v1  }
0x149: {  	v1 =	vld [tilespmem:s24+$0xFFFFFFB0];
	_ =	sdelay $0x4  }
0x14a: {  	[tilespmem:s0+$0x238] =	vst v1  }
0x14b: {  	v1 =	vld [tilespmem:s24+$0xFFFFFFC0];
	_ =	sdelay $0x4  }
0x14c: {  	[tilespmem:s0+$0x248] =	vst v1  }
0x14d: {  	v1 =	vld [tilespmem:s24+$0xFFFFFFD0];
	_ =	sdelay $0x4  }
0x14e: {  	[tilespmem:s0+$0x258] =	vst v1  }
0x14f: {  	v1 =	vld [tilespmem:s24+$0xFFFFFFE0];
	_ =	sdelay $0x4  }
0x150: {  	[tilespmem:s0+$0x268] =	vst v1  }
0x151: {  	v1 =	vld [tilespmem:s24+$0xFFFFFFF0];
	_ =	sdelay $0x4  }
0x152: {  	[tilespmem:s0+$0x278] =	vst v1  }
0x153: {  	v1 =	vld [tilespmem:s24+$0x0];
	_ =	sdelay $0x4  }
0x154: {  	[tilespmem:s0+$0x288] =	vst v1  }
0x155: {  	v1 =	vld [tilespmem:s24+$0x10];
	_ =	sdelay $0x4  }
0x156: {  	[tilespmem:s0+$0x298] =	vst v1  }
0x157: {  	v1 =	vld [tilespmem:s24+$0x20];
	_ =	sdelay $0x4  }
0x158: {  	[tilespmem:s0+$0x2A8] =	vst v1  }
0x159: {  	v1 =	vld [tilespmem:s24+$0x30];
	_ =	sdelay $0x4  }
0x15a: {  	[tilespmem:s0+$0x2B8] =	vst v1  }
0x15b: {  	v1 =	vld [tilespmem:s24+$0x40];
	_ =	sdelay $0x4  }
0x15c: {  	[tilespmem:s0+$0x2C8] =	vst v1  }
0x15d: {  	v1 =	vld [tilespmem:s24+$0x50];
	_ =	sdelay $0x4  }
0x15e: {  	[tilespmem:s0+$0x2D8] =	vst v1  }
0x15f: {  	v1 =	vld [tilespmem:s24+$0x60];
	_ =	sdelay $0x4  }
0x160: {  	[tilespmem:s0+$0x2E8] =	vst v1  }
0x161: {  	v1 =	vld [tilespmem:s24+$0x70]  }
.Ltmp21:
0x162: {  	_ = 	snop;
	(pc) =	sbr.rel .LBB2_23-.Ltmp21, $2  }
0x163: {  	_ =	sdelay $0x2  }
0x164: {  	s26 =	sadd.s32 $0x1, s26;
	[tilespmem:s0+$0x2F8] =	vst v1  }
.LBB2_25:
.Ltmp22:
0x165: {  	(pc) =	sbr.rel .LBB2_26-.Ltmp22, $4  }
0x166: {  	_ = 	snop  }
0x167: {  	s0 =	simm.s32 $0x2  }
0x168: {  	_ =	swait.ge [sflag:s0], $0x0  }
0x169: {  	s29 =	smov.u32 s28;
	[sflag:s0] =	ssyncset.done $0x0;
	s0 =	simm.s32 $0x0  }
.LBB2_28:
0x16a: {  	_ =	sfence.sel $0x180000  }
0x16b: {  	s0 =	simm.s32 $0x7;
	[bflag:$0x0] =	sbarrier.arrive $0xFFFF  }
0x16c: {  	s25 =	simm.s32 $0x8;
	[sflag:s0] =	ssyncpa.u1 $0x1  }
0x16d: {  	s26 =	simm.s32 $0x9;
	[sflag:s25] =	ssyncpa.u1 $0x1  }
0x16e: {  	s28 =	simm.s32 $0x2;
	[sflag:s26] =	ssyncpa.u1 $0x1  }
0x16f: {  	[sflag:s28] =	ssyncpa.u1 $0x1  }
0x170: {  	v0 =	vld [tilespmem:$0xE408];
	_ =	sdelay $0x4  }
0x171: {  	(v2sf) =	vpush v0, $0x0  }
0x172: {  	(v2sf) =	vpush v0, $0x1;
	_ =	sdelay $0x1  }
0x173: {  	(v2sf) =	vpush v0, $0x2;
	_ =	sdelay $0xb  }
0x174: {  	s0 =	spop (v2sf)  }
0x175: {  	s2 =	spop (v2sf)  }
0x176: {  	s3 =	smov.u32 s0;
	p0 =	sne.s32 s0, s2  }
0x177: {  	s4 =	spop (v2sf);
	s3 =	simm.s32 @!p0 $0xFFFFFFFF  }
0x178: {  	v2 =	vimm.s32 $0x1;
	v3 =	vlaneseq.u32;
	p0 =	seq.s32 s4, $0xFFFFFFFF;
	v1 =	vmov s3  }
0x179: {  	s7 =	stileid.u32;
	v0 =	vperm.xlane v0, v2;
	p1 =	sne.s32 @!p0 s0, s2;
	v1 =	vperm.xlane v1, v3  }
0x17a: {  	vm0 =	vcmask $0x3F04;
	s6 =	simm.s32 $0xE408;
	s0 =	simm.s32 @!p0 $0x1;
	p1 =	por !p1, p0  }
0x17b: {  	s3 =	sshll.u32 s7, $0x1;
	s2 =	sshll.u32 @!p0 s4, $0xA;
	s0 =	simm.s32 @p1 $0x0;
	v0 =	vsel vm0, v1, v0  }
0x17c: {  	s5 =	sor.u32 $0x2000, s3;
	s2 =	sshra.s32 @!p0 s2, $0x2;
	s0 =	sor.u32 @!p0 s0, s3;
	[tilespmem:$0xE408] =	vst v0  }
0x17d: {  	[spmem:s5] =	stream.linear.scatter [tilespmem:s6], [sflag:$0x1], $0x2, $0x38;
	[tilespmem:$0x1E668] =	vst v63  }
0x17e: {  	s2 =	sadd.s32 @!p0 $0x208, s2;
	s0 =	sshll.u32 @!p0 s0, $0x8  }
0x17f: {  	[spmem:s0] =	stream.linear.scatter @!p0 [tilespmem:s2], [sflag:$0x1], $0x100, $0x38;
	[tilespmem:$0x1E668] =	vst v63  }
0x180: {  	s2 =	simm.s32 @!p0 $0x102  }
0x181: {  	s0 =	simm.s32 $0x1;
	s2 =	simm.s32 @p0 $0x2  }
0x182: {  	_ =	swait.ge [sflag:s0], s2  }
0x183: {  	s2 =	ssub.s32 $0x0, s2;
	[sflag:s0] =	ssyncset.done $0x0  }
0x184: {  	[sflag:s0] =	ssyncadd.s32 s2  }
0x185: {  	_ =	sfence.stream.spmem  }
0x186: {  	s29 =	simm.s32 $0x3;
	[bflag:$0x0] =	sbarrier.arrive $0xFFFF  }
0x187: {  	s30 =	simm.s32 $0x4;
	[sflag:s29] =	ssyncpa.u1 $0x1  }
0x188: {  	s31 =	simm.s32 $0x3C;
	[sflag:s30] =	ssyncpa.u1 $0x1  }
0x189: {  	p0 =	sne.s32 s7, $0x0;
	[sflag:s31] =	ssyncpa.u1 $0x1  }
0x18a: {  	_ =	sfence @p0  }
0x18b: {  	[sflag:s0] =	ssyncpa.u1 @p0 $0x1  }
0x18c: {  	_ =	strace @p0 $0x90000059  }
0x18d: {  	[bflag:$0x2] =	sbarrier.arrive @p0 $0xFFFF  }
0x18e: {  	_ =	shalt @p0  }
.LBB2_29:
0x18f: {  	_ =	sfence.stream.spmem;
	s0 =	simm.s32 $0x5  }
0x190: {  	s2 =	simm.s32 $0x2000;
	s3 =	simm.s32 $0xE418;
	[sflag:s0] =	ssyncpa.u1 $0x0  }
0x191: {  	[tilespmem:s3], [sflag:$0x5] =	stream.linear.gather [spmem:s2], $0x20, $0x38;
	[tilespmem:$0x1E668] =	vst v63  }
0x192: {  	s30 =	simm.s32 $0xE438;
	s2 =	simm.s32 $0x0  }
0x193: {  	[tilespmem:s30], [sflag:$0x5] =	stream.linear.gather [spmem:s2], $0x2000, $0x38;
	[tilespmem:$0x1E668] =	vst v63  }
.Ltmp23:
0x194: {  	_ = 	snop;
	(pc) =	sbr.rel .LBB2_30-.Ltmp23, $4  }
0x195: {  	_ =	swait.ge [sflag:s0], $0x2020  }
0x196: {  	[sflag:s0] =	ssyncset.done $0x0  }
0x197: {  	s31 =	simm.s32 $0x6;
	[sflag:s0] =	ssyncadd.s32 $0xFFFFDFE0  }
0x198: {  	s3 =	simm.s32 $0x0;
	[sflag:s31] =	ssyncpa.u1 $0x0  }
.LBB2_36:
0x199: {  	p0 =	slt.u32 s4, $0x6971  }
0x19a: {  	s0 =	sand.u32 @p0 $0x7FF8, s4  }
0x19b: {  	s5 =	sand.u32 @p0 $0x7, s4;
	s6 =	simm.s32 @p0 $0xE308;
	s0 =	sadd.s32 @p0 s1, s0  }
0x19c: {  	[tilespmem:s6], [sflag:$0x6] =	stream.linear.gather @p0 [hbm4b:s0+s5], $0x80, $0x38;
	[tilespmem:$0x1E668] =	vst v63  }
0x19d: {  	s0 =	sadd.s32 @p0 $0x80, s4  }
0x19e: {  	s0 =	sand.u32 @p0 $0xFFF8, s0  }
0x19f: {  	s4 =	simm.s32 @p0 $0xE388;
	s0 =	sadd.s32 @p0 s1, s0  }
0x1a0: {  	[tilespmem:s4], [sflag:$0x6] =	stream.linear.gather @p0 [hbm4b:s0+s5], $0x80, $0x38;
	[tilespmem:$0x1E668] =	vst v63  }
0x1a1: {  	s0 =	simm.s32 @p0 $0x6  }
0x1a2: {  	_ =	swait.ge @p0 [sflag:s0], $0x100  }
0x1a3: {  	[sflag:s0] =	ssyncset.done @p0 $0x0  }
0x1a4: {  	[sflag:s0] =	ssyncadd.s32 @p0 $0xFFFFFF00  }
0x1a5: {  	v1 =	vld @p0 [tilespmem:$0xE308];
	_ =	sdelay $0x2  }
0x1a6: {  	s0 =	sshll.u32 @p0 s3, $0xA  }
0x1a7: {  	s4 =	sshrl.u32 @p0 s0, $0x2  }
0x1a8: {  	[tilespmem:s4+$0xE438] =	vst.add.f32.msk @p0 $0xffff, v1  }
0x1a9: {  	v1 =	vld @p0 [tilespmem:$0xE318];
	_ =	sdelay $0x4  }
0x1aa: {  	[tilespmem:s4+$0xE448] =	vst.add.f32.msk @p0 $0xffff, v1  }
0x1ab: {  	v1 =	vld @p0 [tilespmem:$0xE328];
	_ =	sdelay $0x4  }
0x1ac: {  	[tilespmem:s4+$0xE458] =	vst.add.f32.msk @p0 $0xffff, v1  }
0x1ad: {  	v1 =	vld @p0 [tilespmem:$0xE338];
	_ =	sdelay $0x4  }
0x1ae: {  	[tilespmem:s4+$0xE468] =	vst.add.f32.msk @p0 $0xffff, v1  }
0x1af: {  	v1 =	vld @p0 [tilespmem:$0xE348];
	_ =	sdelay $0x4  }
0x1b0: {  	[tilespmem:s4+$0xE478] =	vst.add.f32.msk @p0 $0xffff, v1  }
0x1b1: {  	v1 =	vld @p0 [tilespmem:$0xE358];
	_ =	sdelay $0x4  }
0x1b2: {  	[tilespmem:s4+$0xE488] =	vst.add.f32.msk @p0 $0xffff, v1  }
0x1b3: {  	v1 =	vld @p0 [tilespmem:$0xE368];
	_ =	sdelay $0x4  }
0x1b4: {  	[tilespmem:s4+$0xE498] =	vst.add.f32.msk @p0 $0xffff, v1  }
0x1b5: {  	v1 =	vld @p0 [tilespmem:$0xE378];
	_ =	sdelay $0x4  }
0x1b6: {  	[tilespmem:s4+$0xE4A8] =	vst.add.f32.msk @p0 $0xffff, v1  }
0x1b7: {  	v1 =	vld @p0 [tilespmem:$0xE388];
	_ =	sdelay $0x4  }
0x1b8: {  	[tilespmem:s4+$0xE4B8] =	vst.add.f32.msk @p0 $0xffff, v1  }
0x1b9: {  	v1 =	vld @p0 [tilespmem:$0xE398];
	_ =	sdelay $0x4  }
0x1ba: {  	[tilespmem:s4+$0xE4C8] =	vst.add.f32.msk @p0 $0xffff, v1  }
0x1bb: {  	v1 =	vld @p0 [tilespmem:$0xE3A8];
	_ =	sdelay $0x4  }
0x1bc: {  	[tilespmem:s4+$0xE4D8] =	vst.add.f32.msk @p0 $0xffff, v1  }
0x1bd: {  	v1 =	vld @p0 [tilespmem:$0xE3B8];
	_ =	sdelay $0x4  }
0x1be: {  	[tilespmem:s4+$0xE4E8] =	vst.add.f32.msk @p0 $0xffff, v1  }
0x1bf: {  	v1 =	vld @p0 [tilespmem:$0xE3C8];
	_ =	sdelay $0x4  }
0x1c0: {  	[tilespmem:s4+$0xE4F8] =	vst.add.f32.msk @p0 $0xffff, v1  }
0x1c1: {  	v1 =	vld @p0 [tilespmem:$0xE3D8];
	_ =	sdelay $0x4  }
0x1c2: {  	[tilespmem:s4+$0xE508] =	vst.add.f32.msk @p0 $0xffff, v1  }
0x1c3: {  	v1 =	vld @p0 [tilespmem:$0xE3E8];
	_ =	sdelay $0x4  }
0x1c4: {  	[tilespmem:s4+$0xE518] =	vst.add.f32.msk @p0 $0xffff, v1  }
0x1c5: {  	v1 =	vld @p0 [tilespmem:$0xE3F8];
	_ =	sdelay $0x3  }
0x1c6: {  	s5 =	sshll.u32 @!p0 s3, $0xA  }
0x1c7: {  	s5 =	smov.u32 @p0 s0;
	[tilespmem:s4+$0xE528] =	vst.add.f32.msk @p0 $0xffff, v1  }
0x1c8: {  	s0 =	sshrl.u32 s5, $0x2;
	[tilespmem:s2+$0xE418] =	vst.msk $0x1, v0  }
0x1c9: {  	v0 =	vld [tilespmem:s0+$0xE438];
	_ =	sdelay $0x2  }
0x1ca: {  	s31 =	sshll.u32 s2, $0xA  }
0x1cb: {  	s4 =	sshra.s32 s31, $0x2  }
0x1cc: {  	[tilespmem:s4+$0xE438] =	vst v0  }
0x1cd: {  	v0 =	vld [tilespmem:s0+$0xE448];
	_ =	sdelay $0x4  }
0x1ce: {  	[tilespmem:s4+$0xE448] =	vst v0  }
0x1cf: {  	v0 =	vld [tilespmem:s0+$0xE458];
	_ =	sdelay $0x4  }
0x1d0: {  	[tilespmem:s4+$0xE458] =	vst v0  }
0x1d1: {  	v0 =	vld [tilespmem:s0+$0xE468];
	_ =	sdelay $0x4  }
0x1d2: {  	[tilespmem:s4+$0xE468] =	vst v0  }
0x1d3: {  	v0 =	vld [tilespmem:s0+$0xE478];
	_ =	sdelay $0x4  }
0x1d4: {  	[tilespmem:s4+$0xE478] =	vst v0  }
0x1d5: {  	v0 =	vld [tilespmem:s0+$0xE488];
	_ =	sdelay $0x4  }
0x1d6: {  	[tilespmem:s4+$0xE488] =	vst v0  }
0x1d7: {  	v0 =	vld [tilespmem:s0+$0xE498];
	_ =	sdelay $0x4  }
0x1d8: {  	[tilespmem:s4+$0xE498] =	vst v0  }
0x1d9: {  	v0 =	vld [tilespmem:s0+$0xE4A8];
	_ =	sdelay $0x4  }
0x1da: {  	[tilespmem:s4+$0xE4A8] =	vst v0  }
0x1db: {  	v0 =	vld [tilespmem:s0+$0xE4B8];
	_ =	sdelay $0x4  }
0x1dc: {  	[tilespmem:s4+$0xE4B8] =	vst v0  }
0x1dd: {  	v0 =	vld [tilespmem:s0+$0xE4C8];
	_ =	sdelay $0x4  }
0x1de: {  	[tilespmem:s4+$0xE4C8] =	vst v0  }
0x1df: {  	v0 =	vld [tilespmem:s0+$0xE4D8];
	_ =	sdelay $0x4  }
0x1e0: {  	[tilespmem:s4+$0xE4D8] =	vst v0  }
0x1e1: {  	v0 =	vld [tilespmem:s0+$0xE4E8];
	_ =	sdelay $0x4  }
0x1e2: {  	[tilespmem:s4+$0xE4E8] =	vst v0  }
0x1e3: {  	v0 =	vld [tilespmem:s0+$0xE4F8];
	_ =	sdelay $0x4  }
0x1e4: {  	[tilespmem:s4+$0xE4F8] =	vst v0  }
0x1e5: {  	v0 =	vld [tilespmem:s0+$0xE508];
	_ =	sdelay $0x4  }
0x1e6: {  	[tilespmem:s4+$0xE508] =	vst v0  }
0x1e7: {  	v0 =	vld [tilespmem:s0+$0xE518];
	_ =	sdelay $0x4  }
0x1e8: {  	[tilespmem:s4+$0xE518] =	vst v0  }
0x1e9: {  	v0 =	vld [tilespmem:s0+$0xE528];
	_ =	sdelay $0x4  }
0x1ea: {  	s2 =	sadd.s32 $0x1, s2;
	[tilespmem:s4+$0xE528] =	vst v0  }
.LBB2_37:
0x1eb: {  	s3 =	sadd.s32 $0x1, s3  }
0x1ec: {  	p0 =	sne.s32 s3, $0x20  }
.Ltmp24:
0x1ed: {  	_ = 	snop;
	(pc) =	sbr.rel @!p0 .LBB2_38-.Ltmp24, $1  }
0x1ee: {  	_ =	sdelay $0x3  }
.LBB2_30:
0x1ef: {  	v0 =	vld.msk [tilespmem:s3+$0xE418], $0x1;
	_ =	sdelay $0x4  }
0x1f0: {  	(v2sf) =	vpush v0, $0x0;
	_ =	sdelay $0xe  }
0x1f1: {  	s4 =	spop (v2sf)  }
0x1f2: {  	p0 =	seq.s32 s4, $0xFFFFFFFF  }
.Ltmp25:
0x1f3: {  	_ = 	snop;
	(pc) =	sbr.rel @p0 .LBB2_37-.Ltmp25, $1  }
0x1f4: {  	_ =	sdelay $0x3  }
0x1f5: {  	p0 =	slt.s32 s2, $0x1  }
.Ltmp26:
0x1f6: {  	_ = 	snop;
	(pc) =	sbr.rel @p0 .LBB2_36-.Ltmp26, $1  }
0x1f7: {  	_ =	sdelay $0x3  }
0x1f8: {  	s5 =	simm.s32 $0xE418;
	p0 =	por $0x0, $0x0  }
0x1f9: {  	v1 =	vld.msk @!p0 [tilespmem:s5+$0x0], $0x1;
	_ =	sdelay $0x4  }
0x1fa: {  	(v2sf) =	vpush @!p0 v1, $0x0;
	_ =	sdelay $0xd  }
0x1fb: {  	p2 =	sne.s32 s2, $0x1  }
.Ltmp27:
0x1fc: {  	s0 =	spop @!p0 (v2sf);
	(pc) =	sbr.rel @!p2 .LBB2_34-.Ltmp27, $4  }
0x1fd: {  	p1 =	seq.s32 @!p0 s4, s0  }
0x1fe: {  	s6 =	simm.s32 $0x0;
	p1 =	por !p1, p0  }
0x1ff: {  	s0 =	simm.s32 $0xFFFFFFFF;
	s6 =	simm.s32 @p1 $0xFFFFFFFF  }
0x200: {  	s7 =	simm.s32 $0x1;
	s6 =	smov.u32 @p0 s0  }
.LBB2_33:
0x201: {  	s0 =	smov.u32 s6;
	p0 =	sne.s32 s6, $0xFFFFFFFF  }
0x202: {  	s5 =	sadd.s32 $0x1, s5;
	s6 =	smov.u32 s7;
	s7 =	sadd.s32 $0x1, s7  }
0x203: {  	p1 =	sne.s32 s2, s7;
	v1 =	vld.msk @!p0 [tilespmem:s5+$0x0], $0x1;
	_ =	sdelay $0x4  }
0x204: {  	(v2sf) =	vpush @!p0 v1, $0x0;
	_ =	sdelay $0xe  }
.Ltmp28:
0x205: {  	s8 =	spop @!p0 (v2sf);
	(pc) =	sbr.rel @p1 .LBB2_33-.Ltmp28, $4  }
0x206: {  	p2 =	seq.s32 @!p0 s4, s8  }
0x207: {  	p2 =	por !p2, p0  }
0x208: {  	s6 =	simm.s32 @p2 $0xFFFFFFFF  }
0x209: {  	s6 =	smov.u32 @p0 s0  }
.LBB2_34:
0x20a: {  	p0 =	seq.s32 s6, $0xFFFFFFFF  }
.Ltmp29:
0x20b: {  	_ = 	snop;
	(pc) =	sbr.rel @p0 .LBB2_36-.Ltmp29, $1  }
0x20c: {  	_ =	sdelay $0x3  }
0x20d: {  	s0 =	sshll.u32 s3, $0x8  }
0x20e: {  	s0 =	sand.u32 $0x3FFFFF00, s0  }
0x20f: {  	v0 =	vld [tilespmem:s0+$0xE438];
	_ =	sdelay $0x2  }
0x210: {  	s4 =	sshll.u32 s6, $0xA  }
0x211: {  	s4 =	sshra.s32 s4, $0x2  }
0x212: {  	[tilespmem:s4+$0xE438] =	vst.add.f32.msk $0xffff, v0  }
0x213: {  	v0 =	vld [tilespmem:s0+$0xE448];
	_ =	sdelay $0x4  }
0x214: {  	[tilespmem:s4+$0xE448] =	vst.add.f32.msk $0xffff, v0  }
0x215: {  	v0 =	vld [tilespmem:s0+$0xE458];
	_ =	sdelay $0x4  }
0x216: {  	[tilespmem:s4+$0xE458] =	vst.add.f32.msk $0xffff, v0  }
0x217: {  	v0 =	vld [tilespmem:s0+$0xE468];
	_ =	sdelay $0x4  }
0x218: {  	[tilespmem:s4+$0xE468] =	vst.add.f32.msk $0xffff, v0  }
0x219: {  	v0 =	vld [tilespmem:s0+$0xE478];
	_ =	sdelay $0x4  }
0x21a: {  	[tilespmem:s4+$0xE478] =	vst.add.f32.msk $0xffff, v0  }
0x21b: {  	v0 =	vld [tilespmem:s0+$0xE488];
	_ =	sdelay $0x4  }
0x21c: {  	[tilespmem:s4+$0xE488] =	vst.add.f32.msk $0xffff, v0  }
0x21d: {  	v0 =	vld [tilespmem:s0+$0xE498];
	_ =	sdelay $0x4  }
0x21e: {  	[tilespmem:s4+$0xE498] =	vst.add.f32.msk $0xffff, v0  }
0x21f: {  	v0 =	vld [tilespmem:s0+$0xE4A8];
	_ =	sdelay $0x4  }
0x220: {  	[tilespmem:s4+$0xE4A8] =	vst.add.f32.msk $0xffff, v0  }
0x221: {  	v0 =	vld [tilespmem:s0+$0xE4B8];
	_ =	sdelay $0x4  }
0x222: {  	[tilespmem:s4+$0xE4B8] =	vst.add.f32.msk $0xffff, v0  }
0x223: {  	v0 =	vld [tilespmem:s0+$0xE4C8];
	_ =	sdelay $0x4  }
0x224: {  	[tilespmem:s4+$0xE4C8] =	vst.add.f32.msk $0xffff, v0  }
0x225: {  	v0 =	vld [tilespmem:s0+$0xE4D8];
	_ =	sdelay $0x4  }
0x226: {  	[tilespmem:s4+$0xE4D8] =	vst.add.f32.msk $0xffff, v0  }
0x227: {  	v0 =	vld [tilespmem:s0+$0xE4E8];
	_ =	sdelay $0x4  }
0x228: {  	[tilespmem:s4+$0xE4E8] =	vst.add.f32.msk $0xffff, v0  }
0x229: {  	v0 =	vld [tilespmem:s0+$0xE4F8];
	_ =	sdelay $0x4  }
0x22a: {  	[tilespmem:s4+$0xE4F8] =	vst.add.f32.msk $0xffff, v0  }
0x22b: {  	v0 =	vld [tilespmem:s0+$0xE508];
	_ =	sdelay $0x4  }
0x22c: {  	[tilespmem:s4+$0xE508] =	vst.add.f32.msk $0xffff, v0  }
0x22d: {  	v0 =	vld [tilespmem:s0+$0xE518];
	_ =	sdelay $0x4  }
0x22e: {  	[tilespmem:s4+$0xE518] =	vst.add.f32.msk $0xffff, v0  }
0x22f: {  	v0 =	vld [tilespmem:s0+$0xE528]  }
.Ltmp30:
0x230: {  	_ = 	snop;
	(pc) =	sbr.rel .LBB2_37-.Ltmp30, $2  }
0x231: {  	_ =	sdelay $0x2  }
0x232: {  	[tilespmem:s4+$0xE528] =	vst.add.f32.msk $0xffff, v0  }
.LBB2_38:
0x233: {  	p0 =	slt.s32 s2, $0x1  }
.Ltmp31:
0x234: {  	_ = 	snop;
	(pc) =	sbr.rel @p0 .LBB2_42-.Ltmp31, $3  }
0x235: {  	_ =	sdelay $0x1  }
0x236: {  	s0 =	simm.s32 $0x6  }
0x237: {  	[sflag:s0] =	ssyncpa.u1 $0x1;
	s0 =	simm.s32 $0x0  }
0x238: {  	s3 =	simm.s32 $0xE418  }
0x239: {  	v0 =	vld.msk [tilespmem:s3+$0x0], $0x1;
	_ =	sdelay $0x4  }
0x23a: {  	(v2sf) =	vpush v0, $0x0;
	_ =	sdelay $0xe  }
0x23b: {  	s2 =	sadd.s32 $0xFFFFFFFF, s2;
	s4 =	spop (v2sf)  }
0x23c: {  	s5 =	simm.s32 $0xE438;
	p0 =	sne.s32 s2, $0x0;
	p1 =	sgt.u32 s4, $0x6970  }
.Ltmp32:
0x23d: {  	s3 =	simm.s32 $0xE538;
	s6 =	sand.u32 @!p1 $0x7FF8, s4;
	(pc) =	sbr.rel @!p0 .LBB2_41-.Ltmp32, $4  }
0x23e: {  	s7 =	sadd.s32 @!p1 $0x80, s4;
	s8 =	sadd.s32 @!p1 s1, s6;
	s6 =	sand.u32 @!p1 $0x7, s4  }
0x23f: {  	[hbm4b:s8+s6] =	stream.linear.scatter @!p1 [tilespmem:s5], [sflag:$0x5], $0x80, $0x38;
	[tilespmem:$0x1E668] =	vst v63  }
0x240: {  	s0 =	simm.s32 @!p1 $0x400;
	s4 =	simm.s32 $0xE419;
	s5 =	sand.u32 @!p1 $0xFFF8, s7  }
0x241: {  	s7 =	simm.s32 @!p1 $0xE4B8;
	s8 =	sadd.s32 @!p1 s1, s5;
	s5 =	sadd.s32 $0x0, s0  }
.LBB2_40:
0x242: {  	[hbm4b:s8+s6] =	stream.linear.scatter @!p1 [tilespmem:s7], [sflag:$0x5], $0x80, $0x38;
	[tilespmem:$0x1E668] =	vst v63  }
0x243: {  	s2 =	sadd.s32 $0xFFFFFFFF, s2;
	s0 =	smov.u32 s3;
	v0 =	vld.msk [tilespmem:s4+$0x0], $0x1  }
0x244: {  	p0 =	sne.s32 s2, $0x0;
	_ =	sdelay $0x3  }
0x245: {  	(v2sf) =	vpush v0, $0x0;
	_ =	sdelay $0xe  }
0x246: {  	s3 =	sadd.s32 $0x100, s3;
	s9 =	simm.s32 $0x0;
	s6 =	spop (v2sf)  }
.Ltmp33:
0x247: {  	s4 =	sadd.s32 $0x1, s4;
	p1 =	sgt.u32 s6, $0x6970;
	(pc) =	sbr.rel @p0 .LBB2_40-.Ltmp33, $4  }
0x248: {  	s9 =	simm.s32 @!p1 $0x400;
	s7 =	sand.u32 @!p1 $0x7FF8, s6;
	s8 =	sadd.s32 @!p1 $0x80, s6  }
0x249: {  	s6 =	sand.u32 @!p1 $0x7, s6;
	s7 =	sadd.s32 @!p1 s1, s7;
	s8 =	sand.u32 @!p1 $0xFFF8, s8  }
0x24a: {  	[hbm4b:s7+s6] =	stream.linear.scatter @!p1 [tilespmem:s0], [sflag:$0x5], $0x80, $0x38;
	[tilespmem:$0x1E668] =	vst v63  }
0x24b: {  	s5 =	sadd.s32 s5, s9;
	s7 =	sadd.s32 @!p1 $0x80, s0;
	s8 =	sadd.s32 @!p1 s1, s8  }
.LBB2_41:
0x24c: {  	[hbm4b:s8+s6] =	stream.linear.scatter @!p1 [tilespmem:s7], [sflag:$0x5], $0x80, $0x38;
	[tilespmem:$0x1E668] =	vst v63  }
0x24d: {  	s0 =	sshrl.u32 s5, $0x2  }
.LBB2_42:
0x24e: {  	s1 =	simm.s32 $0x5  }
0x24f: {  	_ =	swait.ge [sflag:s1], s0  }
0x250: {  	s29 =	ssub.s32 $0x0, s0;
	[sflag:s1] =	ssyncset.done $0x0  }
0x251: {  	[sflag:s1] =	ssyncadd.s32 s29  }
0x252: {  	[sflag:s1] =	ssyncpa.u1 $0x1  }
0x253: {  	s30 =	simm.s32 $0x1;
	_ =	sfence  }
0x254: {  	[sflag:s30] =	ssyncpa.u1 $0x1  }
0x255: {  	_ =	strace $0x90000059  }
0x256: {  	[bflag:$0x2] =	sbarrier.arrive $0xFFFF  }
0x257: {  	s31 =	rddreg [dreg:$0x2]  }
0x258: {  	s0 =	sadd.s32 $0x100000, s31  }
0x259: {  	[sflag:s0] =	ssyncadd.tile.s32 $0x1;
	_ =	shalt  }
.Lfunc_end2:
_tile_overlayer_lowered:
.L_overlay_start_2:
0x25a: {  	(tag) =	ssettag $0x2  }
0x25b: {  	s0 =	rddreg [dreg:$0x0];
	s2 =	stileid.u32  }
0x25c: {  	s1 =	rddreg [dreg:$0x1];
	p0 =	sne.s32 s2, $0x0  }
0x25d: {  	s3 =	rddreg [dreg:$0x2];
	[bflag:$0x3] =	sbarrier.arrive $0xFFFF;
	s2 =	simm.s32 @!p0 $0x1C01  }
0x25e: {  	[timem:s3], [sflag:s2] =	dma.local @!p0 [hbm:s0], s1  }
0x25f: {  	s0 =	simm.s32 @!p0 $0x1  }
0x260: {  	_ =	swait.ge @!p0 [sflag:s0], s1  }
0x261: {  	s1 =	ssub.s32 @!p0 $0x0, s1;
	[sflag:s0] =	ssyncset.done @!p0 $0x0  }
0x262: {  	[sflag:s0] =	ssyncadd.s32 @!p0 s1  }
0x263: {  	[bflag:$0x3] =	sbarrier.arrive $0xFFFF  }
0x264: {  	_ =	shalt  }

// kernel: scatter_offload_async_start.5
scs
__scs_entry_jumppad:
0x0: {  	(pc) =	sbr.rel $0x88, $3  }
0x1: {  	(tag) =	ssettag $0x0;
	lr =	simm.s32 $0x1  }
0x2: {  	[smem:$0x3F93] =	sst lr;
	_ =	strace $0xD0000000  }
0x3: {  	_ = 	snop  }
0x4: {  	_ = 	snop  }
0x5: {  	_ = 	snop  }
0x6: {  	_ = 	snop  }
0x7: {  	_ = 	snop  }
__scs_overlays_trampoline_lowered:
0x8: {  	[smem:$0x3FA2] =	sst s0  }
0x9: {  	[smem:$0x3FA3] =	sst s1  }
0xa: {  	[smem:$0x3FA4] =	sst s2  }
0xb: {  	[smem:$0x3FA5] =	sst s3  }
0xc: {  	[smem:$0x3FA6] =	sst s4  }
0xd: {  	[smem:$0x3FA7] =	sst s5  }
0xe: {  	[smem:$0x3FA8] =	sst s6  }
0xf: {  	[smem:$0x3FA9] =	sst s7  }
0x10: {  	[smem:$0x3FAA] =	sst s8  }
0x11: {  	[smem:$0x3FAB] =	sst s9;
	s0 =	simm.s32 @!p0 $0x0  }
0x12: {  	s1 =	sld [smem:$0x3F91];
	s0 =	simm.s32 @p0 $0x1  }
0x13: {  	[smem:$0x3FAC] =	sst s0;
	s0 =	simm.s32 @!p1 $0x0  }
0x14: {  	s2 =	sld [smem:$0x3F90];
	s0 =	simm.s32 @p1 $0x1  }
0x15: {  	[smem:$0x3FAD] =	sst s0;
	s0 =	simm.s32 @!p2 $0x0  }
0x16: {  	s3 =	sld [smem:$0x3FDB];
	s0 =	simm.s32 @p2 $0x1  }
0x17: {  	s4 =	simm.s32 $0x1BF5;
	[smem:$0x3FAF] =	sst s0  }
0x18: {  	s0 =	sld [smem:$0x3F92];
	_ =	swait.ge [sflag:s4], $0x0  }
0x19: {  	s7 =	sld [smem:$0x3F93]  }
0x1a: {  	s8 =	sadd.s32 $0xFFFFE003, lr  }
0x1b: {  	s9 =	sadd.s32 $0xFFFFFEF7, lr;
	s5 =	simm.s32 $0xFFFFFFFF;
	p2 =	slt.u32 s8, $0xFFFFF086  }
0x1c: {  	p1 =	slt.u32 s9, $0xF7A;
	s5 =	simm.s32 @!p2 $0x0  }
0x1d: {  	s5 =	simm.s32 @p1 $0x1;
	p0 =	seq.s32 s7, s2  }
0x1e: {  	s7 =	smul.u32 @!p0 $0xF7A, s2;
	p2 =	seq.s32 @!p0 s5, $0x0  }
0x1f: {  	s9 =	smul.u32 $0xF7A, s1;
	s8 =	simm.s32 @!p0 $0x1BF5;
	p2 =	por !p2, p0  }
0x20: {  	[sflag:s8] =	ssyncset.s32 @!p0 $0xFFFFF086;
	s6 =	sadd.s32 @!p0 s3, s7;
	s7 =	simm.s32 @!p0 $0x108  }
0x21: {  	s3 =	sadd.s32 s3, s9;
	s6 =	sadd.s32 @!p0 $0x88, s6;
	s7 =	simm.s32 @p2 $0x1082  }
0x22: {  	[simem:s7], [sflag:s8] =	dma.local @!p0 [hbm:s6], $0xF7A  }
0x23: {  	s9 =	sor.u32 $0xD0000000, s2;
	s6 =	simm.s32 $0x108;
	_ =	swait.ge @!p0 [sflag:s8], $0x0  }
0x24: {  	s3 =	sadd.s32 $0x88, s3;
	s6 =	simm.s32 @!p1 $0x1082;
	[sflag:s4] =	ssyncset.s32 $0xFFFFF086  }
0x25: {  	[simem:s6], [sflag:s4] =	dma.local [hbm:s3], $0xF7A  }
0x26: {  	[smem:$0x3F93] =	sst s1;
	(tag) =	ssettag s2;
	_ =	strace s9  }
0x27: {  	s1 =	sld [smem:$0x3FA3]  }
0x28: {  	s2 =	sld [smem:$0x3FA4]  }
0x29: {  	s4 =	sld [smem:$0x3FA6]  }
0x2a: {  	p0 =	seq.s32 s5, $0x0;
	s5 =	sld [smem:$0x3FA7]  }
0x2b: {  	s6 =	sld [smem:$0x3FA8]  }
0x2c: {  	s7 =	sld [smem:$0x3FA9]  }
0x2d: {  	s3 =	simm.s32 $0x108;
	s8 =	sld [smem:$0x3FAA]  }
0x2e: {  	s3 =	simm.s32 @!p0 $0x1082;
	s9 =	sld [smem:$0x3FAB]  }
0x2f: {  	lr =	sadd.s32 s0, s3;
	s0 =	sld [smem:$0x3FA2]  }
0x30: {  	s3 =	sld [smem:$0x3FA5]  }
0x31: {  	[smem:$0x3FAE] =	sst s10  }
0x32: {  	s10 =	sld [smem:$0x3FAC];
	_ =	sdelay $0x3  }
0x33: {  	p0 =	seq.s32 s10, $0x1;
	s10 =	sld [smem:$0x3FAE];
	_ =	sdelay $0x3  }
0x34: {  	[smem:$0x3FAE] =	sst s10  }
0x35: {  	s10 =	sld [smem:$0x3FAD];
	_ =	sdelay $0x3  }
0x36: {  	p1 =	seq.s32 s10, $0x1;
	s10 =	sld [smem:$0x3FAE];
	_ =	sdelay $0x3  }
0x37: {  	[smem:$0x3FAE] =	sst s10  }
0x38: {  	s10 =	sld [smem:$0x3FAF]  }
0x39: {  	_ = 	snop;
	(pc) =	sbr.ind lr, $3  }
0x3a: {  	_ = 	snop  }
0x3b: {  	_ = 	snop  }
0x3c: {  	p2 =	seq.s32 s10, $0x1;
	s10 =	sld [smem:$0x3FAE]  }
0x3d: {  	_ =	shalt  }
0x3e: {  	_ =	shalt  }
0x3f: {  	_ =	shalt  }
0x40: {  	_ =	shalt  }
0x41: {  	_ =	shalt  }
0x42: {  	_ =	shalt  }
0x43: {  	_ =	shalt  }
0x44: {  	_ =	shalt  }
0x45: {  	_ =	shalt  }
0x46: {  	_ =	shalt  }
0x47: {  	_ =	shalt  }
0x48: {  	_ =	shalt  }
0x49: {  	_ =	shalt  }
0x4a: {  	_ =	shalt  }
0x4b: {  	_ =	shalt  }
0x4c: {  	_ =	shalt  }
0x4d: {  	_ =	shalt  }
0x4e: {  	_ =	shalt  }
0x4f: {  	_ =	shalt  }
0x50: {  	_ =	shalt  }
0x51: {  	_ =	shalt  }
0x52: {  	_ =	shalt  }
0x53: {  	_ =	shalt  }
0x54: {  	_ =	shalt  }
0x55: {  	_ =	shalt  }
0x56: {  	_ =	shalt  }
0x57: {  	_ =	shalt  }
0x58: {  	_ =	shalt  }
0x59: {  	_ =	shalt  }
0x5a: {  	_ =	shalt  }
0x5b: {  	_ =	shalt  }
0x5c: {  	_ =	shalt  }
0x5d: {  	_ =	shalt  }
0x5e: {  	_ =	shalt  }
0x5f: {  	_ =	shalt  }
0x60: {  	_ =	shalt  }
0x61: {  	_ =	shalt  }
0x62: {  	_ =	shalt  }
0x63: {  	_ =	shalt  }
0x64: {  	_ =	shalt  }
0x65: {  	_ =	shalt  }
0x66: {  	_ =	shalt  }
0x67: {  	_ =	shalt  }
0x68: {  	_ =	shalt  }
0x69: {  	_ =	shalt  }
0x6a: {  	_ =	shalt  }
0x6b: {  	_ =	shalt  }
0x6c: {  	_ =	shalt  }
0x6d: {  	_ =	shalt  }
0x6e: {  	_ =	shalt  }
0x6f: {  	_ =	shalt  }
0x70: {  	_ =	shalt  }
0x71: {  	_ =	shalt  }
0x72: {  	_ =	shalt  }
0x73: {  	_ =	shalt  }
0x74: {  	_ =	shalt  }
0x75: {  	_ =	shalt  }
0x76: {  	_ =	shalt  }
0x77: {  	_ =	shalt  }
0x78: {  	_ =	shalt  }
0x79: {  	_ =	shalt  }
0x7a: {  	_ =	shalt  }
0x7b: {  	_ =	shalt  }
0x7c: {  	_ =	shalt  }
0x7d: {  	_ =	shalt  }
0x7e: {  	_ =	shalt  }
0x7f: {  	_ =	shalt  }
0x80: {  	_ =	shalt  }
0x81: {  	_ =	shalt  }
0x82: {  	_ =	shalt  }
0x83: {  	_ =	shalt  }
0x84: {  	_ =	shalt  }
0x85: {  	_ =	shalt  }
0x86: {  	_ =	shalt  }
0x87: {  	_ =	shalt  }
.Lfunc_end0:
.L_simem_size_0:
called_computation.5_lowered:
.L_overlay_start_0:
0x88: {  	s0 =	sld [smem:$0x3FD9]  }
0x89: {  	s1 =	sld [smem:$0x3FFE];
	_ =	sdelay $0x3  }
0x8a: {  	s0 =	sadd.s32 s1, s0  }
0x8b: {  	[smem:$0x3FBA] =	sst s0  }
0x8c: {  	_ = 	snop  }
0x8d: {  	s0 =	sld [smem:$0x3FD0];
	_ =	sdelay $0x2  }
0x8e: {  	s13 =	simm.s32 $0xD;
	s2 =	simm.s32 $0x10  }
0x8f: {  	[smem:s2], [sflag:s13] =	dma.local [hbm:s0], $0x1  }
0x90: {  	_ =	swait.eq [sflag:s13], $0x1  }
0x91: {  	[sflag:s13] =	ssyncset.done $0x0  }
0x92: {  	[sflag:s13] =	ssyncadd.s32 $0xFFFFFFFF  }
0x93: {  	s14 =	sld [smem:$0x11];
	(tm) =	ssettm $0x1  }
0x94: {  	s15 =	sld [smem:$0x3FFB];
	_ =	sdelay $0x3  }
0x95: {  	_ =	strace s15  }
0x96: {  	s1 =	sld [smem:$0x3FFC];
	_ =	sdelay $0x3  }
0x97: {  	_ =	strace s1  }
0x98: {  	s1 =	sld [smem:$0x3FFD];
	_ =	sdelay $0x3  }
0x99: {  	_ =	strace s1  }
0x9a: {  	_ =	strace $0x8FFFFFFF  }
0x9b: {  	s16 =	sld [smem:$0x3FDB];
	_ =	sdelay $0x1  }
0x9c: {  	s17 =	simm.s32 $_scs_section_size  }
0x9d: {  	s3 =	simm.s32 $_size__tile_overlayer_lowered;
	s4 =	simm.s32 $_tile_overlayer_lowered  }
0x9e: {  	s20 =	simm.s32 $0x1BFF;
	s19 =	sshll.u32 s4, $0x1;
	s1 =	sadd.s32 s17, s16  }
0x9f: {  	s5 =	simm.s32 $0x0;
	s18 =	sshll.u32 s3, $0x1;
	s3 =	sadd.s32 s19, s1  }
0xa0: {  	[timem:s5], [sflag:s20] =	dma.local [hbm:s3], s18  }
0xa1: {  	_ =	swait.ge [sflag:s20], s18  }
0xa2: {  	s2 =	ssub.s32 $0x0, s18;
	[sflag:s20] =	ssyncset.done $0x0  }
0xa3: {  	[sflag:s20] =	ssyncadd.s32 s2;
	_ =	sdelay $0x1  }
0xa4: {  	s21 =	simm.s32 $0x1B8B  }
0xa5: {  	_ =	swait.ge [sflag:s21], $0x1  }
0xa6: {  	[sflag:s21] =	ssyncset.done $0x0  }
0xa7: {  	s23 =	simm.s32 $0x1B8E;
	s22 =	sld [smem:$0x3FFE];
	[sflag:s21] =	ssyncadd.s32 $0xFFFFFFFF  }
0xa8: {  	s24 =	simm.s32 $execute0_lowered;
	[smem:$0x3FD2] =	sst s23  }
0xa9: {  	s3 =	sshll.u32 s24, $0x1;
	_ =	strace $0x8000005B;
	[dreg:$0x1] =	wrdreg $0xFFFFFFFF  }
0xaa: {  	s25 =	simm.s32 $_size_execute0_lowered;
	s1 =	sadd.s32 s1, s3;
	[dreg:$0x0] =	wrdreg $0x0  }
0xab: {  	s3 =	sshll.u32 s25, $0x1;
	[dreg:$0x2] =	wrdreg s1  }
0xac: {  	[dreg:$0x3] =	wrdreg s3  }
0xad: {  	[dreg:$0x4] =	wrdreg $0xC0  }
0xae: {  	_ =	task [dreg:s5], $0x5FFFF  }
0xaf: {  	[dreg:$0x1] =	wrdreg $0xFFFFFFFF  }
0xb0: {  	[dreg:$0x0] =	wrdreg $0x60  }
0xb1: {  	[dreg:$0x2] =	wrdreg s14  }
0xb2: {  	[dreg:$0x3] =	wrdreg s22  }
0xb3: {  	[dreg:$0x4] =	wrdreg $0xC  }
0xb4: {  	_ =	task.clear_ibuf [dreg:s5], $0x5FFFF;
	_ =	strace $0x9000005B  }
0xb5: {  	s26 =	simm.s32 $0xC;
	_ =	strace $0x8000005D  }
0xb6: {  	_ =	swait.ge [sflag:s26], $0x1  }
0xb7: {  	[sflag:s26] =	ssyncadd.s32 $0xFFFFFFFF  }
0xb8: {  	_ =	strace $0x9000005D  }
0xb9: {  	_ =	sfence  }
0xba: {  	s28 =	sld [smem:$0x0];
	_ =	sdelay $0x1  }
0xbb: {  	s29 =	srdreg.scid  }
0xbc: {  	s30 =	sshll.u32 s29, $0xD;
	s31 =	sshrl.u32 s29, $0x2  }
0xbd: {  	s2 =	sand.u32 $0x4000, s30;
	s1 =	sand.u32 $0x1, s29;
	s0 =	sadd.s32 s31, s28  }
0xbe: {  	s1 =	sor.u32 s2, s1;
	s0 =	sshll.u32 s0, $0x11  }
0xbf: {  	s0 =	sor.u32 s0, s1  }
0xc0: {  	s0 =	sadd.s32 $0x8F2B, s0  }
0xc1: {  	[sflag:s0] =	ssyncadd.remote.s32 $0x1  }
0xc2: {  	_ =	sfence.sel $0xFFFF  }
0xc3: {  	[dreg:$0x0] =	wrdreg $0xFFFFFFFF;
	(pc) =	sbr.abs _section_cstart, $3  }
0xc4: {  	[dreg:$0x1] =	wrdreg $0xFFFFFFFF  }
0xc5: {  	_ =	task.clear_ibuf [dreg:s5], $0x2FFFF;
	_ =	strace $0x9FFFFFFF  }
0xc6: {  	(tm) =	ssettm $0x7FFFFFFF  }
0xc7: {  	_ =	shalt  }
tec
execute0_lowered:
.L_overlay_start_1:
0x0: {  	(tag) =	ssettag $0x1  }
0x1: {  	s1 =	rddreg [dreg:$0x0]  }
0x2: {  	s0 =	rddreg [dreg:$0x1];
	_ =	strace $0x8000005C;
	s2 =	simm.s32 $0x1  }
0x3: {  	s8 =	simm.s32 $0x208;
	v0 =	vimm.s32 $0x0;
	[sflag:s2] =	ssyncpa.u1 $0x0  }
0x4: {  	[tilespmem:s8+$0x70] =	vst v0  }
0x5: {  	[tilespmem:s8+$0x60] =	vst v0  }
0x6: {  	[tilespmem:s8+$0x50] =	vst v0  }
0x7: {  	[tilespmem:s8+$0x40] =	vst v0  }
0x8: {  	[tilespmem:s8+$0x30] =	vst v0  }
0x9: {  	s10 =	sadd.s32 $0xEC00, s0;
	[tilespmem:s8+$0x20] =	vst v0  }
0xa: {  	s4 =	sadd.s32 $0x4C0600, s0;
	s5 =	sadd.s32 $0x1E600, s0;
	s0 =	simm.s32 $0x40;
	[tilespmem:s8+$0x10] =	vst v0  }
.LBB2_1:
0xb: {  	s0 =	sadd.s32 $0x40, s0;
	[tilespmem:s8+$0x0] =	vst v0;
	s8 =	sadd.s32 $0x80, s8  }
0xc: {  	p0 =	slt.u32 s0, $0x3880;
	[tilespmem:s8+$0x70] =	vst v0  }
0xd: {  	[tilespmem:s8+$0x60] =	vst v0  }
.Ltmp0:
0xe: {  	[tilespmem:s8+$0x50] =	vst v0;
	(pc) =	sbr.rel @p0 .LBB2_1-.Ltmp0, $4  }
0xf: {  	[tilespmem:s8+$0x40] =	vst v0  }
0x10: {  	[tilespmem:s8+$0x30] =	vst v0  }
0x11: {  	[tilespmem:s8+$0x20] =	vst v0  }
0x12: {  	[tilespmem:s8+$0x10] =	vst v0  }
0x13: {  	s3 =	stileid.u32  }
0x14: {  	s0 =	smul.u32 $0x53, s3  }
0x15: {  	s2 =	smin.u32 s3, $0xC  }
0x16: {  	s0 =	sadd.s32 s2, s0  }
0x17: {  	p0 =	slt.u32 s3, $0xC;
	s6 =	smul.u32 $0x70, s0;
	s0 =	simm.s32 $0x24C0  }
0x18: {  	s0 =	simm.s32 @!p0 $0x2450  }
0x19: {  	s0 =	sadd.s32 s0, s6  }
0x1a: {  	s7 =	smin.u32 s0, $0x249F0  }
0x1b: {  	s0 =	ssub.s32 s7, s6  }
0x1c: {  	p0 =	sgt.s32 s0, $0x0  }
0x1d: {  	s26 =	simm.s32 $0x2;
	s0 =	simm.s32 @!p0 $0x0  }
0x1e: {  	s29 =	simm.s32 $0x7;
	s30 =	simm.s32 $0x8;
	s28 =	smulhi.u32 $0x92492493, s0  }
0x1f: {  	s31 =	simm.s32 $0x9;
	s11 =	simm.s32 $0x1;
	s21 =	simm.s32 $0x0  }
0x20: {  	p1 =	por $0x0, $0x0;
	s15 =	simm.s32 $0x80;
	s2 =	sshrl.u32 s28, $0x6  }
0x21: {  	s16 =	simm.s32 $0x400;
	s17 =	simm.s32 $0xA;
	s9 =	smul.u32 $0x70, s2  }
.Ltmp1:
0x22: {  	[tilespmem:s8+$0x0] =	vst v0;
	v0 =	vimm.s32 $0xFFFFFFFF;
	s18 =	simm.s32 $0x0;
	[sflag:s26] =	ssyncpa.u1 $0x0;
	(pc) =	sbr.rel .LBB2_3-.Ltmp1, $4  }
0x23: {  	[tilespmem:$0xE408] =	vst v0;
	[sflag:s29] =	ssyncpa.u1 $0x0;
	p0 =	sne.s32 s0, s9;
	s0 =	simm.s32 $0x1  }
0x24: {  	s20 =	simm.s32 $0x0;
	[sflag:s30] =	ssyncpa.u1 $0x0;
	s0 =	simm.s32 @!p0 $0x0  }
0x25: {  	s13 =	sshll.u32 s3, $0x9;
	[sflag:s31] =	ssyncpa.u1 $0x0;
	s12 =	sadd.s32 s0, s2  }
0x26: {  	v0 =	vlaneseq.u32;
	s19 =	smov.u32 s6;
	p0 =	por $0x1, $0x1;
	s14 =	sadd.s32 $0x1, s12  }
.LBB2_24:
0x27: {  	s0 =	sshrl.u32 s30, $0x2  }
.LBB2_26:
0x28: {  	_ =	swait.ge [sflag:s17], s0  }
0x29: {  	s31 =	ssub.s32 $0x0, s0;
	v1 =	vmov s23;
	vm0 =	veq.s32 v0, $0x0;
	[sflag:s17] =	ssyncset.done $0x0  }
0x2a: {  	vm15 =	veq.s32 v0, $0x2;
	v1 =	vsel vm0, s29, v1;
	[sflag:s17] =	ssyncadd.s32 s31  }
0x2b: {  	v1 =	vsel vm15, s21, v1;
	[sflag:s17] =	ssyncpa.u1 $0x1  }
0x2c: {  	[tilespmem:$0xE408] =	vst v1  }
.LBB2_27:
0x2d: {  	s0 =	sadd.s32 $0x70, s19  }
0x2e: {  	s2 =	smov.u32 s6;
	p2 =	slt.s32 s0, s7  }
0x2f: {  	s2 =	smov.u32 @p2 s0;
	p2 =	sne.s32 s20, s14  }
.Ltmp2:
0x30: {  	_ = 	snop;
	(pc) =	sbr.rel @!p2 .LBB2_28-.Ltmp2, $4  }
0x31: {  	_ = 	snop  }
0x32: {  	s21 =	smov.u32 s18  }
0x33: {  	s31 =	sadd.s32 $0x1, s20;
	s18 =	smov.u32 s19;
	p0 =	por !p0, !p0  }
0x34: {  	p1 =	por !p1, !p1;
	s20 =	smov.u32 s31;
	s19 =	smov.u32 s2  }
.LBB2_3:
0x35: {  	p2 =	sge.u32 s20, s12  }
0x36: {  	s0 =	smulhi.u32 @!p2 $0xAAAAAAAB, s20  }
0x37: {  	s2 =	smov.u32 s19;
	p3 =	sgt.s32 @!p2 s19, $0x24980  }
0x38: {  	s8 =	sshra.s32 @!p2 s19, $0x1F;
	p3 =	por !p3, p2;
	s0 =	sshrl.u32 @!p2 s0, $0x1  }
0x39: {  	s8 =	sand.u32 @!p2 s8, s19;
	s2 =	simm.s32 @p3 $0x24980;
	s0 =	smul.u32 @!p2 $0x3, s0  }
0x3a: {  	s2 =	ssub.s32 @!p2 s2, s8  }
0x3b: {  	s2 =	sadd.s32 @!p2 $0xFFFDB680, s2;
	s0 =	ssub.s32 @!p2 s20, s0  }
0x3c: {  	s8 =	sshll.u32 @!p2 s2, $0x2;
	p3 =	sgt.s32 @!p2 s2, $0x6F;
	s0 =	smul.u32 @!p2 $0x1C0, s0  }
0x3d: {  	s9 =	sand.u32 @!p2 $0x7, s19;
	s2 =	ssub.s32 @!p2 $0x1C0, s8;
	p3 =	por !p3, p2  }
0x3e: {  	s8 =	sshrl.u32 @!p2 s19, $0x3;
	s2 =	sshrl.u32 @!p2 s2, $0x2;
	s0 =	sshrl.u32 @!p2 s0, $0x2  }
0x3f: {  	s8 =	sadd.s32 @!p2 s5, s8;
	s2 =	simm.s32 @!p3 $0x0;
	s0 =	sadd.s32 @!p2 $0x10438, s0  }
0x40: {  	[tilespmem:s0], [sflag:$0x8] =	stream.linear.gather @!p2 [hbm4b:s8+s9], s2, $0x38;
	[tilespmem:$0x1E668] =	vst v63  }
0x41: {  	s0 =	sadd.s32 $0xFFFFFFFF, s20  }
0x42: {  	p2 =	sge.u32 s0, s12  }
0x43: {  	p3 =	sgt.s32 @!p2 s18, $0x24980  }
0x44: {  	s2 =	smov.u32 s18;
	s8 =	sshra.s32 @!p2 s18, $0x1F;
	p3 =	por !p3, p2  }
0x45: {  	s8 =	sand.u32 @!p2 s8, s18;
	s2 =	simm.s32 @p3 $0x24980  }
0x46: {  	s2 =	ssub.s32 @!p2 s2, s8  }
0x47: {  	s2 =	sadd.s32 @!p2 $0xFFFDB680, s2  }
0x48: {  	s8 =	sshll.u32 @!p2 s2, $0x2  }
0x49: {  	p3 =	sgt.s32 @!p2 s2, $0x6F;
	s2 =	ssub.s32 @!p2 $0x1C0, s8  }
0x4a: {  	p3 =	por !p3, p2;
	s2 =	sshrl.u32 @!p2 s2, $0x2  }
0x4b: {  	s9 =	simm.s32 @!p2 $0x8;
	s8 =	sand.u32 @!p2 $0x1, s0;
	s2 =	simm.s32 @!p3 $0x0  }
0x4c: {  	s8 =	smul.u32 @!p2 $0x1C0, s8;
	_ =	swait.ge @!p2 [sflag:s9], s2  }
0x4d: {  	s22 =	ssub.s32 @!p2 $0x0, s2;
	[sflag:s9] =	ssyncset.done @!p2 $0x0  }
0x4e: {  	s8 =	sshrl.u32 @!p2 s8, $0x2;
	[sflag:s9] =	ssyncadd.s32 @!p2 s22;
	s9 =	sshrl.u32 @!p2 s18, $0x3  }
0x4f: {  	s8 =	sor.u32 @!p2 $0x10588, s8;
	s22 =	sand.u32 @!p2 $0x7, s18;
	s9 =	sadd.s32 @!p2 s10, s9  }
0x50: {  	[tilespmem:s8], [sflag:$0x9] =	stream.linear.gather @!p2 [hbm4b:s9+s22], s2, $0x38;
	[tilespmem:$0x1E668] =	vst v63  }
0x51: {  	s22 =	ssub.s32 @!p2 $0x249F0, s18  }
0x52: {  	p3 =	slt.s32 @!p2 s22, $0x1  }
0x53: {  	p3 =	por p2, p3  }
.Ltmp3:
0x54: {  	_ = 	snop;
	(pc) =	sbr.rel @p3 .LBB2_9-.Ltmp3, $1  }
0x55: {  	_ =	sdelay $0x3  }
0x56: {  	s2 =	smulhi.u32 $0xAAAAAAAB, s0;
	_ =	sdelay $0x1  }
0x57: {  	s2 =	sshrl.u32 s2, $0x1  }
0x58: {  	s2 =	smul.u32 $0x3, s2;
	_ =	sdelay $0x1  }
0x59: {  	s29 =	ssub.s32 s0, s2  }
0x5a: {  	s8 =	simm.s32 $0x1;
	s0 =	smul.u32 $0x1C0, s29  }
.Ltmp4:
0x5b: {  	s8 =	simm.s32 @!p0 $0x0;
	(pc) =	sbr.rel .LBB2_6-.Ltmp4, $4  }
0x5c: {  	s30 =	smul.u32 $0x1C000, s8  }
0x5d: {  	p3 =	slt.s32 @!p2 s22, $0x70;
	s0 =	sshrl.u32 s0, $0x2  }
0x5e: {  	p2 =	por !p3, p2;
	s2 =	sshrl.u32 s30, $0x2;
	s31 =	sadd.s32 $0x10438, s0  }
0x5f: {  	s22 =	simm.s32 @p2 $0x70;
	s23 =	sor.u32 $0x10668, s2;
	s0 =	simm.s32 $0x0;
	v1 =	vmov s31  }
.LBB2_5:
0x60: {  	p2 =	sge.s32 s0, s22  }
.Ltmp5:
0x61: {  	_ = 	snop;
	(pc) =	sbr.rel @p2 .LBB2_9-.Ltmp5, $2  }
0x62: {  	_ =	sdelay $0x2  }
0x63: {  	s23 =	sadd.s32 $0x1000, s23  }
.LBB2_6:
0x64: {  	p2 =	sle.s32 s22, s0  }
.Ltmp6:
0x65: {  	_ = 	snop;
	(pc) =	sbr.rel @p2 .LBB2_5-.Ltmp6, $2  }
0x66: {  	_ =	sdelay $0x2  }
0x67: {  	s24 =	smov.u32 s0;
	s0 =	sadd.s32 $0x10, s0  }
0x68: {  	s2 =	ssub.s32 s22, s24  }
0x69: {  	p2 =	slt.s32 s2, $0x10  }
0x6a: {  	s2 =	simm.s32 @!p2 $0x10  }
0x6b: {  	v2 =	vmov s2  }
0x6c: {  	vm0 =	vgt.s32 v2, v0;
	_ =	sdelay $0x5  }
0x6d: {  	v2 =	vld.idx.msk [tilespmem:v1+s24+$0x0 ss:$0x1], vm0;
	_ =	sdelay $0x2  }
0x6e: {  	p2 =	slt.s32 s0, s22;
	s2 =	smov.u32 s22  }
0x6f: {  	s8 =	smov.u32 s23;
	s25 =	simm.s32 $0x0;
	s2 =	smov.u32 @p2 s0  }
.LBB2_8:
0x70: {  	(v2sf) =	vpush v2, s25;
	_ =	sdelay $0xe  }
0x71: {  	s25 =	sadd.s32 $0x1, s25;
	s9 =	spop (v2sf)  }
0x72: {  	s31 =	sadd.s32 s25, s24;
	s26 =	sshll.u32 s9, $0x8;
	s9 =	sshll.u32 s9, $0x7  }
0x73: {  	p2 =	slt.s32 s31, s2;
	s26 =	sand.u32 $0xFFFFF800, s26;
	s9 =	sand.u32 $0x380, s9  }
.Ltmp7:
0x74: {  	s9 =	sor.u32 s9, s26;
	(pc) =	sbr.rel @p2 .LBB2_8-.Ltmp7, $4  }
0x75: {  	s9 =	sshrl.u32 s9, $0x3  }
0x76: {  	s9 =	sadd.s32 s4, s9  }
0x77: {  	[tilespmem:s8], [sflag:$0x7] =	stream.strided.gather [hbm4b:s9+s15], $0x100, s16, s15, $0x38;
	[tilespmem:$0x1E668] =	vst v63  }
0x78: {  	s8 =	sadd.s32 $0x100, s8  }
.Ltmp8:
0x79: {  	_ = 	snop;
	(pc) =	sbr.rel .LBB2_5-.Ltmp8, $1  }
0x7a: {  	_ =	sdelay $0x3  }
.LBB2_9:
0x7b: {  	p2 =	slt.u32 s20, $0x2  }
.Ltmp9:
0x7c: {  	_ = 	snop;
	(pc) =	sbr.rel @p2 .LBB2_27-.Ltmp9, $1  }
0x7d: {  	_ =	sdelay $0x3  }
0x7e: {  	p2 =	sgt.s32 s21, $0x24980;
	s0 =	smov.u32 s21  }
0x7f: {  	s2 =	sshra.s32 s21, $0x1F;
	s8 =	ssub.s32 $0x249F0, s21;
	s0 =	simm.s32 @!p2 $0x24980  }
0x80: {  	s2 =	sand.u32 s2, s21;
	p2 =	slt.s32 s8, $0x70;
	s9 =	smov.u32 s8  }
0x81: {  	s0 =	ssub.s32 s0, s2;
	s9 =	simm.s32 @!p2 $0x70  }
0x82: {  	s0 =	sadd.s32 $0xFFFDB680, s0;
	s25 =	sshll.u32 s9, $0x8  }
0x83: {  	s3 =	simm.s32 $0x7;
	s26 =	sshll.u32 s0, $0x2;
	s2 =	sand.u32 $0x3FFFFF00, s25  }
0x84: {  	p2 =	sgt.s32 s0, $0x6F;
	s28 =	ssub.s32 $0x1C0, s26;
	_ =	swait.ge [sflag:s3], s2  }
0x85: {  	s2 =	ssub.s32 $0x0, s2;
	[sflag:s3] =	ssyncset.done $0x0;
	s0 =	sshrl.u32 s28, $0x2  }
0x86: {  	s30 =	simm.s32 $0x9;
	[sflag:s3] =	ssyncadd.s32 s2;
	s0 =	simm.s32 @p2 $0x0  }
0x87: {  	_ =	swait.ge [sflag:s30], s0  }
0x88: {  	s0 =	ssub.s32 $0x0, s0;
	[sflag:s30] =	ssyncset.done $0x0  }
0x89: {  	[sflag:s30] =	ssyncadd.s32 s0  }
0x8a: {  	v1 =	vld [tilespmem:$0xE408];
	_ =	sdelay $0x4  }
0x8b: {  	(v2sf) =	vpush v1, $0x0  }
0x8c: {  	(v2sf) =	vpush v1, $0x1  }
0x8d: {  	(v2sf) =	vpush v1, $0x2;
	_ =	sdelay $0x3  }
0x8e: {  	s0 =	sadd.s32 $0x70, s21  }
0x8f: {  	p2 =	slt.s32 s7, s0  }
0x90: {  	s0 =	smov.u32 @p2 s7;
	p2 =	sgt.s32 s8, $0x0  }
0x91: {  	s25 =	ssub.s32 s0, s21;
	s8 =	simm.s32 @!p2 $0x0  }
0x92: {  	p2 =	slt.s32 s8, s25  }
0x93: {  	s25 =	smov.u32 @p2 s8  }
0x94: {  	s24 =	simm.s32 $0x1;
	p2 =	slt.s32 s25, $0x1  }
.Ltmp10:
0x95: {  	s24 =	simm.s32 @!p1 $0x0;
	(pc) =	sbr.rel @p2 .LBB2_14-.Ltmp10, $4  }
0x96: {  	s31 =	smul.u32 $0x1C0, s24  }
0x97: {  	s26 =	spop (v2sf)  }
0x98: {  	s0 =	sshrl.u32 s31, $0x2;
	s29 =	spop (v2sf)  }
0x99: {  	s22 =	sor.u32 $0x10588, s0;
	s21 =	spop (v2sf)  }
0x9a: {  	s0 =	smin.u32 s25, $0x10  }
0x9b: {  	v1 =	vmov s0  }
0x9c: {  	vm1 =	vgt.u32 v1, v0  }
0x9d: {  	p3 =	sgt.s32 s25, $0x10  }
.Ltmp11:
0x9e: {  	_ = 	snop;
	(pc) =	sbr.rel @!p3 .LBB2_13-.Ltmp11, $2  }
0x9f: {  	_ =	sdelay $0x2  }
0xa0: {  	s23 =	simm.s32 $0x10;
	s28 =	sadd.s32 $0xFFFFFFF0, s25;
	s0 =	smov.u32 s22;
	vm0 =	vmmov vm1;
	v1 =	vld.msk [tilespmem:s22+$0x0 ss:$0x1], vm1  }
.LBB2_12:
0xa1: {  	s2 =	smin.u32 s28, $0x10;
	s23 =	sadd.s32 $0x10, s23  }
0xa2: {  	v2 =	vmov s2;
	p3 =	slt.s32 s23, s25  }
0xa3: {  	vm1 =	vgt.u32 v2, v0;
	_ =	sdelay $0x1  }
0xa4: {  	v2 =	vshll.u32 v1, $0x5;
	v1 =	vshll.u32 v1, $0x4  }
.Ltmp12:
0xa5: {  	v2 =	vand.u32 $0xFFFFFF00, v2;
	v1 =	vand.u32 $0x70, v1;
	(pc) =	sbr.rel @p3 .LBB2_12-.Ltmp12, $4  }
0xa6: {  	v1 =	vor.u32 v1, v2  }
0xa7: {  	[tilespmem:s0+$0x0] =	vst.msk vm0, v1;
	s0 =	sadd.s32 $0x10, s0;
	vm0 =	vmmov vm1  }
0xa8: {  	v1 =	vld.msk [tilespmem:s0+$0x0 ss:$0x1], vm1  }
0xa9: {  	s28 =	sadd.s32 $0xFFFFFFF0, s28  }
.LBB2_13:
0xaa: {  	_ =	sdelay $0x3  }
0xab: {  	v2 =	vshll.u32 v1, $0x5;
	v1 =	vshll.u32 v1, $0x4  }
0xac: {  	v2 =	vand.u32 $0xFFFFFF00, v2;
	v1 =	vand.u32 $0x70, v1  }
0xad: {  	v1 =	vor.u32 v1, v2  }
0xae: {  	[tilespmem:s0+$0x0] =	vst.msk vm0, v1  }
.LBB2_14:
0xaf: {  	s0 =	sand.u32 $0x1, s20  }
0xb0: {  	s0 =	smul.u32 $0x70, s0  }
0xb1: {  	p3 =	sne.s32 s29, $0xFFFFFFFF  }
0xb2: {  	v1 =	vld.msk @!p3 [tilespmem:s0+$0x10588], $0x1;
	_ =	sdelay $0x4  }
0xb3: {  	(v2sf) =	vpush @!p3 v1, $0x0;
	_ =	sdelay $0xc  }
.Ltmp13:
0xb4: {  	_ = 	snop;
	(pc) =	sbr.rel @p2 .LBB2_25-.Ltmp13, $4  }
0xb5: {  	_ = 	snop  }
0xb6: {  	s28 =	spop @!p3 (v2sf)  }
0xb7: {  	s21 =	simm.s32 @!p3 $0x0;
	s23 =	smov.u32 s28  }
0xb8: {  	[sflag:s17] =	ssyncpa.u1 $0x0;
	s28 =	smov.u32 @p3 s26;
	s23 =	smov.u32 @p3 s29  }
0xb9: {  	v1 =	vld.msk [tilespmem:s22+$0x0], $0x1;
	_ =	sdelay $0x4  }
0xba: {  	(v2sf) =	vpush v1, $0x0;
	_ =	sdelay $0xd  }
0xbb: {  	s17 =	smov.u32 s6  }
0xbc: {  	s6 =	smov.u32 s14;
	s14 =	smov.u32 s5;
	s30 =	spop (v2sf)  }
0xbd: {  	s5 =	smov.u32 s10;
	s0 =	smul.u32 $0x1C000, s24;
	p2 =	seq.s32 s28, s30  }
0xbe: {  	s2 =	smov.u32 s28;
	s25 =	ssub.s32 $0x0, s25;
	p3 =	sgt.s32 @!p2 s28, $0x0  }
0xbf: {  	s26 =	simm.s32 $0x0;
	s0 =	sshrl.u32 s0, $0x2;
	p3 =	por !p3, p2  }
0xc0: {  	s29 =	sadd.s32 $0x1, s25;
	s24 =	sor.u32 $0x106E8, s0;
	s2 =	simm.s32 @p3 $0x0  }
0xc1: {  	s0 =	simm.s32 @!p2 $0x1;
	p3 =	seq.s32 s29, $0x0;
	s2 =	smin.u32 @!p2 s2, $0x25370  }
.Ltmp14:
0xc2: {  	s9 =	simm.s32 @!p2 $0x7308;
	s8 =	sand.u32 @!p2 $0x3FFF8, s2;
	(pc) =	sbr.rel @p3 .LBB2_17-.Ltmp14, $4  }
0xc3: {  	s31 =	sadd.s32 @!p2 $0x80, s2;
	s10 =	sadd.s32 @!p2 s1, s8;
	s8 =	sand.u32 @!p2 $0x7, s2  }
0xc4: {  	[tilespmem:s9], [sflag:$0x2] =	stream.linear.gather @!p2 [hbm4b:s10+s8], $0x80, $0x38;
	[tilespmem:$0x1E668] =	vst v63  }
0xc5: {  	s0 =	smov.u32 @p2 s26;
	s9 =	sand.u32 @!p2 $0x7FFF8, s31  }
0xc6: {  	s2 =	simm.s32 @!p2 $0x7388;
	s31 =	sadd.s32 $0x1, s22;
	s9 =	sadd.s32 @!p2 s1, s9  }
.LBB2_16:
0xc7: {  	s10 =	smov.u32 s0  }
0xc8: {  	[tilespmem:s2], [sflag:$0x2] =	stream.linear.gather @!p2 [hbm4b:s9+s8], $0x80, $0x38;
	[tilespmem:$0x1E668] =	vst v63  }
0xc9: {  	s29 =	sadd.s32 $0x1, s29;
	s8 =	smov.u32 s30;
	v1 =	vld.msk [tilespmem:s31+$0x0], $0x1  }
0xca: {  	p3 =	seq.s32 s29, $0x0;
	_ =	sdelay $0x3  }
0xcb: {  	(v2sf) =	vpush v1, $0x0;
	_ =	sdelay $0xe  }
0xcc: {  	s30 =	spop (v2sf)  }
0xcd: {  	p2 =	seq.s32 s8, s30  }
0xce: {  	p4 =	sgt.s32 @!p2 s8, $0x0;
	s2 =	sshll.u32 @!p2 s0, $0xA;
	s0 =	sadd.s32 @!p2 $0x1, s0  }
0xcf: {  	p4 =	por !p4, p2;
	s2 =	sshra.s32 @!p2 s2, $0x2;
	s0 =	smov.u32 @p2 s10  }
0xd0: {  	s8 =	simm.s32 @p4 $0x0;
	s9 =	sadd.s32 @!p2 $0x7308, s2;
	s2 =	sadd.s32 @!p2 $0x7388, s2  }
.Ltmp15:
0xd1: {  	s8 =	smin.u32 @!p2 s8, $0x25370;
	(pc) =	sbr.rel @!p3 .LBB2_16-.Ltmp15, $4  }
0xd2: {  	s10 =	sand.u32 @!p2 $0x3FFF8, s8;
	s3 =	sadd.s32 @!p2 $0x80, s8  }
0xd3: {  	s8 =	sand.u32 @!p2 $0x7, s8;
	s10 =	sadd.s32 @!p2 s1, s10;
	s3 =	sand.u32 @!p2 $0x7FFF8, s3  }
0xd4: {  	[tilespmem:s9], [sflag:$0x2] =	stream.linear.gather @!p2 [hbm4b:s10+s8], $0x80, $0x38;
	[tilespmem:$0x1E668] =	vst v63  }
0xd5: {  	s31 =	sadd.s32 $0x1, s31;
	s9 =	sadd.s32 @!p2 s1, s3  }
.LBB2_17:
0xd6: {  	[tilespmem:s2], [sflag:$0x2] =	stream.linear.gather @!p2 [hbm4b:s9+s8], $0x80, $0x38;
	[tilespmem:$0x1E668] =	vst v63  }
.Ltmp16:
0xd7: {  	s0 =	sshll.u32 s0, $0x8;
	(pc) =	sbr.rel .LBB2_18-.Ltmp16, $4  }
0xd8: {  	s31 =	simm.s32 $0x2;
	s30 =	simm.s32 $0x0;
	s0 =	sand.u32 $0x3FFFFF00, s0  }
0xd9: {  	s10 =	smov.u32 s5;
	s5 =	smov.u32 s14;
	_ =	swait.ge [sflag:s31], s0  }
0xda: {  	s14 =	smov.u32 s6;
	s0 =	ssub.s32 $0x0, s0;
	[sflag:s31] =	ssyncset.done $0x0  }
0xdb: {  	s6 =	smov.u32 s17;
	s17 =	simm.s32 $0xA;
	[sflag:s31] =	ssyncadd.s32 s0  }
.LBB2_19:
0xdc: {  	v1 =	vld [tilespmem:s24+$0xFFFFFF80];
	_ =	sdelay $0x4  }
0xdd: {  	[tilespmem:s31+$0x208] =	vst.add.f32.msk $0xffff, v1  }
0xde: {  	v1 =	vld [tilespmem:s24+$0xFFFFFF90];
	_ =	sdelay $0x4  }
0xdf: {  	[tilespmem:s31+$0x218] =	vst.add.f32.msk $0xffff, v1  }
0xe0: {  	v1 =	vld [tilespmem:s24+$0xFFFFFFA0];
	_ =	sdelay $0x4  }
0xe1: {  	[tilespmem:s31+$0x228] =	vst.add.f32.msk $0xffff, v1  }
0xe2: {  	v1 =	vld [tilespmem:s24+$0xFFFFFFB0];
	_ =	sdelay $0x4  }
0xe3: {  	[tilespmem:s31+$0x238] =	vst.add.f32.msk $0xffff, v1  }
0xe4: {  	v1 =	vld [tilespmem:s24+$0xFFFFFFC0];
	_ =	sdelay $0x4  }
0xe5: {  	[tilespmem:s31+$0x248] =	vst.add.f32.msk $0xffff, v1  }
0xe6: {  	v1 =	vld [tilespmem:s24+$0xFFFFFFD0];
	_ =	sdelay $0x4  }
0xe7: {  	[tilespmem:s31+$0x258] =	vst.add.f32.msk $0xffff, v1  }
0xe8: {  	v1 =	vld [tilespmem:s24+$0xFFFFFFE0];
	_ =	sdelay $0x4  }
0xe9: {  	[tilespmem:s31+$0x268] =	vst.add.f32.msk $0xffff, v1  }
0xea: {  	v1 =	vld [tilespmem:s24+$0xFFFFFFF0];
	_ =	sdelay $0x4  }
0xeb: {  	[tilespmem:s31+$0x278] =	vst.add.f32.msk $0xffff, v1  }
0xec: {  	v1 =	vld [tilespmem:s24+$0x0];
	_ =	sdelay $0x4  }
0xed: {  	[tilespmem:s31+$0x288] =	vst.add.f32.msk $0xffff, v1  }
0xee: {  	v1 =	vld [tilespmem:s24+$0x10];
	_ =	sdelay $0x4  }
0xef: {  	[tilespmem:s31+$0x298] =	vst.add.f32.msk $0xffff, v1  }
0xf0: {  	v1 =	vld [tilespmem:s24+$0x20];
	_ =	sdelay $0x4  }
0xf1: {  	[tilespmem:s31+$0x2A8] =	vst.add.f32.msk $0xffff, v1  }
0xf2: {  	v1 =	vld [tilespmem:s24+$0x30];
	_ =	sdelay $0x4  }
0xf3: {  	[tilespmem:s31+$0x2B8] =	vst.add.f32.msk $0xffff, v1  }
0xf4: {  	v1 =	vld [tilespmem:s24+$0x40];
	_ =	sdelay $0x4  }
0xf5: {  	[tilespmem:s31+$0x2C8] =	vst.add.f32.msk $0xffff, v1  }
0xf6: {  	v1 =	vld [tilespmem:s24+$0x50];
	_ =	sdelay $0x4  }
0xf7: {  	[tilespmem:s31+$0x2D8] =	vst.add.f32.msk $0xffff, v1  }
0xf8: {  	v1 =	vld [tilespmem:s24+$0x60];
	_ =	sdelay $0x4  }
0xf9: {  	[tilespmem:s31+$0x2E8] =	vst.add.f32.msk $0xffff, v1  }
0xfa: {  	v1 =	vld [tilespmem:s24+$0x70];
	_ =	sdelay $0x4  }
0xfb: {  	[tilespmem:s31+$0x2F8] =	vst.add.f32.msk $0xffff, v1  }
.LBB2_23:
0xfc: {  	s25 =	sadd.s32 $0x1, s25  }
0xfd: {  	p2 =	seq.s32 s25, $0x0  }
.Ltmp17:
0xfe: {  	_ = 	snop;
	(pc) =	sbr.rel @p2 .LBB2_24-.Ltmp17, $2  }
0xff: {  	_ =	sdelay $0x2  }
0x100: {  	s22 =	sadd.s32 $0x1, s22;
	s24 =	sadd.s32 $0x100, s24;
	s28 =	smov.u32 s29  }
.LBB2_18:
0x101: {  	v1 =	vld.msk [tilespmem:s22+$0x0], $0x1;
	_ =	sdelay $0x4  }
0x102: {  	(v2sf) =	vpush v1, $0x0;
	_ =	sdelay $0xe  }
0x103: {  	s29 =	spop (v2sf)  }
0x104: {  	p2 =	sne.s32 s28, s29  }
.Ltmp18:
0x105: {  	_ = 	snop;
	(pc) =	sbr.rel @!p2 .LBB2_19-.Ltmp18, $3  }
0x106: {  	_ =	sdelay $0x1  }
0x107: {  	s0 =	sshll.u32 s21, $0xA  }
0x108: {  	s31 =	sshra.s32 s0, $0x2  }
0x109: {  	p2 =	seq.s32 s28, s23  }
.Ltmp19:
0x10a: {  	_ = 	snop;
	(pc) =	sbr.rel @!p2 .LBB2_21-.Ltmp19, $1  }
0x10b: {  	_ =	sdelay $0x3  }
.Ltmp20:
0x10c: {  	s0 =	sadd.s32 $0x208, s31;
	(pc) =	sbr.rel .LBB2_22-.Ltmp20, $4  }
0x10d: {  	[spmem:s13] =	stream.linear.scatter [tilespmem:s0], [sflag:$0x1], $0x100, $0x38;
	[tilespmem:$0x1E668] =	vst v63  }
0x10e: {  	_ =	swait.ge [sflag:s11], $0x100  }
0x10f: {  	[sflag:s11] =	ssyncset.done $0x0  }
0x110: {  	[sflag:s11] =	ssyncadd.s32 $0xFFFFFF00  }
.LBB2_21:
0x111: {  	s0 =	sshll.u32 s26, $0xA  }
0x112: {  	s0 =	sshra.s32 s0, $0x2  }
0x113: {  	v1 =	vld [tilespmem:s0+$0x7308];
	_ =	sdelay $0x4  }
0x114: {  	[tilespmem:s31+$0x208] =	vst.add.f32.msk $0xffff, v1  }
0x115: {  	v1 =	vld [tilespmem:s0+$0x7318];
	_ =	sdelay $0x4  }
0x116: {  	[tilespmem:s31+$0x218] =	vst.add.f32.msk $0xffff, v1  }
0x117: {  	v1 =	vld [tilespmem:s0+$0x7328];
	_ =	sdelay $0x4  }
0x118: {  	[tilespmem:s31+$0x228] =	vst.add.f32.msk $0xffff, v1  }
0x119: {  	v1 =	vld [tilespmem:s0+$0x7338];
	_ =	sdelay $0x4  }
0x11a: {  	[tilespmem:s31+$0x238] =	vst.add.f32.msk $0xffff, v1  }
0x11b: {  	v1 =	vld [tilespmem:s0+$0x7348];
	_ =	sdelay $0x4  }
0x11c: {  	[tilespmem:s31+$0x248] =	vst.add.f32.msk $0xffff, v1  }
0x11d: {  	v1 =	vld [tilespmem:s0+$0x7358];
	_ =	sdelay $0x4  }
0x11e: {  	[tilespmem:s31+$0x258] =	vst.add.f32.msk $0xffff, v1  }
0x11f: {  	v1 =	vld [tilespmem:s0+$0x7368];
	_ =	sdelay $0x4  }
0x120: {  	[tilespmem:s31+$0x268] =	vst.add.f32.msk $0xffff, v1  }
0x121: {  	v1 =	vld [tilespmem:s0+$0x7378];
	_ =	sdelay $0x4  }
0x122: {  	[tilespmem:s31+$0x278] =	vst.add.f32.msk $0xffff, v1  }
0x123: {  	v1 =	vld [tilespmem:s0+$0x7388];
	_ =	sdelay $0x4  }
0x124: {  	[tilespmem:s31+$0x288] =	vst.add.f32.msk $0xffff, v1  }
0x125: {  	v1 =	vld [tilespmem:s0+$0x7398];
	_ =	sdelay $0x4  }
0x126: {  	[tilespmem:s31+$0x298] =	vst.add.f32.msk $0xffff, v1  }
0x127: {  	v1 =	vld [tilespmem:s0+$0x73A8];
	_ =	sdelay $0x4  }
0x128: {  	[tilespmem:s31+$0x2A8] =	vst.add.f32.msk $0xffff, v1  }
0x129: {  	v1 =	vld [tilespmem:s0+$0x73B8];
	_ =	sdelay $0x4  }
0x12a: {  	[tilespmem:s31+$0x2B8] =	vst.add.f32.msk $0xffff, v1  }
0x12b: {  	v1 =	vld [tilespmem:s0+$0x73C8];
	_ =	sdelay $0x4  }
0x12c: {  	[tilespmem:s31+$0x2C8] =	vst.add.f32.msk $0xffff, v1  }
0x12d: {  	v1 =	vld [tilespmem:s0+$0x73D8];
	_ =	sdelay $0x4  }
0x12e: {  	[tilespmem:s31+$0x2D8] =	vst.add.f32.msk $0xffff, v1  }
0x12f: {  	v1 =	vld [tilespmem:s0+$0x73E8];
	_ =	sdelay $0x4  }
0x130: {  	[tilespmem:s31+$0x2E8] =	vst.add.f32.msk $0xffff, v1  }
0x131: {  	v1 =	vld [tilespmem:s0+$0x73F8];
	_ =	sdelay $0x2  }
0x132: {  	p2 =	sgt.u32 s28, $0x25370  }
0x133: {  	s0 =	sand.u32 @!p2 $0x3FFF8, s28  }
0x134: {  	s2 =	sadd.s32 $0x208, s31;
	s3 =	sand.u32 @!p2 $0x7, s28;
	s0 =	sadd.s32 @!p2 s1, s0;
	[tilespmem:s31+$0x2F8] =	vst.add.f32.msk $0xffff, v1  }
0x135: {  	[hbm4b:s0+s3] =	stream.linear.scatter @!p2 [tilespmem:s2], [sflag:$0xA], $0x80, $0x38;
	[tilespmem:$0x1E668] =	vst v63  }
0x136: {  	s0 =	sadd.s32 @!p2 $0x80, s28  }
0x137: {  	s0 =	sand.u32 @!p2 $0x7FFF8, s0  }
0x138: {  	s2 =	sadd.s32 $0x288, s31;
	s0 =	sadd.s32 @!p2 s1, s0  }
0x139: {  	[hbm4b:s0+s3] =	stream.linear.scatter @!p2 [tilespmem:s2], [sflag:$0xA], $0x80, $0x38;
	[tilespmem:$0x1E668] =	vst v63  }
0x13a: {  	s0 =	simm.s32 $0x0  }
0x13b: {  	s0 =	simm.s32 @!p2 $0x400  }
0x13c: {  	s30 =	sadd.s32 s0, s30  }
.LBB2_22:
0x13d: {  	s0 =	sadd.s32 $0x1, s21  }
0x13e: {  	s2 =	sshrl.u32 s0, $0x4  }
0x13f: {  	s2 =	smulhi.u32 $0x24924925, s2  }
0x140: {  	v1 =	vld [tilespmem:s24+$0xFFFFFF80]  }
0x141: {  	s2 =	smul.u32 $0x70, s2;
	_ =	sdelay $0x1  }
0x142: {  	s21 =	ssub.s32 s0, s2  }
0x143: {  	s0 =	sshll.u32 s21, $0x8  }
0x144: {  	[tilespmem:s0+$0x208] =	vst v1  }
0x145: {  	v1 =	vld [tilespmem:s24+$0xFFFFFF90];
	_ =	sdelay $0x4  }
0x146: {  	[tilespmem:s0+$0x218] =	vst v1  }
0x147: {  	v1 =	vld [tilespmem:s24+$0xFFFFFFA0];
	_ =	sdelay $0x4  }
0x148: {  	[tilespmem:s0+$0x228] =	vst v1  }
0x149: {  	v1 =	vld [tilespmem:s24+$0xFFFFFFB0];
	_ =	sdelay $0x4  }
0x14a: {  	[tilespmem:s0+$0x238] =	vst v1  }
0x14b: {  	v1 =	vld [tilespmem:s24+$0xFFFFFFC0];
	_ =	sdelay $0x4  }
0x14c: {  	[tilespmem:s0+$0x248] =	vst v1  }
0x14d: {  	v1 =	vld [tilespmem:s24+$0xFFFFFFD0];
	_ =	sdelay $0x4  }
0x14e: {  	[tilespmem:s0+$0x258] =	vst v1  }
0x14f: {  	v1 =	vld [tilespmem:s24+$0xFFFFFFE0];
	_ =	sdelay $0x4  }
0x150: {  	[tilespmem:s0+$0x268] =	vst v1  }
0x151: {  	v1 =	vld [tilespmem:s24+$0xFFFFFFF0];
	_ =	sdelay $0x4  }
0x152: {  	[tilespmem:s0+$0x278] =	vst v1  }
0x153: {  	v1 =	vld [tilespmem:s24+$0x0];
	_ =	sdelay $0x4  }
0x154: {  	[tilespmem:s0+$0x288] =	vst v1  }
0x155: {  	v1 =	vld [tilespmem:s24+$0x10];
	_ =	sdelay $0x4  }
0x156: {  	[tilespmem:s0+$0x298] =	vst v1  }
0x157: {  	v1 =	vld [tilespmem:s24+$0x20];
	_ =	sdelay $0x4  }
0x158: {  	[tilespmem:s0+$0x2A8] =	vst v1  }
0x159: {  	v1 =	vld [tilespmem:s24+$0x30];
	_ =	sdelay $0x4  }
0x15a: {  	[tilespmem:s0+$0x2B8] =	vst v1  }
0x15b: {  	v1 =	vld [tilespmem:s24+$0x40];
	_ =	sdelay $0x4  }
0x15c: {  	[tilespmem:s0+$0x2C8] =	vst v1  }
0x15d: {  	v1 =	vld [tilespmem:s24+$0x50];
	_ =	sdelay $0x4  }
0x15e: {  	[tilespmem:s0+$0x2D8] =	vst v1  }
0x15f: {  	v1 =	vld [tilespmem:s24+$0x60];
	_ =	sdelay $0x4  }
0x160: {  	[tilespmem:s0+$0x2E8] =	vst v1  }
0x161: {  	v1 =	vld [tilespmem:s24+$0x70]  }
.Ltmp21:
0x162: {  	_ = 	snop;
	(pc) =	sbr.rel .LBB2_23-.Ltmp21, $2  }
0x163: {  	_ =	sdelay $0x2  }
0x164: {  	s26 =	sadd.s32 $0x1, s26;
	[tilespmem:s0+$0x2F8] =	vst v1  }
.LBB2_25:
.Ltmp22:
0x165: {  	(pc) =	sbr.rel .LBB2_26-.Ltmp22, $4  }
0x166: {  	_ = 	snop  }
0x167: {  	s0 =	simm.s32 $0x2  }
0x168: {  	_ =	swait.ge [sflag:s0], $0x0  }
0x169: {  	s29 =	smov.u32 s28;
	[sflag:s0] =	ssyncset.done $0x0;
	s0 =	simm.s32 $0x0  }
.LBB2_28:
0x16a: {  	_ =	sfence.sel $0x180000  }
0x16b: {  	s0 =	simm.s32 $0x7;
	[bflag:$0x0] =	sbarrier.arrive $0xFFFF  }
0x16c: {  	s25 =	simm.s32 $0x8;
	[sflag:s0] =	ssyncpa.u1 $0x1  }
0x16d: {  	s26 =	simm.s32 $0x9;
	[sflag:s25] =	ssyncpa.u1 $0x1  }
0x16e: {  	s28 =	simm.s32 $0x2;
	[sflag:s26] =	ssyncpa.u1 $0x1  }
0x16f: {  	[sflag:s28] =	ssyncpa.u1 $0x1  }
0x170: {  	v0 =	vld [tilespmem:$0xE408];
	_ =	sdelay $0x4  }
0x171: {  	(v2sf) =	vpush v0, $0x0  }
0x172: {  	(v2sf) =	vpush v0, $0x1;
	_ =	sdelay $0x1  }
0x173: {  	(v2sf) =	vpush v0, $0x2;
	_ =	sdelay $0xb  }
0x174: {  	s0 =	spop (v2sf)  }
0x175: {  	s2 =	spop (v2sf)  }
0x176: {  	s3 =	smov.u32 s0;
	p0 =	sne.s32 s0, s2  }
0x177: {  	s4 =	spop (v2sf);
	s3 =	simm.s32 @!p0 $0xFFFFFFFF  }
0x178: {  	v2 =	vimm.s32 $0x1;
	v3 =	vlaneseq.u32;
	p0 =	seq.s32 s4, $0xFFFFFFFF;
	v1 =	vmov s3  }
0x179: {  	s7 =	stileid.u32;
	v0 =	vperm.xlane v0, v2;
	p1 =	sne.s32 @!p0 s0, s2;
	v1 =	vperm.xlane v1, v3  }
0x17a: {  	vm0 =	vcmask $0x3F04;
	s6 =	simm.s32 $0xE408;
	s0 =	simm.s32 @!p0 $0x1;
	p1 =	por !p1, p0  }
0x17b: {  	s3 =	sshll.u32 s7, $0x1;
	s2 =	sshll.u32 @!p0 s4, $0xA;
	s0 =	simm.s32 @p1 $0x0;
	v0 =	vsel vm0, v1, v0  }
0x17c: {  	s5 =	sor.u32 $0x2000, s3;
	s2 =	sshra.s32 @!p0 s2, $0x2;
	s0 =	sor.u32 @!p0 s0, s3;
	[tilespmem:$0xE408] =	vst v0  }
0x17d: {  	[spmem:s5] =	stream.linear.scatter [tilespmem:s6], [sflag:$0x1], $0x2, $0x38;
	[tilespmem:$0x1E668] =	vst v63  }
0x17e: {  	s2 =	sadd.s32 @!p0 $0x208, s2;
	s0 =	sshll.u32 @!p0 s0, $0x8  }
0x17f: {  	[spmem:s0] =	stream.linear.scatter @!p0 [tilespmem:s2], [sflag:$0x1], $0x100, $0x38;
	[tilespmem:$0x1E668] =	vst v63  }
0x180: {  	s2 =	simm.s32 @!p0 $0x102  }
0x181: {  	s0 =	simm.s32 $0x1;
	s2 =	simm.s32 @p0 $0x2  }
0x182: {  	_ =	swait.ge [sflag:s0], s2  }
0x183: {  	s2 =	ssub.s32 $0x0, s2;
	[sflag:s0] =	ssyncset.done $0x0  }
0x184: {  	[sflag:s0] =	ssyncadd.s32 s2  }
0x185: {  	_ =	sfence.stream.spmem  }
0x186: {  	s29 =	simm.s32 $0x3;
	[bflag:$0x0] =	sbarrier.arrive $0xFFFF  }
0x187: {  	s30 =	simm.s32 $0x4;
	[sflag:s29] =	ssyncpa.u1 $0x1  }
0x188: {  	s31 =	simm.s32 $0x3C;
	[sflag:s30] =	ssyncpa.u1 $0x1  }
0x189: {  	p0 =	sne.s32 s7, $0x0;
	[sflag:s31] =	ssyncpa.u1 $0x1  }
0x18a: {  	_ =	sfence @p0  }
0x18b: {  	[sflag:s0] =	ssyncpa.u1 @p0 $0x1  }
0x18c: {  	_ =	strace @p0 $0x9000005C  }
0x18d: {  	[bflag:$0x2] =	sbarrier.arrive @p0 $0xFFFF  }
0x18e: {  	_ =	shalt @p0  }
.LBB2_29:
0x18f: {  	_ =	sfence.stream.spmem;
	s0 =	simm.s32 $0x5  }
0x190: {  	s2 =	simm.s32 $0x2000;
	s3 =	simm.s32 $0xE418;
	[sflag:s0] =	ssyncpa.u1 $0x0  }
0x191: {  	[tilespmem:s3], [sflag:$0x5] =	stream.linear.gather [spmem:s2], $0x20, $0x38;
	[tilespmem:$0x1E668] =	vst v63  }
0x192: {  	s30 =	simm.s32 $0xE438;
	s2 =	simm.s32 $0x0  }
0x193: {  	[tilespmem:s30], [sflag:$0x5] =	stream.linear.gather [spmem:s2], $0x2000, $0x38;
	[tilespmem:$0x1E668] =	vst v63  }
.Ltmp23:
0x194: {  	_ = 	snop;
	(pc) =	sbr.rel .LBB2_30-.Ltmp23, $4  }
0x195: {  	_ =	swait.ge [sflag:s0], $0x2020  }
0x196: {  	[sflag:s0] =	ssyncset.done $0x0  }
0x197: {  	s31 =	simm.s32 $0x6;
	[sflag:s0] =	ssyncadd.s32 $0xFFFFDFE0  }
0x198: {  	s3 =	simm.s32 $0x0;
	[sflag:s31] =	ssyncpa.u1 $0x0  }
.LBB2_36:
0x199: {  	p0 =	slt.u32 s4, $0x25371  }
0x19a: {  	s0 =	sand.u32 @p0 $0x3FFF8, s4  }
0x19b: {  	s5 =	sand.u32 @p0 $0x7, s4;
	s6 =	simm.s32 @p0 $0xE308;
	s0 =	sadd.s32 @p0 s1, s0  }
0x19c: {  	[tilespmem:s6], [sflag:$0x6] =	stream.linear.gather @p0 [hbm4b:s0+s5], $0x80, $0x38;
	[tilespmem:$0x1E668] =	vst v63  }
0x19d: {  	s0 =	sadd.s32 @p0 $0x80, s4  }
0x19e: {  	s0 =	sand.u32 @p0 $0x7FFF8, s0  }
0x19f: {  	s4 =	simm.s32 @p0 $0xE388;
	s0 =	sadd.s32 @p0 s1, s0  }
0x1a0: {  	[tilespmem:s4], [sflag:$0x6] =	stream.linear.gather @p0 [hbm4b:s0+s5], $0x80, $0x38;
	[tilespmem:$0x1E668] =	vst v63  }
0x1a1: {  	s0 =	simm.s32 @p0 $0x6  }
0x1a2: {  	_ =	swait.ge @p0 [sflag:s0], $0x100  }
0x1a3: {  	[sflag:s0] =	ssyncset.done @p0 $0x0  }
0x1a4: {  	[sflag:s0] =	ssyncadd.s32 @p0 $0xFFFFFF00  }
0x1a5: {  	v1 =	vld @p0 [tilespmem:$0xE308];
	_ =	sdelay $0x2  }
0x1a6: {  	s0 =	sshll.u32 @p0 s3, $0xA  }
0x1a7: {  	s4 =	sshrl.u32 @p0 s0, $0x2  }
0x1a8: {  	[tilespmem:s4+$0xE438] =	vst.add.f32.msk @p0 $0xffff, v1  }
0x1a9: {  	v1 =	vld @p0 [tilespmem:$0xE318];
	_ =	sdelay $0x4  }
0x1aa: {  	[tilespmem:s4+$0xE448] =	vst.add.f32.msk @p0 $0xffff, v1  }
0x1ab: {  	v1 =	vld @p0 [tilespmem:$0xE328];
	_ =	sdelay $0x4  }
0x1ac: {  	[tilespmem:s4+$0xE458] =	vst.add.f32.msk @p0 $0xffff, v1  }
0x1ad: {  	v1 =	vld @p0 [tilespmem:$0xE338];
	_ =	sdelay $0x4  }
0x1ae: {  	[tilespmem:s4+$0xE468] =	vst.add.f32.msk @p0 $0xffff, v1  }
0x1af: {  	v1 =	vld @p0 [tilespmem:$0xE348];
	_ =	sdelay $0x4  }
0x1b0: {  	[tilespmem:s4+$0xE478] =	vst.add.f32.msk @p0 $0xffff, v1  }
0x1b1: {  	v1 =	vld @p0 [tilespmem:$0xE358];
	_ =	sdelay $0x4  }
0x1b2: {  	[tilespmem:s4+$0xE488] =	vst.add.f32.msk @p0 $0xffff, v1  }
0x1b3: {  	v1 =	vld @p0 [tilespmem:$0xE368];
	_ =	sdelay $0x4  }
0x1b4: {  	[tilespmem:s4+$0xE498] =	vst.add.f32.msk @p0 $0xffff, v1  }
0x1b5: {  	v1 =	vld @p0 [tilespmem:$0xE378];
	_ =	sdelay $0x4  }
0x1b6: {  	[tilespmem:s4+$0xE4A8] =	vst.add.f32.msk @p0 $0xffff, v1  }
0x1b7: {  	v1 =	vld @p0 [tilespmem:$0xE388];
	_ =	sdelay $0x4  }
0x1b8: {  	[tilespmem:s4+$0xE4B8] =	vst.add.f32.msk @p0 $0xffff, v1  }
0x1b9: {  	v1 =	vld @p0 [tilespmem:$0xE398];
	_ =	sdelay $0x4  }
0x1ba: {  	[tilespmem:s4+$0xE4C8] =	vst.add.f32.msk @p0 $0xffff, v1  }
0x1bb: {  	v1 =	vld @p0 [tilespmem:$0xE3A8];
	_ =	sdelay $0x4  }
0x1bc: {  	[tilespmem:s4+$0xE4D8] =	vst.add.f32.msk @p0 $0xffff, v1  }
0x1bd: {  	v1 =	vld @p0 [tilespmem:$0xE3B8];
	_ =	sdelay $0x4  }
0x1be: {  	[tilespmem:s4+$0xE4E8] =	vst.add.f32.msk @p0 $0xffff, v1  }
0x1bf: {  	v1 =	vld @p0 [tilespmem:$0xE3C8];
	_ =	sdelay $0x4  }
0x1c0: {  	[tilespmem:s4+$0xE4F8] =	vst.add.f32.msk @p0 $0xffff, v1  }
0x1c1: {  	v1 =	vld @p0 [tilespmem:$0xE3D8];
	_ =	sdelay $0x4  }
0x1c2: {  	[tilespmem:s4+$0xE508] =	vst.add.f32.msk @p0 $0xffff, v1  }
0x1c3: {  	v1 =	vld @p0 [tilespmem:$0xE3E8];
	_ =	sdelay $0x4  }
0x1c4: {  	[tilespmem:s4+$0xE518] =	vst.add.f32.msk @p0 $0xffff, v1  }
0x1c5: {  	v1 =	vld @p0 [tilespmem:$0xE3F8];
	_ =	sdelay $0x3  }
0x1c6: {  	s5 =	sshll.u32 @!p0 s3, $0xA  }
0x1c7: {  	s5 =	smov.u32 @p0 s0;
	[tilespmem:s4+$0xE528] =	vst.add.f32.msk @p0 $0xffff, v1  }
0x1c8: {  	s0 =	sshrl.u32 s5, $0x2;
	[tilespmem:s2+$0xE418] =	vst.msk $0x1, v0  }
0x1c9: {  	v0 =	vld [tilespmem:s0+$0xE438];
	_ =	sdelay $0x2  }
0x1ca: {  	s31 =	sshll.u32 s2, $0xA  }
0x1cb: {  	s4 =	sshra.s32 s31, $0x2  }
0x1cc: {  	[tilespmem:s4+$0xE438] =	vst v0  }
0x1cd: {  	v0 =	vld [tilespmem:s0+$0xE448];
	_ =	sdelay $0x4  }
0x1ce: {  	[tilespmem:s4+$0xE448] =	vst v0  }
0x1cf: {  	v0 =	vld [tilespmem:s0+$0xE458];
	_ =	sdelay $0x4  }
0x1d0: {  	[tilespmem:s4+$0xE458] =	vst v0  }
0x1d1: {  	v0 =	vld [tilespmem:s0+$0xE468];
	_ =	sdelay $0x4  }
0x1d2: {  	[tilespmem:s4+$0xE468] =	vst v0  }
0x1d3: {  	v0 =	vld [tilespmem:s0+$0xE478];
	_ =	sdelay $0x4  }
0x1d4: {  	[tilespmem:s4+$0xE478] =	vst v0  }
0x1d5: {  	v0 =	vld [tilespmem:s0+$0xE488];
	_ =	sdelay $0x4  }
0x1d6: {  	[tilespmem:s4+$0xE488] =	vst v0  }
0x1d7: {  	v0 =	vld [tilespmem:s0+$0xE498];
	_ =	sdelay $0x4  }
0x1d8: {  	[tilespmem:s4+$0xE498] =	vst v0  }
0x1d9: {  	v0 =	vld [tilespmem:s0+$0xE4A8];
	_ =	sdelay $0x4  }
0x1da: {  	[tilespmem:s4+$0xE4A8] =	vst v0  }
0x1db: {  	v0 =	vld [tilespmem:s0+$0xE4B8];
	_ =	sdelay $0x4  }
0x1dc: {  	[tilespmem:s4+$0xE4B8] =	vst v0  }
0x1dd: {  	v0 =	vld [tilespmem:s0+$0xE4C8];
	_ =	sdelay $0x4  }
0x1de: {  	[tilespmem:s4+$0xE4C8] =	vst v0  }
0x1df: {  	v0 =	vld [tilespmem:s0+$0xE4D8];
	_ =	sdelay $0x4  }
0x1e0: {  	[tilespmem:s4+$0xE4D8] =	vst v0  }
0x1e1: {  	v0 =	vld [tilespmem:s0+$0xE4E8];
	_ =	sdelay $0x4  }
0x1e2: {  	[tilespmem:s4+$0xE4E8] =	vst v0  }
0x1e3: {  	v0 =	vld [tilespmem:s0+$0xE4F8];
	_ =	sdelay $0x4  }
0x1e4: {  	[tilespmem:s4+$0xE4F8] =	vst v0  }
0x1e5: {  	v0 =	vld [tilespmem:s0+$0xE508];
	_ =	sdelay $0x4  }
0x1e6: {  	[tilespmem:s4+$0xE508] =	vst v0  }
0x1e7: {  	v0 =	vld [tilespmem:s0+$0xE518];
	_ =	sdelay $0x4  }
0x1e8: {  	[tilespmem:s4+$0xE518] =	vst v0  }
0x1e9: {  	v0 =	vld [tilespmem:s0+$0xE528];
	_ =	sdelay $0x4  }
0x1ea: {  	s2 =	sadd.s32 $0x1, s2;
	[tilespmem:s4+$0xE528] =	vst v0  }
.LBB2_37:
0x1eb: {  	s3 =	sadd.s32 $0x1, s3  }
0x1ec: {  	p0 =	sne.s32 s3, $0x20  }
.Ltmp24:
0x1ed: {  	_ = 	snop;
	(pc) =	sbr.rel @!p0 .LBB2_38-.Ltmp24, $1  }
0x1ee: {  	_ =	sdelay $0x3  }
.LBB2_30:
0x1ef: {  	v0 =	vld.msk [tilespmem:s3+$0xE418], $0x1;
	_ =	sdelay $0x4  }
0x1f0: {  	(v2sf) =	vpush v0, $0x0;
	_ =	sdelay $0xe  }
0x1f1: {  	s4 =	spop (v2sf)  }
0x1f2: {  	p0 =	seq.s32 s4, $0xFFFFFFFF  }
.Ltmp25:
0x1f3: {  	_ = 	snop;
	(pc) =	sbr.rel @p0 .LBB2_37-.Ltmp25, $1  }
0x1f4: {  	_ =	sdelay $0x3  }
0x1f5: {  	p0 =	slt.s32 s2, $0x1  }
.Ltmp26:
0x1f6: {  	_ = 	snop;
	(pc) =	sbr.rel @p0 .LBB2_36-.Ltmp26, $1  }
0x1f7: {  	_ =	sdelay $0x3  }
0x1f8: {  	s5 =	simm.s32 $0xE418;
	p0 =	por $0x0, $0x0  }
0x1f9: {  	v1 =	vld.msk @!p0 [tilespmem:s5+$0x0], $0x1;
	_ =	sdelay $0x4  }
0x1fa: {  	(v2sf) =	vpush @!p0 v1, $0x0;
	_ =	sdelay $0xd  }
0x1fb: {  	p2 =	sne.s32 s2, $0x1  }
.Ltmp27:
0x1fc: {  	s0 =	spop @!p0 (v2sf);
	(pc) =	sbr.rel @!p2 .LBB2_34-.Ltmp27, $4  }
0x1fd: {  	p1 =	seq.s32 @!p0 s4, s0  }
0x1fe: {  	s6 =	simm.s32 $0x0;
	p1 =	por !p1, p0  }
0x1ff: {  	s0 =	simm.s32 $0xFFFFFFFF;
	s6 =	simm.s32 @p1 $0xFFFFFFFF  }
0x200: {  	s7 =	simm.s32 $0x1;
	s6 =	smov.u32 @p0 s0  }
.LBB2_33:
0x201: {  	s0 =	smov.u32 s6;
	p0 =	sne.s32 s6, $0xFFFFFFFF  }
0x202: {  	s5 =	sadd.s32 $0x1, s5;
	s6 =	smov.u32 s7;
	s7 =	sadd.s32 $0x1, s7  }
0x203: {  	p1 =	sne.s32 s2, s7;
	v1 =	vld.msk @!p0 [tilespmem:s5+$0x0], $0x1;
	_ =	sdelay $0x4  }
0x204: {  	(v2sf) =	vpush @!p0 v1, $0x0;
	_ =	sdelay $0xe  }
.Ltmp28:
0x205: {  	s8 =	spop @!p0 (v2sf);
	(pc) =	sbr.rel @p1 .LBB2_33-.Ltmp28, $4  }
0x206: {  	p2 =	seq.s32 @!p0 s4, s8  }
0x207: {  	p2 =	por !p2, p0  }
0x208: {  	s6 =	simm.s32 @p2 $0xFFFFFFFF  }
0x209: {  	s6 =	smov.u32 @p0 s0  }
.LBB2_34:
0x20a: {  	p0 =	seq.s32 s6, $0xFFFFFFFF  }
.Ltmp29:
0x20b: {  	_ = 	snop;
	(pc) =	sbr.rel @p0 .LBB2_36-.Ltmp29, $1  }
0x20c: {  	_ =	sdelay $0x3  }
0x20d: {  	s0 =	sshll.u32 s3, $0x8  }
0x20e: {  	s0 =	sand.u32 $0x3FFFFF00, s0  }
0x20f: {  	v0 =	vld [tilespmem:s0+$0xE438];
	_ =	sdelay $0x2  }
0x210: {  	s4 =	sshll.u32 s6, $0xA  }
0x211: {  	s4 =	sshra.s32 s4, $0x2  }
0x212: {  	[tilespmem:s4+$0xE438] =	vst.add.f32.msk $0xffff, v0  }
0x213: {  	v0 =	vld [tilespmem:s0+$0xE448];
	_ =	sdelay $0x4  }
0x214: {  	[tilespmem:s4+$0xE448] =	vst.add.f32.msk $0xffff, v0  }
0x215: {  	v0 =	vld [tilespmem:s0+$0xE458];
	_ =	sdelay $0x4  }
0x216: {  	[tilespmem:s4+$0xE458] =	vst.add.f32.msk $0xffff, v0  }
0x217: {  	v0 =	vld [tilespmem:s0+$0xE468];
	_ =	sdelay $0x4  }
0x218: {  	[tilespmem:s4+$0xE468] =	vst.add.f32.msk $0xffff, v0  }
0x219: {  	v0 =	vld [tilespmem:s0+$0xE478];
	_ =	sdelay $0x4  }
0x21a: {  	[tilespmem:s4+$0xE478] =	vst.add.f32.msk $0xffff, v0  }
0x21b: {  	v0 =	vld [tilespmem:s0+$0xE488];
	_ =	sdelay $0x4  }
0x21c: {  	[tilespmem:s4+$0xE488] =	vst.add.f32.msk $0xffff, v0  }
0x21d: {  	v0 =	vld [tilespmem:s0+$0xE498];
	_ =	sdelay $0x4  }
0x21e: {  	[tilespmem:s4+$0xE498] =	vst.add.f32.msk $0xffff, v0  }
0x21f: {  	v0 =	vld [tilespmem:s0+$0xE4A8];
	_ =	sdelay $0x4  }
0x220: {  	[tilespmem:s4+$0xE4A8] =	vst.add.f32.msk $0xffff, v0  }
0x221: {  	v0 =	vld [tilespmem:s0+$0xE4B8];
	_ =	sdelay $0x4  }
0x222: {  	[tilespmem:s4+$0xE4B8] =	vst.add.f32.msk $0xffff, v0  }
0x223: {  	v0 =	vld [tilespmem:s0+$0xE4C8];
	_ =	sdelay $0x4  }
0x224: {  	[tilespmem:s4+$0xE4C8] =	vst.add.f32.msk $0xffff, v0  }
0x225: {  	v0 =	vld [tilespmem:s0+$0xE4D8];
	_ =	sdelay $0x4  }
0x226: {  	[tilespmem:s4+$0xE4D8] =	vst.add.f32.msk $0xffff, v0  }
0x227: {  	v0 =	vld [tilespmem:s0+$0xE4E8];
	_ =	sdelay $0x4  }
0x228: {  	[tilespmem:s4+$0xE4E8] =	vst.add.f32.msk $0xffff, v0  }
0x229: {  	v0 =	vld [tilespmem:s0+$0xE4F8];
	_ =	sdelay $0x4  }
0x22a: {  	[tilespmem:s4+$0xE4F8] =	vst.add.f32.msk $0xffff, v0  }
0x22b: {  	v0 =	vld [tilespmem:s0+$0xE508];
	_ =	sdelay $0x4  }
0x22c: {  	[tilespmem:s4+$0xE508] =	vst.add.f32.msk $0xffff, v0  }
0x22d: {  	v0 =	vld [tilespmem:s0+$0xE518];
	_ =	sdelay $0x4  }
0x22e: {  	[tilespmem:s4+$0xE518] =	vst.add.f32.msk $0xffff, v0  }
0x22f: {  	v0 =	vld [tilespmem:s0+$0xE528]  }
.Ltmp30:
0x230: {  	_ = 	snop;
	(pc) =	sbr.rel .LBB2_37-.Ltmp30, $2  }
0x231: {  	_ =	sdelay $0x2  }
0x232: {  	[tilespmem:s4+$0xE528] =	vst.add.f32.msk $0xffff, v0  }
.LBB2_38:
0x233: {  	p0 =	slt.s32 s2, $0x1  }
.Ltmp31:
0x234: {  	_ = 	snop;
	(pc) =	sbr.rel @p0 .LBB2_42-.Ltmp31, $3  }
0x235: {  	_ =	sdelay $0x1  }
0x236: {  	s0 =	simm.s32 $0x6  }
0x237: {  	[sflag:s0] =	ssyncpa.u1 $0x1;
	s0 =	simm.s32 $0x0  }
0x238: {  	s3 =	simm.s32 $0xE418  }
0x239: {  	v0 =	vld.msk [tilespmem:s3+$0x0], $0x1;
	_ =	sdelay $0x4  }
0x23a: {  	(v2sf) =	vpush v0, $0x0;
	_ =	sdelay $0xe  }
0x23b: {  	s2 =	sadd.s32 $0xFFFFFFFF, s2;
	s4 =	spop (v2sf)  }
0x23c: {  	s5 =	simm.s32 $0xE438;
	p0 =	sne.s32 s2, $0x0;
	p1 =	sgt.u32 s4, $0x25370  }
.Ltmp32:
0x23d: {  	s3 =	simm.s32 $0xE538;
	s6 =	sand.u32 @!p1 $0x3FFF8, s4;
	(pc) =	sbr.rel @!p0 .LBB2_41-.Ltmp32, $4  }
0x23e: {  	s7 =	sadd.s32 @!p1 $0x80, s4;
	s8 =	sadd.s32 @!p1 s1, s6;
	s6 =	sand.u32 @!p1 $0x7, s4  }
0x23f: {  	[hbm4b:s8+s6] =	stream.linear.scatter @!p1 [tilespmem:s5], [sflag:$0x5], $0x80, $0x38;
	[tilespmem:$0x1E668] =	vst v63  }
0x240: {  	s0 =	simm.s32 @!p1 $0x400;
	s4 =	simm.s32 $0xE419;
	s5 =	sand.u32 @!p1 $0x7FFF8, s7  }
0x241: {  	s7 =	simm.s32 @!p1 $0xE4B8;
	s8 =	sadd.s32 @!p1 s1, s5;
	s5 =	sadd.s32 $0x0, s0  }
.LBB2_40:
0x242: {  	[hbm4b:s8+s6] =	stream.linear.scatter @!p1 [tilespmem:s7], [sflag:$0x5], $0x80, $0x38;
	[tilespmem:$0x1E668] =	vst v63  }
0x243: {  	s2 =	sadd.s32 $0xFFFFFFFF, s2;
	s0 =	smov.u32 s3;
	v0 =	vld.msk [tilespmem:s4+$0x0], $0x1  }
0x244: {  	p0 =	sne.s32 s2, $0x0;
	_ =	sdelay $0x3  }
0x245: {  	(v2sf) =	vpush v0, $0x0;
	_ =	sdelay $0xe  }
0x246: {  	s3 =	sadd.s32 $0x100, s3;
	s9 =	simm.s32 $0x0;
	s6 =	spop (v2sf)  }
.Ltmp33:
0x247: {  	s4 =	sadd.s32 $0x1, s4;
	p1 =	sgt.u32 s6, $0x25370;
	(pc) =	sbr.rel @p0 .LBB2_40-.Ltmp33, $4  }
0x248: {  	s9 =	simm.s32 @!p1 $0x400;
	s7 =	sand.u32 @!p1 $0x3FFF8, s6;
	s8 =	sadd.s32 @!p1 $0x80, s6  }
0x249: {  	s6 =	sand.u32 @!p1 $0x7, s6;
	s7 =	sadd.s32 @!p1 s1, s7;
	s8 =	sand.u32 @!p1 $0x7FFF8, s8  }
0x24a: {  	[hbm4b:s7+s6] =	stream.linear.scatter @!p1 [tilespmem:s0], [sflag:$0x5], $0x80, $0x38;
	[tilespmem:$0x1E668] =	vst v63  }
0x24b: {  	s5 =	sadd.s32 s5, s9;
	s7 =	sadd.s32 @!p1 $0x80, s0;
	s8 =	sadd.s32 @!p1 s1, s8  }
.LBB2_41:
0x24c: {  	[hbm4b:s8+s6] =	stream.linear.scatter @!p1 [tilespmem:s7], [sflag:$0x5], $0x80, $0x38;
	[tilespmem:$0x1E668] =	vst v63  }
0x24d: {  	s0 =	sshrl.u32 s5, $0x2  }
.LBB2_42:
0x24e: {  	s1 =	simm.s32 $0x5  }
0x24f: {  	_ =	swait.ge [sflag:s1], s0  }
0x250: {  	s29 =	ssub.s32 $0x0, s0;
	[sflag:s1] =	ssyncset.done $0x0  }
0x251: {  	[sflag:s1] =	ssyncadd.s32 s29  }
0x252: {  	[sflag:s1] =	ssyncpa.u1 $0x1  }
0x253: {  	s30 =	simm.s32 $0x1;
	_ =	sfence  }
0x254: {  	[sflag:s30] =	ssyncpa.u1 $0x1  }
0x255: {  	_ =	strace $0x9000005C  }
0x256: {  	[bflag:$0x2] =	sbarrier.arrive $0xFFFF  }
0x257: {  	s31 =	rddreg [dreg:$0x2]  }
0x258: {  	s0 =	sadd.s32 $0x100000, s31  }
0x259: {  	[sflag:s0] =	ssyncadd.tile.s32 $0x1;
	_ =	shalt  }
.Lfunc_end2:
_tile_overlayer_lowered:
.L_overlay_start_2:
0x25a: {  	(tag) =	ssettag $0x2  }
0x25b: {  	s0 =	rddreg [dreg:$0x0];
	s2 =	stileid.u32  }
0x25c: {  	s1 =	rddreg [dreg:$0x1];
	p0 =	sne.s32 s2, $0x0  }
0x25d: {  	s3 =	rddreg [dreg:$0x2];
	[bflag:$0x3] =	sbarrier.arrive $0xFFFF;
	s2 =	simm.s32 @!p0 $0x1C01  }
0x25e: {  	[timem:s3], [sflag:s2] =	dma.local @!p0 [hbm:s0], s1  }
0x25f: {  	s0 =	simm.s32 @!p0 $0x1  }
0x260: {  	_ =	swait.ge @!p0 [sflag:s0], s1  }
0x261: {  	s1 =	ssub.s32 @!p0 $0x0, s1;
	[sflag:s0] =	ssyncset.done @!p0 $0x0  }
0x262: {  	[sflag:s0] =	ssyncadd.s32 @!p0 s1  }
0x263: {  	[bflag:$0x3] =	sbarrier.arrive $0xFFFF  }
0x264: {  	_ =	shalt  }

// kernel: scatter_offload_async_start
scs
__scs_entry_jumppad:
0x0: {  	(pc) =	sbr.rel $0x88, $3  }
0x1: {  	(tag) =	ssettag $0x0;
	lr =	simm.s32 $0x1  }
0x2: {  	[smem:$0x3F93] =	sst lr;
	_ =	strace $0xD0000000  }
0x3: {  	_ = 	snop  }
0x4: {  	_ = 	snop  }
0x5: {  	_ = 	snop  }
0x6: {  	_ = 	snop  }
0x7: {  	_ = 	snop  }
__scs_overlays_trampoline_lowered:
0x8: {  	[smem:$0x3FA2] =	sst s0  }
0x9: {  	[smem:$0x3FA3] =	sst s1  }
0xa: {  	[smem:$0x3FA4] =	sst s2  }
0xb: {  	[smem:$0x3FA5] =	sst s3  }
0xc: {  	[smem:$0x3FA6] =	sst s4  }
0xd: {  	[smem:$0x3FA7] =	sst s5  }
0xe: {  	[smem:$0x3FA8] =	sst s6  }
0xf: {  	[smem:$0x3FA9] =	sst s7  }
0x10: {  	[smem:$0x3FAA] =	sst s8  }
0x11: {  	[smem:$0x3FAB] =	sst s9;
	s0 =	simm.s32 @!p0 $0x0  }
0x12: {  	s1 =	sld [smem:$0x3F91];
	s0 =	simm.s32 @p0 $0x1  }
0x13: {  	[smem:$0x3FAC] =	sst s0;
	s0 =	simm.s32 @!p1 $0x0  }
0x14: {  	s2 =	sld [smem:$0x3F90];
	s0 =	simm.s32 @p1 $0x1  }
0x15: {  	[smem:$0x3FAD] =	sst s0;
	s0 =	simm.s32 @!p2 $0x0  }
0x16: {  	s3 =	sld [smem:$0x3FDB];
	s0 =	simm.s32 @p2 $0x1  }
0x17: {  	s4 =	simm.s32 $0x1BF5;
	[smem:$0x3FAF] =	sst s0  }
0x18: {  	s0 =	sld [smem:$0x3F92];
	_ =	swait.ge [sflag:s4], $0x0  }
0x19: {  	s7 =	sld [smem:$0x3F93]  }
0x1a: {  	s8 =	sadd.s32 $0xFFFFE003, lr  }
0x1b: {  	s9 =	sadd.s32 $0xFFFFFEF7, lr;
	s5 =	simm.s32 $0xFFFFFFFF;
	p2 =	slt.u32 s8, $0xFFFFF086  }
0x1c: {  	p1 =	slt.u32 s9, $0xF7A;
	s5 =	simm.s32 @!p2 $0x0  }
0x1d: {  	s5 =	simm.s32 @p1 $0x1;
	p0 =	seq.s32 s7, s2  }
0x1e: {  	s7 =	smul.u32 @!p0 $0xF7A, s2;
	p2 =	seq.s32 @!p0 s5, $0x0  }
0x1f: {  	s9 =	smul.u32 $0xF7A, s1;
	s8 =	simm.s32 @!p0 $0x1BF5;
	p2 =	por !p2, p0  }
0x20: {  	[sflag:s8] =	ssyncset.s32 @!p0 $0xFFFFF086;
	s6 =	sadd.s32 @!p0 s3, s7;
	s7 =	simm.s32 @!p0 $0x108  }
0x21: {  	s3 =	sadd.s32 s3, s9;
	s6 =	sadd.s32 @!p0 $0x88, s6;
	s7 =	simm.s32 @p2 $0x1082  }
0x22: {  	[simem:s7], [sflag:s8] =	dma.local @!p0 [hbm:s6], $0xF7A  }
0x23: {  	s9 =	sor.u32 $0xD0000000, s2;
	s6 =	simm.s32 $0x108;
	_ =	swait.ge @!p0 [sflag:s8], $0x0  }
0x24: {  	s3 =	sadd.s32 $0x88, s3;
	s6 =	simm.s32 @!p1 $0x1082;
	[sflag:s4] =	ssyncset.s32 $0xFFFFF086  }
0x25: {  	[simem:s6], [sflag:s4] =	dma.local [hbm:s3], $0xF7A  }
0x26: {  	[smem:$0x3F93] =	sst s1;
	(tag) =	ssettag s2;
	_ =	strace s9  }
0x27: {  	s1 =	sld [smem:$0x3FA3]  }
0x28: {  	s2 =	sld [smem:$0x3FA4]  }
0x29: {  	s4 =	sld [smem:$0x3FA6]  }
0x2a: {  	p0 =	seq.s32 s5, $0x0;
	s5 =	sld [smem:$0x3FA7]  }
0x2b: {  	s6 =	sld [smem:$0x3FA8]  }
0x2c: {  	s7 =	sld [smem:$0x3FA9]  }
0x2d: {  	s3 =	simm.s32 $0x108;
	s8 =	sld [smem:$0x3FAA]  }
0x2e: {  	s3 =	simm.s32 @!p0 $0x1082;
	s9 =	sld [smem:$0x3FAB]  }
0x2f: {  	lr =	sadd.s32 s0, s3;
	s0 =	sld [smem:$0x3FA2]  }
0x30: {  	s3 =	sld [smem:$0x3FA5]  }
0x31: {  	[smem:$0x3FAE] =	sst s10  }
0x32: {  	s10 =	sld [smem:$0x3FAC];
	_ =	sdelay $0x3  }
0x33: {  	p0 =	seq.s32 s10, $0x1;
	s10 =	sld [smem:$0x3FAE];
	_ =	sdelay $0x3  }
0x34: {  	[smem:$0x3FAE] =	sst s10  }
0x35: {  	s10 =	sld [smem:$0x3FAD];
	_ =	sdelay $0x3  }
0x36: {  	p1 =	seq.s32 s10, $0x1;
	s10 =	sld [smem:$0x3FAE];
	_ =	sdelay $0x3  }
0x37: {  	[smem:$0x3FAE] =	sst s10  }
0x38: {  	s10 =	sld [smem:$0x3FAF]  }
0x39: {  	_ = 	snop;
	(pc) =	sbr.ind lr, $3  }
0x3a: {  	_ = 	snop  }
0x3b: {  	_ = 	snop  }
0x3c: {  	p2 =	seq.s32 s10, $0x1;
	s10 =	sld [smem:$0x3FAE]  }
0x3d: {  	_ =	shalt  }
0x3e: {  	_ =	shalt  }
0x3f: {  	_ =	shalt  }
0x40: {  	_ =	shalt  }
0x41: {  	_ =	shalt  }
0x42: {  	_ =	shalt  }
0x43: {  	_ =	shalt  }
0x44: {  	_ =	shalt  }
0x45: {  	_ =	shalt  }
0x46: {  	_ =	shalt  }
0x47: {  	_ =	shalt  }
0x48: {  	_ =	shalt  }
0x49: {  	_ =	shalt  }
0x4a: {  	_ =	shalt  }
0x4b: {  	_ =	shalt  }
0x4c: {  	_ =	shalt  }
0x4d: {  	_ =	shalt  }
0x4e: {  	_ =	shalt  }
0x4f: {  	_ =	shalt  }
0x50: {  	_ =	shalt  }
0x51: {  	_ =	shalt  }
0x52: {  	_ =	shalt  }
0x53: {  	_ =	shalt  }
0x54: {  	_ =	shalt  }
0x55: {  	_ =	shalt  }
0x56: {  	_ =	shalt  }
0x57: {  	_ =	shalt  }
0x58: {  	_ =	shalt  }
0x59: {  	_ =	shalt  }
0x5a: {  	_ =	shalt  }
0x5b: {  	_ =	shalt  }
0x5c: {  	_ =	shalt  }
0x5d: {  	_ =	shalt  }
0x5e: {  	_ =	shalt  }
0x5f: {  	_ =	shalt  }
0x60: {  	_ =	shalt  }
0x61: {  	_ =	shalt  }
0x62: {  	_ =	shalt  }
0x63: {  	_ =	shalt  }
0x64: {  	_ =	shalt  }
0x65: {  	_ =	shalt  }
0x66: {  	_ =	shalt  }
0x67: {  	_ =	shalt  }
0x68: {  	_ =	shalt  }
0x69: {  	_ =	shalt  }
0x6a: {  	_ =	shalt  }
0x6b: {  	_ =	shalt  }
0x6c: {  	_ =	shalt  }
0x6d: {  	_ =	shalt  }
0x6e: {  	_ =	shalt  }
0x6f: {  	_ =	shalt  }
0x70: {  	_ =	shalt  }
0x71: {  	_ =	shalt  }
0x72: {  	_ =	shalt  }
0x73: {  	_ =	shalt  }
0x74: {  	_ =	shalt  }
0x75: {  	_ =	shalt  }
0x76: {  	_ =	shalt  }
0x77: {  	_ =	shalt  }
0x78: {  	_ =	shalt  }
0x79: {  	_ =	shalt  }
0x7a: {  	_ =	shalt  }
0x7b: {  	_ =	shalt  }
0x7c: {  	_ =	shalt  }
0x7d: {  	_ =	shalt  }
0x7e: {  	_ =	shalt  }
0x7f: {  	_ =	shalt  }
0x80: {  	_ =	shalt  }
0x81: {  	_ =	shalt  }
0x82: {  	_ =	shalt  }
0x83: {  	_ =	shalt  }
0x84: {  	_ =	shalt  }
0x85: {  	_ =	shalt  }
0x86: {  	_ =	shalt  }
0x87: {  	_ =	shalt  }
.Lfunc_end0:
.L_simem_size_0:
called_computation_lowered:
.L_overlay_start_0:
0x88: {  	s0 =	sld [smem:$0x3FD9]  }
0x89: {  	s1 =	sld [smem:$0x3FFE];
	_ =	sdelay $0x3  }
0x8a: {  	s0 =	sadd.s32 s1, s0  }
0x8b: {  	[smem:$0x3FBA] =	sst s0  }
0x8c: {  	_ = 	snop  }
0x8d: {  	(tm) =	ssettm $0x1  }
0x8e: {  	s14 =	sld [smem:$0x3FFB];
	_ =	sdelay $0x3  }
0x8f: {  	_ =	strace s14  }
0x90: {  	s0 =	sld [smem:$0x3FFC];
	_ =	sdelay $0x3  }
0x91: {  	_ =	strace s0  }
0x92: {  	s0 =	sld [smem:$0x3FFD];
	_ =	sdelay $0x3  }
0x93: {  	_ =	strace s0  }
0x94: {  	_ =	strace $0x8FFFFFFF  }
0x95: {  	s15 =	sld [smem:$0x3FDB];
	_ =	sdelay $0x1  }
0x96: {  	s16 =	simm.s32 $_scs_section_size  }
0x97: {  	s2 =	simm.s32 $_size__tile_overlayer_lowered;
	s3 =	simm.s32 $_tile_overlayer_lowered  }
0x98: {  	s4 =	simm.s32 $0x1BFF;
	s17 =	sshll.u32 s3, $0x1;
	s1 =	sadd.s32 s16, s15  }
0x99: {  	s18 =	simm.s32 $0x0;
	s2 =	sshll.u32 s2, $0x1;
	s3 =	sadd.s32 s17, s1  }
0x9a: {  	[timem:s18], [sflag:s4] =	dma.local [hbm:s3], s2  }
0x9b: {  	_ =	swait.ge [sflag:s4], s2  }
0x9c: {  	s2 =	ssub.s32 $0x0, s2;
	[sflag:s4] =	ssyncset.done $0x0  }
0x9d: {  	[sflag:s4] =	ssyncadd.s32 s2;
	_ =	sdelay $0x1  }
0x9e: {  	s19 =	simm.s32 $0x1B8B  }
0x9f: {  	_ =	swait.ge [sflag:s19], $0x1  }
0xa0: {  	[sflag:s19] =	ssyncset.done $0x0  }
0xa1: {  	s21 =	simm.s32 $0x1B8E;
	s20 =	sld [smem:$0x3FFE];
	[sflag:s19] =	ssyncadd.s32 $0xFFFFFFFF  }
0xa2: {  	s22 =	simm.s32 $execute0_lowered;
	[smem:$0x3FD2] =	sst s21  }
0xa3: {  	s3 =	sshll.u32 s22, $0x1;
	_ =	strace $0x8000004C;
	[dreg:$0x1] =	wrdreg $0xFFFFFFFF  }
0xa4: {  	s23 =	simm.s32 $_size_execute0_lowered;
	s3 =	sadd.s32 s1, s3;
	[dreg:$0x0] =	wrdreg $0x0  }
0xa5: {  	s4 =	sshll.u32 s23, $0x1;
	[dreg:$0x2] =	wrdreg s3  }
0xa6: {  	[dreg:$0x3] =	wrdreg s4  }
0xa7: {  	[dreg:$0x4] =	wrdreg $0xC0  }
0xa8: {  	s24 =	simm.s32 $execute1_lowered;
	_ =	task [dreg:s18], $0x5FFFF  }
0xa9: {  	s3 =	sshll.u32 s24, $0x1;
	[dreg:$0x1] =	wrdreg $0xFFFFFFFF  }
0xaa: {  	s1 =	sadd.s32 s1, s3;
	[dreg:$0x0] =	wrdreg $0x60  }
0xab: {  	[dreg:$0x2] =	wrdreg s1  }
0xac: {  	[dreg:$0x3] =	wrdreg s20  }
0xad: {  	[dreg:$0x4] =	wrdreg $0x9  }
0xae: {  	_ =	task.clear_ibuf [dreg:s18], $0x5FFFF;
	_ =	strace $0x9000004C  }
0xaf: {  	s25 =	simm.s32 $0x9;
	_ =	strace $0x8000004E  }
0xb0: {  	_ =	swait.ge [sflag:s25], $0x1  }
0xb1: {  	[sflag:s25] =	ssyncadd.s32 $0xFFFFFFFF  }
0xb2: {  	_ =	strace $0x9000004E  }
0xb3: {  	_ =	strace $0x8000004F;
	[dreg:$0x1] =	wrdreg $0xFFFFFFFF  }
0xb4: {  	[dreg:$0x0] =	wrdreg $0x2030  }
0xb5: {  	[dreg:$0x2] =	wrdreg s20  }
0xb6: {  	[dreg:$0x3] =	wrdreg $0xA  }
0xb7: {  	_ =	task.clear_ibuf [dreg:s18], $0x4FFFF;
	_ =	strace $0x9000004F  }
0xb8: {  	s26 =	simm.s32 $0xA;
	_ =	strace $0x80000051  }
0xb9: {  	_ =	swait.ge [sflag:s26], $0x1  }
0xba: {  	[sflag:s26] =	ssyncadd.s32 $0xFFFFFFFF  }
0xbb: {  	_ =	strace $0x90000051  }
0xbc: {  	_ =	sfence  }
0xbd: {  	s28 =	sld [smem:$0x0];
	_ =	sdelay $0x1  }
0xbe: {  	s29 =	srdreg.scid  }
0xbf: {  	s30 =	sshll.u32 s29, $0xD;
	s31 =	sshrl.u32 s29, $0x2  }
0xc0: {  	s2 =	sand.u32 $0x1, s29;
	s3 =	sand.u32 $0x4000, s30;
	s1 =	sadd.s32 s31, s28  }
0xc1: {  	s2 =	sor.u32 s3, s2;
	s1 =	sshll.u32 s1, $0x11  }
0xc2: {  	s1 =	sor.u32 s1, s2  }
0xc3: {  	s1 =	sadd.s32 $0x8F2B, s1  }
0xc4: {  	[sflag:s1] =	ssyncadd.remote.s32 $0x1  }
0xc5: {  	_ =	sfence.sel $0xFFFF  }
0xc6: {  	[dreg:$0x0] =	wrdreg $0xFFFFFFFF;
	(pc) =	sbr.abs _section_cstart, $3  }
0xc7: {  	[dreg:$0x1] =	wrdreg $0xFFFFFFFF  }
0xc8: {  	_ =	task.clear_ibuf [dreg:s18], $0x2FFFF;
	_ =	strace $0x9FFFFFFF  }
0xc9: {  	(tm) =	ssettm $0x7FFFFFFF  }
tec
execute0_lowered:
.L_overlay_start_1:
0x0: {  	(tag) =	ssettag $0x1  }
0x1: {  	s3 =	rddreg [dreg:$0x0]  }
0x2: {  	s4 =	rddreg [dreg:$0x1]  }
0x3: {  	s0 =	rddreg [dreg:$0x2];
	s1 =	simm.s32 $_size_execute1_lowered;
	s2 =	stileid.u32  }
0x4: {  	[bflag:$0x3] =	sbarrier.arrive $0xFFFF;
	s31 =	simm.s32 $0x2;
	s8 =	simm.s32 $0x0  }
0x5: {  	s10 =	simm.s32 $0x0;
	s1 =	sshll.u32 s1, $0x1;
	p0 =	sne.s32 s2, $0x0  }
0x6: {  	s2 =	smul.u32 $0x140, s2;
	s5 =	simm.s32 @!p0 $0x1C3F;
	s6 =	simm.s32 @!p0 $0x4060  }
0x7: {  	[timem:s6], [sflag:s5] =	dma.local @!p0 [hbm:s3], s1  }
0x8: {  	s9 =	simm.s32 $0x0;
	s30 =	sshrl.u32 s2, $0x3;
	s3 =	simm.s32 $0x1  }
.Ltmp0:
0x9: {  	s5 =	ssub.s32 $0x129A, s2;
	s6 =	simm.s32 $0x3;
	(pc) =	sbr.rel .LBB2_1-.Ltmp0, $4  }
0xa: {  	_ =	strace $0x8000004D;
	s7 =	sadd.s32 s30, s4;
	p1 =	sgt.s32 s5, $0x0  }
0xb: {  	s4 =	sadd.s32 $0x1E600, s4;
	[sflag:s3] =	ssyncpa.u1 $0x0;
	s5 =	simm.s32 @!p1 $0x0  }
0xc: {  	s7 =	sadd.s32 $0x1E200, s7;
	p1 =	sne.s32 s5, $0x0;
	s5 =	simm.s32 $0x1  }
0xd: {  	[sflag:s31] =	ssyncpa.u1 $0x0;
	s5 =	simm.s32 @!p1 $0x0;
	s6 =	simm.s32 @!p1 $0x2  }
.LBB2_5:
0xe: {  	p1 =	slt.u32 s9, $0x2;
	s9 =	sadd.s32 $0x1, s9  }
0xf: {  	p2 =	sne.s32 s9, s6  }
.Ltmp1:
0x10: {  	_ = 	snop;
	(pc) =	sbr.rel @!p2 .LBB2_6-.Ltmp1, $4  }
0x11: {  	s10 =	simm.s32 @!p1 $0x2  }
0x12: {  	_ =	swait.ge @!p1 [sflag:s10], $0x140  }
0x13: {  	[sflag:s10] =	ssyncset.done @!p1 $0x0  }
0x14: {  	[sflag:s10] =	ssyncadd.s32 @!p1 $0xFFFFFEC0;
	s10 =	smov.u32 s2  }
.LBB2_1:
0x15: {  	p1 =	sge.u32 s9, s5  }
0x16: {  	s31 =	sadd.s32 $0xFFFFFFFF, s9;
	s11 =	simm.s32 @!p1 $0x0;
	s12 =	simm.s32 @!p1 $0x140  }
0x17: {  	[tilespmem:s12], [sflag:$0x1] =	stream.linear.gather @!p1 [hbm4b:s7+s11], $0x140, $0x38;
	[tilespmem:$0x500] =	vst v63  }
0x18: {  	p1 =	sge.u32 s31, s5  }
.Ltmp2:
0x19: {  	_ = 	snop;
	(pc) =	sbr.rel @p1 .LBB2_5-.Ltmp2, $1  }
0x1a: {  	_ =	sdelay $0x3  }
0x1b: {  	_ =	swait.ge [sflag:s3], $0x140;
	s11 =	sand.u32 $0x1, s9  }
0x1c: {  	s13 =	simm.s32 $0x140;
	[sflag:s3] =	ssyncset.done $0x0;
	p1 =	seq.s32 s11, $0x1  }
0x1d: {  	[sflag:s3] =	ssyncadd.s32 $0xFFFFFEC0;
	s13 =	simm.s32 @!p1 $0x0  }
0x1e: {  	v0 =	vld [tilespmem:s13+$0x0]  }
0x1f: {  	v1 =	vld [tilespmem:s13+$0x10]  }
0x20: {  	v2 =	vld [tilespmem:s13+$0x20]  }
0x21: {  	v3 =	vld [tilespmem:s13+$0x30]  }
0x22: {  	v4 =	vld [tilespmem:s13+$0x40]  }
0x23: {  	v53 =	vld [tilespmem:s13+$0x50];
	[tilespmem:s13+$0x280] =	vst v0  }
0x24: {  	v54 =	vld [tilespmem:s13+$0x60];
	[tilespmem:s13+$0x290] =	vst v1  }
0x25: {  	v55 =	vld [tilespmem:s13+$0x70];
	[tilespmem:s13+$0x2A0] =	vst v2  }
0x26: {  	v56 =	vld [tilespmem:s13+$0x80];
	[tilespmem:s13+$0x2B0] =	vst v3  }
0x27: {  	v57 =	vld [tilespmem:s13+$0x90];
	[tilespmem:s13+$0x2C0] =	vst v4  }
0x28: {  	v58 =	vld [tilespmem:s13+$0xA0];
	[tilespmem:s13+$0x2D0] =	vst v53  }
0x29: {  	v59 =	vld [tilespmem:s13+$0xB0];
	[tilespmem:s13+$0x2E0] =	vst v54  }
0x2a: {  	v60 =	vld [tilespmem:s13+$0xC0];
	[tilespmem:s13+$0x2F0] =	vst v55  }
0x2b: {  	v61 =	vld [tilespmem:s13+$0xD0];
	[tilespmem:s13+$0x300] =	vst v56  }
0x2c: {  	v62 =	vld [tilespmem:s13+$0xE0];
	[tilespmem:s13+$0x310] =	vst v57  }
0x2d: {  	v63 =	vld [tilespmem:s13+$0xF0];
	[tilespmem:s13+$0x320] =	vst v58  }
0x2e: {  	[tilespmem:s13+$0x330] =	vst v59  }
0x2f: {  	[tilespmem:s13+$0x340] =	vst v60  }
0x30: {  	[tilespmem:s13+$0x350] =	vst v61  }
0x31: {  	s14 =	simm.s32 $0xF0;
	[tilespmem:s13+$0x360] =	vst v62  }
0x32: {  	s11 =	sor.u32 $0x280, s13;
	s12 =	sadd.s32 $0x380, s13;
	[tilespmem:s13+$0x370] =	vst v63;
	s13 =	sadd.s32 $0x100, s13  }
.LBB2_3:
0x33: {  	s14 =	sadd.s32 $0x10, s14  }
0x34: {  	v0 =	vld [tilespmem:s13+$0x0];
	p1 =	slt.u32 s14, $0x130  }
.Ltmp3:
0x35: {  	_ = 	snop;
	(pc) =	sbr.rel @p1 .LBB2_3-.Ltmp3, $2  }
0x36: {  	_ =	sdelay $0x2  }
0x37: {  	s13 =	sadd.s32 $0x10, s13;
	[tilespmem:s12+$0x0] =	vst v0;
	s12 =	sadd.s32 $0x10, s12  }
.Ltmp4:
0x38: {  	(pc) =	sbr.rel .LBB2_5-.Ltmp4, $4  }
0x39: {  	_ = 	snop  }
0x3a: {  	s10 =	sshrl.u32 s10, $0x3  }
0x3b: {  	s10 =	sadd.s32 s4, s10  }
0x3c: {  	[hbm4b:s10+s8] =	stream.linear.scatter [tilespmem:s11], [sflag:$0x2], $0x140, $0x38;
	[tilespmem:$0x500] =	vst v63  }
.LBB2_6:
0x3d: {  	_ =	sfence.sel $0x180000  }
0x3e: {  	s2 =	simm.s32 $0x1;
	[bflag:$0x0] =	sbarrier.arrive $0xFFFF  }
0x3f: {  	s31 =	simm.s32 $0x2;
	[sflag:s2] =	ssyncpa.u1 $0x1  }
0x40: {  	[sflag:s31] =	ssyncpa.u1 $0x1  }
0x41: {  	_ =	strace $0x9000004D  }
0x42: {  	s0 =	sadd.s32 @!p0 $0x100000, s0;
	[bflag:$0x2] =	sbarrier.arrive $0xFFFF  }
0x43: {  	[sflag:s0] =	ssyncadd.tile.s32 @!p0 $0x1;
	s0 =	simm.s32 @!p0 $0x3F  }
0x44: {  	_ =	swait.ge @!p0 [sflag:s0], s1  }
0x45: {  	s1 =	ssub.s32 @!p0 $0x0, s1;
	[sflag:s0] =	ssyncset.done @!p0 $0x0  }
0x46: {  	[sflag:s0] =	ssyncadd.s32 @!p0 s1  }
0x47: {  	[bflag:$0x3] =	sbarrier.arrive $0xFFFF  }
0x48: {  	_ =	shalt  }
.Lfunc_end2:
execute1_lowered:
.L_overlay_start_2:
0x49: {  	(tag) =	ssettag $0x2  }
0x4a: {  	s7 =	rddreg [dreg:$0x0]  }
0x4b: {  	s0 =	rddreg [dreg:$0x1]  }
0x4c: {  	_ =	strace $0x80000050;
	s3 =	stileid.u32;
	s4 =	simm.s32 $0x3E  }
0x4d: {  	s1 =	sadd.s32 $0x1E600, s7;
	p0 =	sne.s32 s3, $0x0;
	[sflag:s4] =	ssyncpa.u1 $0x0  }
0x4e: {  	s30 =	smin.u32 s3, $0x9;
	s2 =	simm.s32 @!p0 $0x1C3E;
	s5 =	simm.s32 @!p0 $0x0  }
0x4f: {  	[spmem:s5], [sflag:s2] =	dma.local @!p0 [hbm:s1], $0x280  }
0x50: {  	s2 =	sadd.s32 s3, s30  }
0x51: {  	p1 =	slt.u32 s3, $0x9;
	s3 =	simm.s32 $0x2EE0;
	s2 =	smul.u32 $0x1770, s2  }
0x52: {  	s3 =	simm.s32 @!p1 $0x1770  }
0x53: {  	s3 =	sadd.s32 s3, s2  }
0x54: {  	s3 =	smin.u32 s3, $0x249F0  }
0x55: {  	s8 =	ssub.s32 s3, s2  }
0x56: {  	p1 =	sgt.s32 s8, $0x0  }
0x57: {  	s8 =	simm.s32 @!p1 $0x0  }
0x58: {  	s5 =	simm.s32 @!p0 $0x3E;
	s31 =	smulhi.u32 $0x57619F1, s8  }
0x59: {  	_ =	swait.ge @!p0 [sflag:s5], $0x280  }
0x5a: {  	s6 =	simm.s32 $0x2;
	[sflag:s5] =	ssyncset.done @!p0 $0x0;
	s9 =	sshrl.u32 s31, $0x7  }
0x5b: {  	s11 =	simm.s32 $0x0;
	[sflag:s5] =	ssyncadd.s32 @!p0 $0xFFFFFD80;
	s10 =	smul.u32 $0x1770, s9  }
.Ltmp5:
0x5c: {  	s5 =	sadd.s32 $0xE00, s7;
	[bflag:$0x0] =	sbarrier.arrive $0xFFFF;
	(pc) =	sbr.rel .LBB3_1-.Ltmp5, $4  }
0x5d: {  	s7 =	sadd.s32 $0x18000, s7;
	[sflag:s4] =	ssyncpa.u1 $0x1;
	s4 =	simm.s32 $0x1  }
0x5e: {  	[sflag:s4] =	ssyncpa.u1 $0x0;
	p1 =	sne.s32 s8, s10;
	s8 =	simm.s32 $0x1  }
0x5f: {  	(ifvalue) =	ssetifvalue $0x1400;
	[sflag:s6] =	ssyncpa.u1 $0x0;
	s8 =	simm.s32 @!p1 $0x0  }
0x60: {  	vm0 =	vmmov $0xffff;
	s10 =	smov.u32 s2;
	s8 =	sadd.s32 s8, s9;
	s9 =	simm.s32 $0x0  }
.LBB3_5:
0x61: {  	p2 =	sne.s32 s11, s8  }
.Ltmp6:
0x62: {  	_ = 	snop;
	(pc) =	sbr.rel @!p2 .LBB3_6-.Ltmp6, $4  }
0x63: {  	_ = 	snop  }
0x64: {  	s12 =	sadd.s32 $0x1770, s10  }
0x65: {  	s10 =	smov.u32 s2;
	s13 =	sadd.s32 $0x1, s11;
	p1 =	slt.s32 s12, s3  }
0x66: {  	s11 =	smov.u32 s13;
	s10 =	smov.u32 @p1 s12  }
.LBB3_1:
0x67: {  	p1 =	sge.u32 s11, s8  }
0x68: {  	s12 =	sxor.u32 @!p1 $0xFFFFFFFF, s11  }
0x69: {  	s12 =	sand.u32 @!p1 $0x1, s12  }
0x6a: {  	s12 =	smul.u32 @!p1 $0x1770, s12  }
0x6b: {  	s13 =	sshrl.u32 @!p1 s10, $0x3  }
0x6c: {  	s16 =	sand.u32 @!p1 $0x7, s10;
	s14 =	sadd.s32 @!p1 s5, s13;
	s15 =	sadd.s32 @!p1 $0x140, s12  }
0x6d: {  	[tilespmem:s15], [sflag:$0x2] =	stream.linear.gather @!p1 [hbm4b:s14+s16], $0x1770, $0x38;
	[tilespmem:$0x5F00] =	vst v63  }
0x6e: {  	s13 =	sadd.s32 @!p1 s7, s13;
	s12 =	sadd.s32 @!p1 $0x3020, s12  }
0x6f: {  	[tilespmem:s12], [sflag:$0x2] =	stream.linear.gather @!p1 [hbm4b:s13+s16], $0x1770, $0x38;
	[tilespmem:$0x5F00] =	vst v63  }
0x70: {  	p1 =	seq.s32 s11, $0x0  }
.Ltmp7:
0x71: {  	_ = 	snop;
	(pc) =	sbr.rel @p1 .LBB3_5-.Ltmp7, $1  }
0x72: {  	_ =	sdelay $0x3  }
0x73: {  	s12 =	sand.u32 $0x1, s11  }
0x74: {  	_ =	swait.ge [sflag:s6], $0x2EE0;
	p1 =	seq.s32 s12, $0x1;
	s12 =	simm.s32 $0x1770  }
0x75: {  	[sflag:s6] =	ssyncset.done $0x0;
	s12 =	simm.s32 @!p1 $0x0  }
0x76: {  	[sflag:s6] =	ssyncadd.s32 $0xFFFFD120;
	s14 =	sadd.s32 $0x140, s12  }
0x77: {  	v0 =	vld.msk [tilespmem:s14+$0x0 ss:$0x1], $0xffff;
	_ =	sdelay $0x4  }
0x78: {  	v0 =	vmin.u32 v0, $0x1400;
	_ =	sdelay $0x3  }
0x79: {  	s13 =	simm.s32 $0x0;
	s12 =	sadd.s32 $0x3020, s12;
	s14 =	sadd.s32 $0x10, s14  }
0x7a: {  	[spmem:s9] =	stream.indirect_vreg.scatter.add.s32 [tilespmem:s12], [sflag:$0x1], $0x1, v0, vm0, $0x4038;
	[tilespmem:$0x5F00] =	vst v63  }
.LBB3_3:
0x7b: {  	v0 =	vld.msk [tilespmem:s14+$0x0 ss:$0x1], $0xffff;
	s13 =	sadd.s32 $0x10, s13  }
0x7c: {  	p1 =	slt.u32 s13, $0x1760;
	_ =	sdelay $0x4  }
0x7d: {  	v0 =	vmin.u32 v0, $0x1400  }
.Ltmp8:
0x7e: {  	(pc) =	sbr.rel @p1 .LBB3_3-.Ltmp8, $3  }
0x7f: {  	_ =	sdelay $0x1  }
0x80: {  	s14 =	sadd.s32 $0x10, s14;
	s12 =	sadd.s32 $0x10, s12  }
0x81: {  	[spmem:s9] =	stream.indirect_vreg.scatter.add.s32 [tilespmem:s12], [sflag:$0x1], $0x1, v0, vm0, $0x4038;
	[tilespmem:$0x5F00] =	vst v63  }
.Ltmp9:
0x82: {  	(pc) =	sbr.rel .LBB3_5-.Ltmp9, $4  }
0x83: {  	_ = 	snop  }
0x84: {  	_ =	swait.ge [sflag:s4], $0x1770  }
0x85: {  	[sflag:s4] =	ssyncset.done $0x0  }
0x86: {  	[sflag:s4] =	ssyncadd.s32 $0xFFFFE890  }
.LBB3_6:
0x87: {  	_ =	sfence.sel $0x180000  }
0x88: {  	s2 =	simm.s32 $0x2;
	[bflag:$0x0] =	sbarrier.arrive $0xFFFF  }
0x89: {  	s30 =	simm.s32 $0x1;
	[sflag:s2] =	ssyncpa.u1 $0x1  }
0x8a: {  	[sflag:s30] =	ssyncpa.u1 $0x1  }
0x8b: {  	_ =	sfence.stream.spmem  }
0x8c: {  	s31 =	simm.s32 $0x3D;
	[bflag:$0x0] =	sbarrier.arrive $0xFFFF  }
0x8d: {  	s2 =	simm.s32 @p0 $0x3D;
	[sflag:s31] =	ssyncpa.u1 $0x0  }
0x8e: {  	[sflag:s2] =	ssyncpa.u1 @p0 $0x1  }
0x8f: {  	[bflag:$0x0] =	sbarrier.arrive @p0 $0xFFFF  }
0x90: {  	_ =	strace @p0 $0x90000050  }
0x91: {  	s3 =	simm.s32 @!p0 $0x1C3D;
	s2 =	simm.s32 @!p0 $0x0;
	[bflag:$0x2] =	sbarrier.arrive @p0 $0xFFFF  }
0x92: {  	[hbm:s1], [sflag:s3] =	dma.local @!p0 [spmem:s2], $0x280  }
0x93: {  	s1 =	simm.s32 @!p0 $0x3D  }
0x94: {  	_ =	swait.ge @!p0 [sflag:s1], $0x280  }
0x95: {  	[sflag:s1] =	ssyncset.done @!p0 $0x0  }
0x96: {  	[sflag:s1] =	ssyncadd.s32 @!p0 $0xFFFFFD80  }
0x97: {  	[sflag:s1] =	ssyncpa.u1 @!p0 $0x1  }
0x98: {  	[bflag:$0x0] =	sbarrier.arrive @!p0 $0xFFFF  }
0x99: {  	_ =	strace @!p0 $0x90000050  }
0x9a: {  	s0 =	sadd.s32 @!p0 $0x100000, s0;
	[bflag:$0x2] =	sbarrier.arrive @!p0 $0xFFFF  }
0x9b: {  	[sflag:s0] =	ssyncadd.tile.s32 @!p0 $0x1;
	_ =	shalt  }
.Lfunc_end3:
_tile_overlayer_lowered:
.L_overlay_start_3:
0x9c: {  	(tag) =	ssettag $0x3  }
0x9d: {  	s0 =	rddreg [dreg:$0x0];
	s2 =	stileid.u32  }
0x9e: {  	s1 =	rddreg [dreg:$0x1];
	p0 =	sne.s32 s2, $0x0  }
0x9f: {  	s3 =	rddreg [dreg:$0x2];
	[bflag:$0x3] =	sbarrier.arrive $0xFFFF;
	s2 =	simm.s32 @!p0 $0x1C01  }
0xa0: {  	[timem:s3], [sflag:s2] =	dma.local @!p0 [hbm:s0], s1  }
0xa1: {  	s0 =	simm.s32 @!p0 $0x1  }
0xa2: {  	_ =	swait.ge @!p0 [sflag:s0], s1  }
0xa3: {  	s1 =	ssub.s32 @!p0 $0x0, s1;
	[sflag:s0] =	ssyncset.done @!p0 $0x0  }
0xa4: {  	[sflag:s0] =	ssyncadd.s32 @!p0 s1  }
0xa5: {  	[bflag:$0x3] =	sbarrier.arrive $0xFFFF  }
0xa6: {  	_ =	shalt  }

</sc_bundles>
